<compile_context>
chip_gen: v7x
topology: tpu7x:2x2x1
jax: 0.10.2.dev20260603
libtpu: 0.0.44.dev20260713+nightly
codegen_flags: <defaults>
</compile_context>

<pallas_src>
import jax
import jax.numpy as jnp
from jax import lax
from jax.experimental import pallas as pl
from jax.experimental.pallas import tpu as pltpu
from jax.experimental.pallas import tpu_sc as plsc

B = 16
MAX_LEN = 2048
TOTAL = 16384
VOCAB = 1000
DIM = 128

NC, NS = 2, 16
NW = NC * NS
RPW = B * MAX_LEN // NW
CHUNK = 128
NCH = RPW // CHUNK
TOKBUF = RPW + 16
ZROW = VOCAB


def _body(tok_hbm, cu_hbm, tab_hbm, emb_hbm, len_hbm,
          tok_v, idx_v, rows0, rows1, zbuf, zidx, cu_v, len_v, tab_sh,
          sem_in0, sem_in1, sem_out, sem_z, sem_t):
    c = lax.axis_index("c")
    s = lax.axis_index("s")
    w = s * NC + c
    b = w // 2
    t0 = (w % 2) * RPW

    iota = lax.iota(jnp.int32, 16)

    zero16 = jnp.zeros((16,), jnp.float32)
    for j in range(8 * DIM // 16):
        zbuf[j // 8, pl.ds((j % 8) * 16, 16)] = zero16

    tabcp = pltpu.make_async_copy(tab_hbm, tab_sh.at[pl.ds(0, VOCAB)], sem_t)

    @pl.when(s == 0)
    def _():
        tabcp.start()

    pltpu.sync_copy(cu_hbm, cu_v.at[pl.ds(0, B + 1)])
    bounds = cu_v[pl.ds(b, 16)]
    start = bounds[0]
    seq_len = bounds[1] - start

    valid = [t0 + ci * CHUNK < seq_len for ci in range(NCH)]

    base = start + t0
    base_al = jnp.minimum((base // 8) * 8, TOTAL - TOKBUF)
    off = base - base_al

    @pl.when(valid[0])
    def _():
        pltpu.sync_copy(tok_hbm.at[pl.ds(base_al, TOKBUF)], tok_v)

    def build_group(g):
        @pl.when(valid[g])
        def _():
            for jj in range(CHUNK // 16):
                j = g * (CHUNK // 16) + jj
                t_vec = iota + (t0 + j * 16)
                in_seg = t_vec < seq_len
                src = jnp.minimum(off + (j * 16) + iota, TOKBUF - 1)
                tok16 = plsc.load_gather(tok_v, [src])
                idx_v[g, pl.ds(jj * 16, 16)] = jnp.where(in_seg, tok16, ZROW)

    build_group(0)

    zrow16 = ZROW + (iota % 8)
    for j in range(CHUNK // 16):
        zidx[pl.ds(j * 16, 16)] = zrow16

    @pl.when(s == 0)
    def _():
        tabcp.wait()
        pltpu.sync_copy(zbuf.at[pl.ds(0, 8)], tab_sh.at[pl.ds(VOCAB, 8)])

    plsc.subcore_barrier()

    rows = (rows0, rows1)
    sems = (sem_in0, sem_in1)
    ins = [
        pltpu.make_async_copy(tab_sh.at[idx_v.at[ci]], rows[ci % 2], sems[ci % 2])
        for ci in range(NCH)
    ]
    outs_r = [
        pltpu.make_async_copy(rows[ci % 2],
                              emb_hbm.at[pl.ds(w * RPW + ci * CHUNK, CHUNK)],
                              sem_out)
        for ci in range(NCH)
    ]
    outs_z = [
        pltpu.make_async_copy(zbuf,
                              emb_hbm.at[pl.ds(w * RPW + ci * CHUNK, CHUNK)],
                              sem_out)
        for ci in range(NCH)
    ]

    @pl.when(valid[0])
    def _():
        ins[0].start()

    zcp = pltpu.make_async_copy(tab_sh.at[zidx], zbuf, sem_z)
    zcp.start()

    for g in range(1, NCH):
        build_group(g)

    for ci in range(NCH):
        first_invalid = (jnp.logical_not(valid[ci]) if ci == 0
                         else jnp.logical_and(valid[ci - 1],
                                              jnp.logical_not(valid[ci])))

        @pl.when(first_invalid)
        def _():
            zcp.wait()

        @pl.when(valid[ci])
        def _(ci=ci):
            ins[ci].wait()
        if ci >= 1:
            outs_r[ci - 1].wait()
        if ci + 1 < NCH:
            @pl.when(valid[ci + 1])
            def _(ci=ci):
                ins[ci + 1].start()

        @pl.when(valid[ci])
        def _(ci=ci):
            outs_r[ci].start()

        @pl.when(jnp.logical_not(valid[ci]))
        def _(ci=ci):
            outs_z[ci].start()

    @pl.when(valid[NCH - 1])
    def _():
        zcp.wait()

    outs_r[NCH - 1].wait()

    @pl.when(w == 0)
    def _():
        lo = plsc.load_gather(cu_v, [iota])
        hi = plsc.load_gather(cu_v, [iota + 1])
        len_v[...] = hi - lo
        pltpu.sync_copy(len_v, len_hbm)


@jax.jit
def kernel(tokens, cu_seqlens, table):
    tokens = tokens.astype(jnp.int32)
    cu = cu_seqlens.astype(jnp.int32)
    tab = table.astype(jnp.float32)

    run = pl.kernel(
        _body,
        out_type=(
            jax.ShapeDtypeStruct((B * MAX_LEN, DIM), jnp.float32),
            jax.ShapeDtypeStruct((B,), jnp.int32),
        ),
        mesh=plsc.VectorSubcoreMesh(core_axis_name="c", subcore_axis_name="s"),
        compiler_params=pltpu.CompilerParams(needs_layout_passes=False),
        scratch_types=(
            pltpu.VMEM((TOKBUF,), jnp.int32),
            pltpu.VMEM((NCH, CHUNK), jnp.int32),
            pltpu.VMEM((CHUNK, DIM), jnp.float32),
            pltpu.VMEM((CHUNK, DIM), jnp.float32),
            pltpu.VMEM((CHUNK, DIM), jnp.float32),
            pltpu.VMEM((CHUNK,), jnp.int32),
            pltpu.VMEM((32,), jnp.int32),
            pltpu.VMEM((B,), jnp.int32),
            pltpu.VMEM_SHARED((VOCAB + 8, DIM), jnp.float32),
            pltpu.SemaphoreType.DMA,
            pltpu.SemaphoreType.DMA,
            pltpu.SemaphoreType.DMA,
            pltpu.SemaphoreType.DMA,
            pltpu.SemaphoreType.DMA,
        ),
    )
    emb_flat, lengths = run(tokens, cu, tab)
    return emb_flat.reshape(B, MAX_LEN, DIM), lengths

# --- scband reference (transcript-rebuilt; emitter-appended) ---
"""Pipeline reference for scband-embedding-net-60138132078754 (READ-ONLY COPY).

The authoritative reference and input builder live on the scoring server;
editing this copy changes nothing except your own understanding.
"""

import jax, jax.numpy as jnp
import numpy as np

B = 16
MAX_LEN = 2048
TOTAL = 16384
VOCAB = 1000
DIM = 128


def setup_inputs(seed: int = 0) -> dict:
    key = jax.random.key(seed)
    k1, k2, k3 = jax.random.split(key, 3)
    tokens = jax.random.randint(k1, (TOTAL,), 0, VOCAB)
    inner = jnp.sort(jax.random.randint(k2, (B - 1,), 0, TOTAL)).astype(jnp.int32)
    cu_seqlens = jnp.concatenate([
        jnp.zeros((1,), jnp.int32), inner, jnp.full((1,), TOTAL, jnp.int32)
    ])
    table = jax.random.normal(k3, (VOCAB, DIM), dtype=jnp.float32) * 0.02
    return {"tokens": tokens, "cu_seqlens": cu_seqlens, "table": table}


def reference(tokens, cu_seqlens, table):
    # Ragged-to-padded (pad_sequence equivalent) followed by char-embedding lookup.
    total = tokens.shape[0]
    lengths = cu_seqlens[1:] - cu_seqlens[:-1]
    ar = jnp.arange(total)
    seg = jnp.searchsorted(cu_seqlens, ar, side='right') - 1
    pos = ar - cu_seqlens[seg]
    # scatter-overwrite flat tokens into padded [B, MAX_LEN] layout; overflow dropped
    padded = jnp.zeros((B, MAX_LEN), dtype=tokens.dtype).at[seg, pos].set(tokens, mode='drop')
    # embedding gather (self.embeddings)
    emb = jnp.take(table, padded, axis=0)
    len_c = jnp.minimum(lengths, MAX_LEN)
    mask = (jnp.arange(MAX_LEN)[None, :] < len_c[:, None]).astype(emb.dtype)
    emb = emb * mask[:, :, None]
    return (emb, lengths)

if __name__ == "__main__":
    import jax
    _d = setup_inputs()
    print(jax.jit(kernel)(*tuple(_d.values())))

</pallas_src>

<mosaic_0001>
#map = affine_map<(d0, d1) -> (0)>
#map1 = affine_map<(d0, d1) -> (0, 0)>
module attributes {stable_mosaic.version = 14 : i64} {
  func.func @_body(%arg0: i32, %arg1: i32, %arg2: memref<16384xi32, #tpu.memory_space<hbm>>, %arg3: memref<17xi32, #tpu.memory_space<hbm>>, %arg4: memref<1000x128xf32, #tpu.memory_space<hbm>>, %arg5: memref<32768x128xf32, #tpu.memory_space<hbm>>, %arg6: memref<16xi32, #tpu.memory_space<hbm>>, %arg7: memref<1040xi32, #tpu.memory_space<vmem>>, %arg8: memref<8x128xi32, #tpu.memory_space<vmem>>, %arg9: memref<128x128xf32, #tpu.memory_space<vmem>>, %arg10: memref<128x128xf32, #tpu.memory_space<vmem>>, %arg11: memref<128x128xf32, #tpu.memory_space<vmem>>, %arg12: memref<128xi32, #tpu.memory_space<vmem>>, %arg13: memref<32xi32, #tpu.memory_space<vmem>>, %arg14: memref<16xi32, #tpu.memory_space<vmem>>, %arg15: memref<1008x128xf32, #tpu.memory_space<vmem_shared>>, %arg16: memref<!tpu.dma_semaphore, #tpu.memory_space<semaphore_mem>>, %arg17: memref<!tpu.dma_semaphore, #tpu.memory_space<semaphore_mem>>, %arg18: memref<!tpu.dma_semaphore, #tpu.memory_space<semaphore_mem>>, %arg19: memref<!tpu.dma_semaphore, #tpu.memory_space<semaphore_mem>>, %arg20: memref<!tpu.dma_semaphore, #tpu.memory_space<semaphore_mem>>) attributes {dimension_semantics = [#tpu.dimension_semantics<core_parallel>, #tpu.dimension_semantics<subcore_parallel>], iteration_bounds = array<i64: 2, 16>, scalar_prefetch = 0 : i64, scratch_operands = 14 : i64, tpu.core_type = #tpu.core_type<sc_vector_subcore>, window_params = [{transform_indices = #map}, {transform_indices = #map}, {transform_indices = #map1}, {transform_indices = #map1}, {transform_indices = #map}]} {
    %mul3A = arith.constant 2 : i32
    %mul3A_0 = arith.muli %arg1, %mul3A : i32
    %add3A = arith.addi %mul3A_0, %arg0 : i32
    %jit3A = arith.constant 2 : i32
    %div3A = arith.divsi %add3A, %jit3A : i32
    %sign3A = arith.constant 0 : i32
    %sign3A_1 = arith.cmpi sgt, %add3A, %sign3A : i32
    %sign3A_2 = arith.extui %sign3A_1 : i1 to i32
    %sign3A_3 = arith.constant 0 : i32
    %sign3A_4 = arith.cmpi slt, %add3A, %sign3A_3 : i32
    %sign3A_5 = arith.extui %sign3A_4 : i1 to i32
    %sign3A_6 = arith.subi %sign3A_2, %sign3A_5 : i32
    %sign3A_7 = arith.constant 0 : i32
    %sign3A_8 = arith.cmpi sgt, %jit3A, %sign3A_7 : i32
    %sign3A_9 = arith.extui %sign3A_8 : i1 to i32
    %sign3A_10 = arith.constant 0 : i32
    %sign3A_11 = arith.cmpi slt, %jit3A, %sign3A_10 : i32
    %sign3A_12 = arith.extui %sign3A_11 : i1 to i32
    %sign3A_13 = arith.subi %sign3A_9, %sign3A_12 : i32
    %ne3A = arith.cmpi ne, %sign3A_6, %sign3A_13 : i32
    %rem3A = arith.remsi %add3A, %jit3A : i32
    %ne3A_14 = arith.constant 0 : i32
    %ne3A_15 = arith.cmpi ne, %rem3A, %ne3A_14 : i32
    %and3A = arith.andi %ne3A, %ne3A_15 : i1
    %sub3A = arith.constant 1 : i32
    %sub3A_16 = arith.subi %div3A, %sub3A : i32
    %select_n3A = arith.select %and3A, %sub3A_16, %div3A : i32
    %jit3A_17 = arith.constant 2 : i32
    %eq3A = arith.constant 0 : i32
    %eq3A_18 = arith.cmpi eq, %jit3A_17, %eq3A : i32
    %jit3A_19 = arith.constant 1 : i32
    %select_n3A_20 = arith.select %eq3A_18, %jit3A_19, %jit3A_17 : i32
    %rem3A_21 = arith.remsi %add3A, %select_n3A_20 : i32
    %ne3A_22 = arith.constant 0 : i32
    %ne3A_23 = arith.cmpi ne, %rem3A_21, %ne3A_22 : i32
    %lt3A = arith.constant 0 : i32
    %lt3A_24 = arith.cmpi slt, %rem3A_21, %lt3A : i32
    %lt3A_25 = arith.constant 0 : i32
    %lt3A_26 = arith.cmpi slt, %select_n3A_20, %lt3A_25 : i32
    %ne3A_27 = arith.xori %lt3A_24, %lt3A_26 : i1
    %and3A_28 = arith.andi %ne3A_27, %ne3A_23 : i1
    %add3A_29 = arith.addi %rem3A_21, %select_n3A_20 : i32
    %select_n3A_30 = arith.select %and3A_28, %add3A_29, %rem3A_21 : i32
    %mul3A_31 = arith.constant 1024 : i32
    %mul3A_32 = arith.muli %select_n3A_30, %mul3A_31 : i32
    %iota3A = tpu.iota {dimensions = array<i32: 0>} : vector<16xi32>
    %broadcast_in_dim3A = arith.constant 0.000000e+00 : f32
    %broadcast_in_dim3A_33 = vector.broadcast %broadcast_in_dim3A : f32 to vector<16xf32>
    %swap3A = arith.constant 0 : i32
    %swap3A_34 = arith.index_cast %swap3A : i32 to index
    %swap3A_35 = arith.constant 0 : index
    %swap3A_36 = tpu.vector_load %arg11[%swap3A_34, %swap3A_35] {strides = array<i32>} : memref<128x128xf32, #tpu.memory_space<vmem>>, vector<16xf32>,
    tpu.vector_store %arg11[%swap3A_34, %swap3A_35], %broadcast_in_dim3A_33 {strides = array<i32>} : memref<128x128xf32, #tpu.memory_space<vmem>>, vector<16xf32>,
    %swap3A_37 = arith.constant 0 : i32
    %swap3A_38 = arith.index_cast %swap3A_37 : i32 to index
    %swap3A_39 = arith.constant 16 : index
    %swap3A_40 = tpu.vector_load %arg11[%swap3A_38, %swap3A_39] {strides = array<i32>} : memref<128x128xf32, #tpu.memory_space<vmem>>, vector<16xf32>,
    tpu.vector_store %arg11[%swap3A_38, %swap3A_39], %broadcast_in_dim3A_33 {strides = array<i32>} : memref<128x128xf32, #tpu.memory_space<vmem>>, vector<16xf32>,
    %swap3A_41 = arith.constant 0 : i32
    %swap3A_42 = arith.index_cast %swap3A_41 : i32 to index
    %swap3A_43 = arith.constant 32 : index
    %swap3A_44 = tpu.vector_load %arg11[%swap3A_42, %swap3A_43] {strides = array<i32>} : memref<128x128xf32, #tpu.memory_space<vmem>>, vector<16xf32>,
    tpu.vector_store %arg11[%swap3A_42, %swap3A_43], %broadcast_in_dim3A_33 {strides = array<i32>} : memref<128x128xf32, #tpu.memory_space<vmem>>, vector<16xf32>,
    %swap3A_45 = arith.constant 0 : i32
    %swap3A_46 = arith.index_cast %swap3A_45 : i32 to index
    %swap3A_47 = arith.constant 48 : index
    %swap3A_48 = tpu.vector_load %arg11[%swap3A_46, %swap3A_47] {strides = array<i32>} : memref<128x128xf32, #tpu.memory_space<vmem>>, vector<16xf32>,
    tpu.vector_store %arg11[%swap3A_46, %swap3A_47], %broadcast_in_dim3A_33 {strides = array<i32>} : memref<128x128xf32, #tpu.memory_space<vmem>>, vector<16xf32>,
    %swap3A_49 = arith.constant 0 : i32
    %swap3A_50 = arith.index_cast %swap3A_49 : i32 to index
    %swap3A_51 = arith.constant 64 : index
    %swap3A_52 = tpu.vector_load %arg11[%swap3A_50, %swap3A_51] {strides = array<i32>} : memref<128x128xf32, #tpu.memory_space<vmem>>, vector<16xf32>,
    tpu.vector_store %arg11[%swap3A_50, %swap3A_51], %broadcast_in_dim3A_33 {strides = array<i32>} : memref<128x128xf32, #tpu.memory_space<vmem>>, vector<16xf32>,
    %swap3A_53 = arith.constant 0 : i32
    %swap3A_54 = arith.index_cast %swap3A_53 : i32 to index
    %swap3A_55 = arith.constant 80 : index
    %swap3A_56 = tpu.vector_load %arg11[%swap3A_54, %swap3A_55] {strides = array<i32>} : memref<128x128xf32, #tpu.memory_space<vmem>>, vector<16xf32>,
    tpu.vector_store %arg11[%swap3A_54, %swap3A_55], %broadcast_in_dim3A_33 {strides = array<i32>} : memref<128x128xf32, #tpu.memory_space<vmem>>, vector<16xf32>,
    %swap3A_57 = arith.constant 0 : i32
    %swap3A_58 = arith.index_cast %swap3A_57 : i32 to index
    %swap3A_59 = arith.constant 96 : index
    %swap3A_60 = tpu.vector_load %arg11[%swap3A_58, %swap3A_59] {strides = array<i32>} : memref<128x128xf32, #tpu.memory_space<vmem>>, vector<16xf32>,
    tpu.vector_store %arg11[%swap3A_58, %swap3A_59], %broadcast_in_dim3A_33 {strides = array<i32>} : memref<128x128xf32, #tpu.memory_space<vmem>>, vector<16xf32>,
    %swap3A_61 = arith.constant 0 : i32
    %swap3A_62 = arith.index_cast %swap3A_61 : i32 to index
    %swap3A_63 = arith.constant 112 : index
    %swap3A_64 = tpu.vector_load %arg11[%swap3A_62, %swap3A_63] {strides = array<i32>} : memref<128x128xf32, #tpu.memory_space<vmem>>, vector<16xf32>,
    tpu.vector_store %arg11[%swap3A_62, %swap3A_63], %broadcast_in_dim3A_33 {strides = array<i32>} : memref<128x128xf32, #tpu.memory_space<vmem>>, vector<16xf32>,
    %swap3A_65 = arith.constant 1 : i32
    %swap3A_66 = arith.index_cast %swap3A_65 : i32 to index
    %swap3A_67 = arith.constant 0 : index
    %swap3A_68 = tpu.vector_load %arg11[%swap3A_66, %swap3A_67] {strides = array<i32>} : memref<128x128xf32, #tpu.memory_space<vmem>>, vector<16xf32>,
    tpu.vector_store %arg11[%swap3A_66, %swap3A_67], %broadcast_in_dim3A_33 {strides = array<i32>} : memref<128x128xf32, #tpu.memory_space<vmem>>, vector<16xf32>,
    %swap3A_69 = arith.constant 1 : i32
    %swap3A_70 = arith.index_cast %swap3A_69 : i32 to index
    %swap3A_71 = arith.constant 16 : index
    %swap3A_72 = tpu.vector_load %arg11[%swap3A_70, %swap3A_71] {strides = array<i32>} : memref<128x128xf32, #tpu.memory_space<vmem>>, vector<16xf32>,
    tpu.vector_store %arg11[%swap3A_70, %swap3A_71], %broadcast_in_dim3A_33 {strides = array<i32>} : memref<128x128xf32, #tpu.memory_space<vmem>>, vector<16xf32>,
    %swap3A_73 = arith.constant 1 : i32
    %swap3A_74 = arith.index_cast %swap3A_73 : i32 to index
    %swap3A_75 = arith.constant 32 : index
    %swap3A_76 = tpu.vector_load %arg11[%swap3A_74, %swap3A_75] {strides = array<i32>} : memref<128x128xf32, #tpu.memory_space<vmem>>, vector<16xf32>,
    tpu.vector_store %arg11[%swap3A_74, %swap3A_75], %broadcast_in_dim3A_33 {strides = array<i32>} : memref<128x128xf32, #tpu.memory_space<vmem>>, vector<16xf32>,
    %swap3A_77 = arith.constant 1 : i32
    %swap3A_78 = arith.index_cast %swap3A_77 : i32 to index
    %swap3A_79 = arith.constant 48 : index
    %swap3A_80 = tpu.vector_load %arg11[%swap3A_78, %swap3A_79] {strides = array<i32>} : memref<128x128xf32, #tpu.memory_space<vmem>>, vector<16xf32>,
    tpu.vector_store %arg11[%swap3A_78, %swap3A_79], %broadcast_in_dim3A_33 {strides = array<i32>} : memref<128x128xf32, #tpu.memory_space<vmem>>, vector<16xf32>,
    %swap3A_81 = arith.constant 1 : i32
    %swap3A_82 = arith.index_cast %swap3A_81 : i32 to index
    %swap3A_83 = arith.constant 64 : index
    %swap3A_84 = tpu.vector_load %arg11[%swap3A_82, %swap3A_83] {strides = array<i32>} : memref<128x128xf32, #tpu.memory_space<vmem>>, vector<16xf32>,
    tpu.vector_store %arg11[%swap3A_82, %swap3A_83], %broadcast_in_dim3A_33 {strides = array<i32>} : memref<128x128xf32, #tpu.memory_space<vmem>>, vector<16xf32>,
    %swap3A_85 = arith.constant 1 : i32
    %swap3A_86 = arith.index_cast %swap3A_85 : i32 to index
    %swap3A_87 = arith.constant 80 : index
    %swap3A_88 = tpu.vector_load %arg11[%swap3A_86, %swap3A_87] {strides = array<i32>} : memref<128x128xf32, #tpu.memory_space<vmem>>, vector<16xf32>,
    tpu.vector_store %arg11[%swap3A_86, %swap3A_87], %broadcast_in_dim3A_33 {strides = array<i32>} : memref<128x128xf32, #tpu.memory_space<vmem>>, vector<16xf32>,
    %swap3A_89 = arith.constant 1 : i32
    %swap3A_90 = arith.index_cast %swap3A_89 : i32 to index
    %swap3A_91 = arith.constant 96 : index
    %swap3A_92 = tpu.vector_load %arg11[%swap3A_90, %swap3A_91] {strides = array<i32>} : memref<128x128xf32, #tpu.memory_space<vmem>>, vector<16xf32>,
    tpu.vector_store %arg11[%swap3A_90, %swap3A_91], %broadcast_in_dim3A_33 {strides = array<i32>} : memref<128x128xf32, #tpu.memory_space<vmem>>, vector<16xf32>,
    %swap3A_93 = arith.constant 1 : i32
    %swap3A_94 = arith.index_cast %swap3A_93 : i32 to index
    %swap3A_95 = arith.constant 112 : index
    %swap3A_96 = tpu.vector_load %arg11[%swap3A_94, %swap3A_95] {strides = array<i32>} : memref<128x128xf32, #tpu.memory_space<vmem>>, vector<16xf32>,
    tpu.vector_store %arg11[%swap3A_94, %swap3A_95], %broadcast_in_dim3A_33 {strides = array<i32>} : memref<128x128xf32, #tpu.memory_space<vmem>>, vector<16xf32>,
    %swap3A_97 = arith.constant 2 : i32
    %swap3A_98 = arith.index_cast %swap3A_97 : i32 to index
    %swap3A_99 = arith.constant 0 : index
    %swap3A_100 = tpu.vector_load %arg11[%swap3A_98, %swap3A_99] {strides = array<i32>} : memref<128x128xf32, #tpu.memory_space<vmem>>, vector<16xf32>,
    tpu.vector_store %arg11[%swap3A_98, %swap3A_99], %broadcast_in_dim3A_33 {strides = array<i32>} : memref<128x128xf32, #tpu.memory_space<vmem>>, vector<16xf32>,
    %swap3A_101 = arith.constant 2 : i32
    %swap3A_102 = arith.index_cast %swap3A_101 : i32 to index
    %swap3A_103 = arith.constant 16 : index
    %swap3A_104 = tpu.vector_load %arg11[%swap3A_102, %swap3A_103] {strides = array<i32>} : memref<128x128xf32, #tpu.memory_space<vmem>>, vector<16xf32>,
    tpu.vector_store %arg11[%swap3A_102, %swap3A_103], %broadcast_in_dim3A_33 {strides = array<i32>} : memref<128x128xf32, #tpu.memory_space<vmem>>, vector<16xf32>,
    %swap3A_105 = arith.constant 2 : i32
    %swap3A_106 = arith.index_cast %swap3A_105 : i32 to index
    %swap3A_107 = arith.constant 32 : index
    %swap3A_108 = tpu.vector_load %arg11[%swap3A_106, %swap3A_107] {strides = array<i32>} : memref<128x128xf32, #tpu.memory_space<vmem>>, vector<16xf32>,
    tpu.vector_store %arg11[%swap3A_106, %swap3A_107], %broadcast_in_dim3A_33 {strides = array<i32>} : memref<128x128xf32, #tpu.memory_space<vmem>>, vector<16xf32>,
    %swap3A_109 = arith.constant 2 : i32
    %swap3A_110 = arith.index_cast %swap3A_109 : i32 to index
    %swap3A_111 = arith.constant 48 : index
    %swap3A_112 = tpu.vector_load %arg11[%swap3A_110, %swap3A_111] {strides = array<i32>} : memref<128x128xf32, #tpu.memory_space<vmem>>, vector<16xf32>,
    tpu.vector_store %arg11[%swap3A_110, %swap3A_111], %broadcast_in_dim3A_33 {strides = array<i32>} : memref<128x128xf32, #tpu.memory_space<vmem>>, vector<16xf32>,
    %swap3A_113 = arith.constant 2 : i32
    %swap3A_114 = arith.index_cast %swap3A_113 : i32 to index
    %swap3A_115 = arith.constant 64 : index
    %swap3A_116 = tpu.vector_load %arg11[%swap3A_114, %swap3A_115] {strides = array<i32>} : memref<128x128xf32, #tpu.memory_space<vmem>>, vector<16xf32>,
    tpu.vector_store %arg11[%swap3A_114, %swap3A_115], %broadcast_in_dim3A_33 {strides = array<i32>} : memref<128x128xf32, #tpu.memory_space<vmem>>, vector<16xf32>,
    %swap3A_117 = arith.constant 2 : i32
    %swap3A_118 = arith.index_cast %swap3A_117 : i32 to index
    %swap3A_119 = arith.constant 80 : index
    %swap3A_120 = tpu.vector_load %arg11[%swap3A_118, %swap3A_119] {strides = array<i32>} : memref<128x128xf32, #tpu.memory_space<vmem>>, vector<16xf32>,
    tpu.vector_store %arg11[%swap3A_118, %swap3A_119], %broadcast_in_dim3A_33 {strides = array<i32>} : memref<128x128xf32, #tpu.memory_space<vmem>>, vector<16xf32>,
    %swap3A_121 = arith.constant 2 : i32
    %swap3A_122 = arith.index_cast %swap3A_121 : i32 to index
    %swap3A_123 = arith.constant 96 : index
    %swap3A_124 = tpu.vector_load %arg11[%swap3A_122, %swap3A_123] {strides = array<i32>} : memref<128x128xf32, #tpu.memory_space<vmem>>, vector<16xf32>,
    tpu.vector_store %arg11[%swap3A_122, %swap3A_123], %broadcast_in_dim3A_33 {strides = array<i32>} : memref<128x128xf32, #tpu.memory_space<vmem>>, vector<16xf32>,
    %swap3A_125 = arith.constant 2 : i32
    %swap3A_126 = arith.index_cast %swap3A_125 : i32 to index
    %swap3A_127 = arith.constant 112 : index
    %swap3A_128 = tpu.vector_load %arg11[%swap3A_126, %swap3A_127] {strides = array<i32>} : memref<128x128xf32, #tpu.memory_space<vmem>>, vector<16xf32>,
    tpu.vector_store %arg11[%swap3A_126, %swap3A_127], %broadcast_in_dim3A_33 {strides = array<i32>} : memref<128x128xf32, #tpu.memory_space<vmem>>, vector<16xf32>,
    %swap3A_129 = arith.constant 3 : i32
    %swap3A_130 = arith.index_cast %swap3A_129 : i32 to index
    %swap3A_131 = arith.constant 0 : index
    %swap3A_132 = tpu.vector_load %arg11[%swap3A_130, %swap3A_131] {strides = array<i32>} : memref<128x128xf32, #tpu.memory_space<vmem>>, vector<16xf32>,
    tpu.vector_store %arg11[%swap3A_130, %swap3A_131], %broadcast_in_dim3A_33 {strides = array<i32>} : memref<128x128xf32, #tpu.memory_space<vmem>>, vector<16xf32>,
    %swap3A_133 = arith.constant 3 : i32
    %swap3A_134 = arith.index_cast %swap3A_133 : i32 to index
    %swap3A_135 = arith.constant 16 : index
    %swap3A_136 = tpu.vector_load %arg11[%swap3A_134, %swap3A_135] {strides = array<i32>} : memref<128x128xf32, #tpu.memory_space<vmem>>, vector<16xf32>,
    tpu.vector_store %arg11[%swap3A_134, %swap3A_135], %broadcast_in_dim3A_33 {strides = array<i32>} : memref<128x128xf32, #tpu.memory_space<vmem>>, vector<16xf32>,
    %swap3A_137 = arith.constant 3 : i32
    %swap3A_138 = arith.index_cast %swap3A_137 : i32 to index
    %swap3A_139 = arith.constant 32 : index
    %swap3A_140 = tpu.vector_load %arg11[%swap3A_138, %swap3A_139] {strides = array<i32>} : memref<128x128xf32, #tpu.memory_space<vmem>>, vector<16xf32>,
    tpu.vector_store %arg11[%swap3A_138, %swap3A_139], %broadcast_in_dim3A_33 {strides = array<i32>} : memref<128x128xf32, #tpu.memory_space<vmem>>, vector<16xf32>,
    %swap3A_141 = arith.constant 3 : i32
    %swap3A_142 = arith.index_cast %swap3A_141 : i32 to index
    %swap3A_143 = arith.constant 48 : index
    %swap3A_144 = tpu.vector_load %arg11[%swap3A_142, %swap3A_143] {strides = array<i32>} : memref<128x128xf32, #tpu.memory_space<vmem>>, vector<16xf32>,
    tpu.vector_store %arg11[%swap3A_142, %swap3A_143], %broadcast_in_dim3A_33 {strides = array<i32>} : memref<128x128xf32, #tpu.memory_space<vmem>>, vector<16xf32>,
    %swap3A_145 = arith.constant 3 : i32
    %swap3A_146 = arith.index_cast %swap3A_145 : i32 to index
    %swap3A_147 = arith.constant 64 : index
    %swap3A_148 = tpu.vector_load %arg11[%swap3A_146, %swap3A_147] {strides = array<i32>} : memref<128x128xf32, #tpu.memory_space<vmem>>, vector<16xf32>,
    tpu.vector_store %arg11[%swap3A_146, %swap3A_147], %broadcast_in_dim3A_33 {strides = array<i32>} : memref<128x128xf32, #tpu.memory_space<vmem>>, vector<16xf32>,
    %swap3A_149 = arith.constant 3 : i32
    %swap3A_150 = arith.index_cast %swap3A_149 : i32 to index
    %swap3A_151 = arith.constant 80 : index
    %swap3A_152 = tpu.vector_load %arg11[%swap3A_150, %swap3A_151] {strides = array<i32>} : memref<128x128xf32, #tpu.memory_space<vmem>>, vector<16xf32>,
    tpu.vector_store %arg11[%swap3A_150, %swap3A_151], %broadcast_in_dim3A_33 {strides = array<i32>} : memref<128x128xf32, #tpu.memory_space<vmem>>, vector<16xf32>,
    %swap3A_153 = arith.constant 3 : i32
    %swap3A_154 = arith.index_cast %swap3A_153 : i32 to index
    %swap3A_155 = arith.constant 96 : index
    %swap3A_156 = tpu.vector_load %arg11[%swap3A_154, %swap3A_155] {strides = array<i32>} : memref<128x128xf32, #tpu.memory_space<vmem>>, vector<16xf32>,
    tpu.vector_store %arg11[%swap3A_154, %swap3A_155], %broadcast_in_dim3A_33 {strides = array<i32>} : memref<128x128xf32, #tpu.memory_space<vmem>>, vector<16xf32>,
    %swap3A_157 = arith.constant 3 : i32
    %swap3A_158 = arith.index_cast %swap3A_157 : i32 to index
    %swap3A_159 = arith.constant 112 : index
    %swap3A_160 = tpu.vector_load %arg11[%swap3A_158, %swap3A_159] {strides = array<i32>} : memref<128x128xf32, #tpu.memory_space<vmem>>, vector<16xf32>,
    tpu.vector_store %arg11[%swap3A_158, %swap3A_159], %broadcast_in_dim3A_33 {strides = array<i32>} : memref<128x128xf32, #tpu.memory_space<vmem>>, vector<16xf32>,
    %swap3A_161 = arith.constant 4 : i32
    %swap3A_162 = arith.index_cast %swap3A_161 : i32 to index
    %swap3A_163 = arith.constant 0 : index
    %swap3A_164 = tpu.vector_load %arg11[%swap3A_162, %swap3A_163] {strides = array<i32>} : memref<128x128xf32, #tpu.memory_space<vmem>>, vector<16xf32>,
    tpu.vector_store %arg11[%swap3A_162, %swap3A_163], %broadcast_in_dim3A_33 {strides = array<i32>} : memref<128x128xf32, #tpu.memory_space<vmem>>, vector<16xf32>,
    %swap3A_165 = arith.constant 4 : i32
    %swap3A_166 = arith.index_cast %swap3A_165 : i32 to index
    %swap3A_167 = arith.constant 16 : index
    %swap3A_168 = tpu.vector_load %arg11[%swap3A_166, %swap3A_167] {strides = array<i32>} : memref<128x128xf32, #tpu.memory_space<vmem>>, vector<16xf32>,
    tpu.vector_store %arg11[%swap3A_166, %swap3A_167], %broadcast_in_dim3A_33 {strides = array<i32>} : memref<128x128xf32, #tpu.memory_space<vmem>>, vector<16xf32>,
    %swap3A_169 = arith.constant 4 : i32
    %swap3A_170 = arith.index_cast %swap3A_169 : i32 to index
    %swap3A_171 = arith.constant 32 : index
    %swap3A_172 = tpu.vector_load %arg11[%swap3A_170, %swap3A_171] {strides = array<i32>} : memref<128x128xf32, #tpu.memory_space<vmem>>, vector<16xf32>,
    tpu.vector_store %arg11[%swap3A_170, %swap3A_171], %broadcast_in_dim3A_33 {strides = array<i32>} : memref<128x128xf32, #tpu.memory_space<vmem>>, vector<16xf32>,
    %swap3A_173 = arith.constant 4 : i32
    %swap3A_174 = arith.index_cast %swap3A_173 : i32 to index
    %swap3A_175 = arith.constant 48 : index
    %swap3A_176 = tpu.vector_load %arg11[%swap3A_174, %swap3A_175] {strides = array<i32>} : memref<128x128xf32, #tpu.memory_space<vmem>>, vector<16xf32>,
    tpu.vector_store %arg11[%swap3A_174, %swap3A_175], %broadcast_in_dim3A_33 {strides = array<i32>} : memref<128x128xf32, #tpu.memory_space<vmem>>, vector<16xf32>,
    %swap3A_177 = arith.constant 4 : i32
    %swap3A_178 = arith.index_cast %swap3A_177 : i32 to index
    %swap3A_179 = arith.constant 64 : index
    %swap3A_180 = tpu.vector_load %arg11[%swap3A_178, %swap3A_179] {strides = array<i32>} : memref<128x128xf32, #tpu.memory_space<vmem>>, vector<16xf32>,
    tpu.vector_store %arg11[%swap3A_178, %swap3A_179], %broadcast_in_dim3A_33 {strides = array<i32>} : memref<128x128xf32, #tpu.memory_space<vmem>>, vector<16xf32>,
    %swap3A_181 = arith.constant 4 : i32
    %swap3A_182 = arith.index_cast %swap3A_181 : i32 to index
    %swap3A_183 = arith.constant 80 : index
    %swap3A_184 = tpu.vector_load %arg11[%swap3A_182, %swap3A_183] {strides = array<i32>} : memref<128x128xf32, #tpu.memory_space<vmem>>, vector<16xf32>,
    tpu.vector_store %arg11[%swap3A_182, %swap3A_183], %broadcast_in_dim3A_33 {strides = array<i32>} : memref<128x128xf32, #tpu.memory_space<vmem>>, vector<16xf32>,
    %swap3A_185 = arith.constant 4 : i32
    %swap3A_186 = arith.index_cast %swap3A_185 : i32 to index
    %swap3A_187 = arith.constant 96 : index
    %swap3A_188 = tpu.vector_load %arg11[%swap3A_186, %swap3A_187] {strides = array<i32>} : memref<128x128xf32, #tpu.memory_space<vmem>>, vector<16xf32>,
    tpu.vector_store %arg11[%swap3A_186, %swap3A_187], %broadcast_in_dim3A_33 {strides = array<i32>} : memref<128x128xf32, #tpu.memory_space<vmem>>, vector<16xf32>,
    %swap3A_189 = arith.constant 4 : i32
    %swap3A_190 = arith.index_cast %swap3A_189 : i32 to index
    %swap3A_191 = arith.constant 112 : index
    %swap3A_192 = tpu.vector_load %arg11[%swap3A_190, %swap3A_191] {strides = array<i32>} : memref<128x128xf32, #tpu.memory_space<vmem>>, vector<16xf32>,
    tpu.vector_store %arg11[%swap3A_190, %swap3A_191], %broadcast_in_dim3A_33 {strides = array<i32>} : memref<128x128xf32, #tpu.memory_space<vmem>>, vector<16xf32>,
    %swap3A_193 = arith.constant 5 : i32
    %swap3A_194 = arith.index_cast %swap3A_193 : i32 to index
    %swap3A_195 = arith.constant 0 : index
    %swap3A_196 = tpu.vector_load %arg11[%swap3A_194, %swap3A_195] {strides = array<i32>} : memref<128x128xf32, #tpu.memory_space<vmem>>, vector<16xf32>,
    tpu.vector_store %arg11[%swap3A_194, %swap3A_195], %broadcast_in_dim3A_33 {strides = array<i32>} : memref<128x128xf32, #tpu.memory_space<vmem>>, vector<16xf32>,
    %swap3A_197 = arith.constant 5 : i32
    %swap3A_198 = arith.index_cast %swap3A_197 : i32 to index
    %swap3A_199 = arith.constant 16 : index
    %swap3A_200 = tpu.vector_load %arg11[%swap3A_198, %swap3A_199] {strides = array<i32>} : memref<128x128xf32, #tpu.memory_space<vmem>>, vector<16xf32>,
    tpu.vector_store %arg11[%swap3A_198, %swap3A_199], %broadcast_in_dim3A_33 {strides = array<i32>} : memref<128x128xf32, #tpu.memory_space<vmem>>, vector<16xf32>,
    %swap3A_201 = arith.constant 5 : i32
    %swap3A_202 = arith.index_cast %swap3A_201 : i32 to index
    %swap3A_203 = arith.constant 32 : index
    %swap3A_204 = tpu.vector_load %arg11[%swap3A_202, %swap3A_203] {strides = array<i32>} : memref<128x128xf32, #tpu.memory_space<vmem>>, vector<16xf32>,
    tpu.vector_store %arg11[%swap3A_202, %swap3A_203], %broadcast_in_dim3A_33 {strides = array<i32>} : memref<128x128xf32, #tpu.memory_space<vmem>>, vector<16xf32>,
    %swap3A_205 = arith.constant 5 : i32
    %swap3A_206 = arith.index_cast %swap3A_205 : i32 to index
    %swap3A_207 = arith.constant 48 : index
    %swap3A_208 = tpu.vector_load %arg11[%swap3A_206, %swap3A_207] {strides = array<i32>} : memref<128x128xf32, #tpu.memory_space<vmem>>, vector<16xf32>,
    tpu.vector_store %arg11[%swap3A_206, %swap3A_207], %broadcast_in_dim3A_33 {strides = array<i32>} : memref<128x128xf32, #tpu.memory_space<vmem>>, vector<16xf32>,
    %swap3A_209 = arith.constant 5 : i32
    %swap3A_210 = arith.index_cast %swap3A_209 : i32 to index
    %swap3A_211 = arith.constant 64 : index
    %swap3A_212 = tpu.vector_load %arg11[%swap3A_210, %swap3A_211] {strides = array<i32>} : memref<128x128xf32, #tpu.memory_space<vmem>>, vector<16xf32>,
    tpu.vector_store %arg11[%swap3A_210, %swap3A_211], %broadcast_in_dim3A_33 {strides = array<i32>} : memref<128x128xf32, #tpu.memory_space<vmem>>, vector<16xf32>,
    %swap3A_213 = arith.constant 5 : i32
    %swap3A_214 = arith.index_cast %swap3A_213 : i32 to index
    %swap3A_215 = arith.constant 80 : index
    %swap3A_216 = tpu.vector_load %arg11[%swap3A_214, %swap3A_215] {strides = array<i32>} : memref<128x128xf32, #tpu.memory_space<vmem>>, vector<16xf32>,
    tpu.vector_store %arg11[%swap3A_214, %swap3A_215], %broadcast_in_dim3A_33 {strides = array<i32>} : memref<128x128xf32, #tpu.memory_space<vmem>>, vector<16xf32>,
    %swap3A_217 = arith.constant 5 : i32
    %swap3A_218 = arith.index_cast %swap3A_217 : i32 to index
    %swap3A_219 = arith.constant 96 : index
    %swap3A_220 = tpu.vector_load %arg11[%swap3A_218, %swap3A_219] {strides = array<i32>} : memref<128x128xf32, #tpu.memory_space<vmem>>, vector<16xf32>,
    tpu.vector_store %arg11[%swap3A_218, %swap3A_219], %broadcast_in_dim3A_33 {strides = array<i32>} : memref<128x128xf32, #tpu.memory_space<vmem>>, vector<16xf32>,
    %swap3A_221 = arith.constant 5 : i32
    %swap3A_222 = arith.index_cast %swap3A_221 : i32 to index
    %swap3A_223 = arith.constant 112 : index
    %swap3A_224 = tpu.vector_load %arg11[%swap3A_222, %swap3A_223] {strides = array<i32>} : memref<128x128xf32, #tpu.memory_space<vmem>>, vector<16xf32>,
    tpu.vector_store %arg11[%swap3A_222, %swap3A_223], %broadcast_in_dim3A_33 {strides = array<i32>} : memref<128x128xf32, #tpu.memory_space<vmem>>, vector<16xf32>,
    %swap3A_225 = arith.constant 6 : i32
    %swap3A_226 = arith.index_cast %swap3A_225 : i32 to index
    %swap3A_227 = arith.constant 0 : index
    %swap3A_228 = tpu.vector_load %arg11[%swap3A_226, %swap3A_227] {strides = array<i32>} : memref<128x128xf32, #tpu.memory_space<vmem>>, vector<16xf32>,
    tpu.vector_store %arg11[%swap3A_226, %swap3A_227], %broadcast_in_dim3A_33 {strides = array<i32>} : memref<128x128xf32, #tpu.memory_space<vmem>>, vector<16xf32>,
    %swap3A_229 = arith.constant 6 : i32
    %swap3A_230 = arith.index_cast %swap3A_229 : i32 to index
    %swap3A_231 = arith.constant 16 : index
    %swap3A_232 = tpu.vector_load %arg11[%swap3A_230, %swap3A_231] {strides = array<i32>} : memref<128x128xf32, #tpu.memory_space<vmem>>, vector<16xf32>,
    tpu.vector_store %arg11[%swap3A_230, %swap3A_231], %broadcast_in_dim3A_33 {strides = array<i32>} : memref<128x128xf32, #tpu.memory_space<vmem>>, vector<16xf32>,
    %swap3A_233 = arith.constant 6 : i32
    %swap3A_234 = arith.index_cast %swap3A_233 : i32 to index
    %swap3A_235 = arith.constant 32 : index
    %swap3A_236 = tpu.vector_load %arg11[%swap3A_234, %swap3A_235] {strides = array<i32>} : memref<128x128xf32, #tpu.memory_space<vmem>>, vector<16xf32>,
    tpu.vector_store %arg11[%swap3A_234, %swap3A_235], %broadcast_in_dim3A_33 {strides = array<i32>} : memref<128x128xf32, #tpu.memory_space<vmem>>, vector<16xf32>,
    %swap3A_237 = arith.constant 6 : i32
    %swap3A_238 = arith.index_cast %swap3A_237 : i32 to index
    %swap3A_239 = arith.constant 48 : index
    %swap3A_240 = tpu.vector_load %arg11[%swap3A_238, %swap3A_239] {strides = array<i32>} : memref<128x128xf32, #tpu.memory_space<vmem>>, vector<16xf32>,
    tpu.vector_store %arg11[%swap3A_238, %swap3A_239], %broadcast_in_dim3A_33 {strides = array<i32>} : memref<128x128xf32, #tpu.memory_space<vmem>>, vector<16xf32>,
    %swap3A_241 = arith.constant 6 : i32
    %swap3A_242 = arith.index_cast %swap3A_241 : i32 to index
    %swap3A_243 = arith.constant 64 : index
    %swap3A_244 = tpu.vector_load %arg11[%swap3A_242, %swap3A_243] {strides = array<i32>} : memref<128x128xf32, #tpu.memory_space<vmem>>, vector<16xf32>,
    tpu.vector_store %arg11[%swap3A_242, %swap3A_243], %broadcast_in_dim3A_33 {strides = array<i32>} : memref<128x128xf32, #tpu.memory_space<vmem>>, vector<16xf32>,
    %swap3A_245 = arith.constant 6 : i32
    %swap3A_246 = arith.index_cast %swap3A_245 : i32 to index
    %swap3A_247 = arith.constant 80 : index
    %swap3A_248 = tpu.vector_load %arg11[%swap3A_246, %swap3A_247] {strides = array<i32>} : memref<128x128xf32, #tpu.memory_space<vmem>>, vector<16xf32>,
    tpu.vector_store %arg11[%swap3A_246, %swap3A_247], %broadcast_in_dim3A_33 {strides = array<i32>} : memref<128x128xf32, #tpu.memory_space<vmem>>, vector<16xf32>,
    %swap3A_249 = arith.constant 6 : i32
    %swap3A_250 = arith.index_cast %swap3A_249 : i32 to index
    %swap3A_251 = arith.constant 96 : index
    %swap3A_252 = tpu.vector_load %arg11[%swap3A_250, %swap3A_251] {strides = array<i32>} : memref<128x128xf32, #tpu.memory_space<vmem>>, vector<16xf32>,
    tpu.vector_store %arg11[%swap3A_250, %swap3A_251], %broadcast_in_dim3A_33 {strides = array<i32>} : memref<128x128xf32, #tpu.memory_space<vmem>>, vector<16xf32>,
    %swap3A_253 = arith.constant 6 : i32
    %swap3A_254 = arith.index_cast %swap3A_253 : i32 to index
    %swap3A_255 = arith.constant 112 : index
    %swap3A_256 = tpu.vector_load %arg11[%swap3A_254, %swap3A_255] {strides = array<i32>} : memref<128x128xf32, #tpu.memory_space<vmem>>, vector<16xf32>,
    tpu.vector_store %arg11[%swap3A_254, %swap3A_255], %broadcast_in_dim3A_33 {strides = array<i32>} : memref<128x128xf32, #tpu.memory_space<vmem>>, vector<16xf32>,
    %swap3A_257 = arith.constant 7 : i32
    %swap3A_258 = arith.index_cast %swap3A_257 : i32 to index
    %swap3A_259 = arith.constant 0 : index
    %swap3A_260 = tpu.vector_load %arg11[%swap3A_258, %swap3A_259] {strides = array<i32>} : memref<128x128xf32, #tpu.memory_space<vmem>>, vector<16xf32>,
    tpu.vector_store %arg11[%swap3A_258, %swap3A_259], %broadcast_in_dim3A_33 {strides = array<i32>} : memref<128x128xf32, #tpu.memory_space<vmem>>, vector<16xf32>,
    %swap3A_261 = arith.constant 7 : i32
    %swap3A_262 = arith.index_cast %swap3A_261 : i32 to index
    %swap3A_263 = arith.constant 16 : index
    %swap3A_264 = tpu.vector_load %arg11[%swap3A_262, %swap3A_263] {strides = array<i32>} : memref<128x128xf32, #tpu.memory_space<vmem>>, vector<16xf32>,
    tpu.vector_store %arg11[%swap3A_262, %swap3A_263], %broadcast_in_dim3A_33 {strides = array<i32>} : memref<128x128xf32, #tpu.memory_space<vmem>>, vector<16xf32>,
    %swap3A_265 = arith.constant 7 : i32
    %swap3A_266 = arith.index_cast %swap3A_265 : i32 to index
    %swap3A_267 = arith.constant 32 : index
    %swap3A_268 = tpu.vector_load %arg11[%swap3A_266, %swap3A_267] {strides = array<i32>} : memref<128x128xf32, #tpu.memory_space<vmem>>, vector<16xf32>,
    tpu.vector_store %arg11[%swap3A_266, %swap3A_267], %broadcast_in_dim3A_33 {strides = array<i32>} : memref<128x128xf32, #tpu.memory_space<vmem>>, vector<16xf32>,
    %swap3A_269 = arith.constant 7 : i32
    %swap3A_270 = arith.index_cast %swap3A_269 : i32 to index
    %swap3A_271 = arith.constant 48 : index
    %swap3A_272 = tpu.vector_load %arg11[%swap3A_270, %swap3A_271] {strides = array<i32>} : memref<128x128xf32, #tpu.memory_space<vmem>>, vector<16xf32>,
    tpu.vector_store %arg11[%swap3A_270, %swap3A_271], %broadcast_in_dim3A_33 {strides = array<i32>} : memref<128x128xf32, #tpu.memory_space<vmem>>, vector<16xf32>,
    %swap3A_273 = arith.constant 7 : i32
    %swap3A_274 = arith.index_cast %swap3A_273 : i32 to index
    %swap3A_275 = arith.constant 64 : index
    %swap3A_276 = tpu.vector_load %arg11[%swap3A_274, %swap3A_275] {strides = array<i32>} : memref<128x128xf32, #tpu.memory_space<vmem>>, vector<16xf32>,
    tpu.vector_store %arg11[%swap3A_274, %swap3A_275], %broadcast_in_dim3A_33 {strides = array<i32>} : memref<128x128xf32, #tpu.memory_space<vmem>>, vector<16xf32>,
    %swap3A_277 = arith.constant 7 : i32
    %swap3A_278 = arith.index_cast %swap3A_277 : i32 to index
    %swap3A_279 = arith.constant 80 : index
    %swap3A_280 = tpu.vector_load %arg11[%swap3A_278, %swap3A_279] {strides = array<i32>} : memref<128x128xf32, #tpu.memory_space<vmem>>, vector<16xf32>,
    tpu.vector_store %arg11[%swap3A_278, %swap3A_279], %broadcast_in_dim3A_33 {strides = array<i32>} : memref<128x128xf32, #tpu.memory_space<vmem>>, vector<16xf32>,
    %swap3A_281 = arith.constant 7 : i32
    %swap3A_282 = arith.index_cast %swap3A_281 : i32 to index
    %swap3A_283 = arith.constant 96 : index
    %swap3A_284 = tpu.vector_load %arg11[%swap3A_282, %swap3A_283] {strides = array<i32>} : memref<128x128xf32, #tpu.memory_space<vmem>>, vector<16xf32>,
    tpu.vector_store %arg11[%swap3A_282, %swap3A_283], %broadcast_in_dim3A_33 {strides = array<i32>} : memref<128x128xf32, #tpu.memory_space<vmem>>, vector<16xf32>,
    %swap3A_285 = arith.constant 7 : i32
    %swap3A_286 = arith.index_cast %swap3A_285 : i32 to index
    %swap3A_287 = arith.constant 112 : index
    %swap3A_288 = tpu.vector_load %arg11[%swap3A_286, %swap3A_287] {strides = array<i32>} : memref<128x128xf32, #tpu.memory_space<vmem>>, vector<16xf32>,
    tpu.vector_store %arg11[%swap3A_286, %swap3A_287], %broadcast_in_dim3A_33 {strides = array<i32>} : memref<128x128xf32, #tpu.memory_space<vmem>>, vector<16xf32>,
    %eq3A_289 = arith.constant 0 : i32
    %eq3A_290 = arith.cmpi eq, %arg1, %eq3A_289 : i32
    %convert_element_type3A = arith.extui %eq3A_290 : i1 to i32
    %cond3A = arith.constant 0 : i32
    %cond3A_291 = arith.cmpi ne, %convert_element_type3A, %cond3A : i32
    scf.if %cond3A_291 {
      %dma_start3A_701 = arith.constant 0 : i32
      %dma_start3A_702 = arith.constant 0 : i32
      %dma_start3A_703 = tpu.memref_slice %arg15[%dma_start3A_701, %dma_start3A_702] : memref<1008x128xf32, #tpu.memory_space<vmem_shared>> -> memref<1000x128xf32, #tpu.memory_space<vmem_shared>>
      tpu.enqueue_dma source(%arg4 : memref<1000x128xf32, #tpu.memory_space<hbm>>) target(%dma_start3A_703 : memref<1000x128xf32, #tpu.memory_space<vmem_shared>>) target_semaphore(%arg20 : memref<!tpu.dma_semaphore, #tpu.memory_space<semaphore_mem>>)
    } else {
    }
    "tpu.region"() ({
      %run_scoped3A = tpu.sem_alloc : memref<!tpu.dma_semaphore, #tpu.memory_space<semaphore_mem>>
      %dma_start3A_701 = arith.constant 0 : i32
      %dma_start3A_702 = tpu.memref_slice %arg13[%dma_start3A_701] : memref<32xi32, #tpu.memory_space<vmem>> -> memref<17xi32, #tpu.memory_space<vmem>>
      %dma_start3A_703 = arith.constant 0 : i32
      %dma_start3A_704 = tpu.memref_slice %arg13[%dma_start3A_703] : memref<32xi32, #tpu.memory_space<vmem>> -> memref<17xi32, #tpu.memory_space<vmem>>
      tpu.enqueue_dma source(%arg3 : memref<17xi32, #tpu.memory_space<hbm>>) target(%dma_start3A_704 : memref<17xi32, #tpu.memory_space<vmem>>) target_semaphore(%run_scoped3A : memref<!tpu.dma_semaphore, #tpu.memory_space<semaphore_mem>>)
      %dma_wait3A_705 = arith.constant 0 : i32
      %dma_wait3A_706 = tpu.memref_slice %arg13[%dma_wait3A_705] : memref<32xi32, #tpu.memory_space<vmem>> -> memref<17xi32, #tpu.memory_space<vmem>>
      %dma_wait3A_707 = arith.constant 0 : i32
      %dma_wait3A_708 = tpu.memref_slice %arg13[%dma_wait3A_707] : memref<32xi32, #tpu.memory_space<vmem>> -> memref<17xi32, #tpu.memory_space<vmem>>
      tpu.wait_dma2 semaphore(%run_scoped3A : memref<!tpu.dma_semaphore, #tpu.memory_space<semaphore_mem>>) src(%arg3 : memref<17xi32, #tpu.memory_space<hbm>>) dst(%dma_wait3A_708 : memref<17xi32, #tpu.memory_space<vmem>>)
      tpu.yield
    }) : () -> ()
    %get3A = arith.index_cast %select_n3A : i32 to index
    %get3A_292 = tpu.vector_load %arg13[%get3A] {strides = array<i32>} : memref<32xi32, #tpu.memory_space<vmem>>, vector<16xi32>,
    %slice3A = vector.extract_strided_slice %get3A_292 {offsets = [0], sizes = [1], strides = [1]} : vector<16xi32> to vector<1xi32>
    %squeeze3A = vector.extract %slice3A[0] : i32 from vector<1xi32>
    %slice3A_293 = vector.extract_strided_slice %get3A_292 {offsets = [1], sizes = [1], strides = [1]} : vector<16xi32> to vector<1xi32>
    %squeeze3A_294 = vector.extract %slice3A_293[0] : i32 from vector<1xi32>
    %sub3A_295 = arith.subi %squeeze3A_294, %squeeze3A : i32
    %add3A_296 = arith.constant 0 : i32
    %add3A_297 = arith.addi %mul3A_32, %add3A_296 : i32
    %lt3A_298 = arith.cmpi slt, %add3A_297, %sub3A_295 : i32
    %add3A_299 = arith.constant 128 : i32
    %add3A_300 = arith.addi %mul3A_32, %add3A_299 : i32
    %lt3A_301 = arith.cmpi slt, %add3A_300, %sub3A_295 : i32
    %add3A_302 = arith.constant 256 : i32
    %add3A_303 = arith.addi %mul3A_32, %add3A_302 : i32
    %lt3A_304 = arith.cmpi slt, %add3A_303, %sub3A_295 : i32
    %add3A_305 = arith.constant 384 : i32
    %add3A_306 = arith.addi %mul3A_32, %add3A_305 : i32
    %lt3A_307 = arith.cmpi slt, %add3A_306, %sub3A_295 : i32
    %add3A_308 = arith.constant 512 : i32
    %add3A_309 = arith.addi %mul3A_32, %add3A_308 : i32
    %lt3A_310 = arith.cmpi slt, %add3A_309, %sub3A_295 : i32
    %add3A_311 = arith.constant 640 : i32
    %add3A_312 = arith.addi %mul3A_32, %add3A_311 : i32
    %lt3A_313 = arith.cmpi slt, %add3A_312, %sub3A_295 : i32
    %add3A_314 = arith.constant 768 : i32
    %add3A_315 = arith.addi %mul3A_32, %add3A_314 : i32
    %lt3A_316 = arith.cmpi slt, %add3A_315, %sub3A_295 : i32
    %add3A_317 = arith.constant 896 : i32
    %add3A_318 = arith.addi %mul3A_32, %add3A_317 : i32
    %lt3A_319 = arith.cmpi slt, %add3A_318, %sub3A_295 : i32
    %add3A_320 = arith.addi %squeeze3A, %mul3A_32 : i32
    %jit3A_321 = arith.constant 8 : i32
    %div3A_322 = arith.divsi %add3A_320, %jit3A_321 : i32
    %sign3A_323 = arith.constant 0 : i32
    %sign3A_324 = arith.cmpi sgt, %add3A_320, %sign3A_323 : i32
    %sign3A_325 = arith.extui %sign3A_324 : i1 to i32
    %sign3A_326 = arith.constant 0 : i32
    %sign3A_327 = arith.cmpi slt, %add3A_320, %sign3A_326 : i32
    %sign3A_328 = arith.extui %sign3A_327 : i1 to i32
    %sign3A_329 = arith.subi %sign3A_325, %sign3A_328 : i32
    %sign3A_330 = arith.constant 0 : i32
    %sign3A_331 = arith.cmpi sgt, %jit3A_321, %sign3A_330 : i32
    %sign3A_332 = arith.extui %sign3A_331 : i1 to i32
    %sign3A_333 = arith.constant 0 : i32
    %sign3A_334 = arith.cmpi slt, %jit3A_321, %sign3A_333 : i32
    %sign3A_335 = arith.extui %sign3A_334 : i1 to i32
    %sign3A_336 = arith.subi %sign3A_332, %sign3A_335 : i32
    %ne3A_337 = arith.cmpi ne, %sign3A_329, %sign3A_336 : i32
    %rem3A_338 = arith.remsi %add3A_320, %jit3A_321 : i32
    %ne3A_339 = arith.constant 0 : i32
    %ne3A_340 = arith.cmpi ne, %rem3A_338, %ne3A_339 : i32
    %and3A_341 = arith.andi %ne3A_337, %ne3A_340 : i1
    %sub3A_342 = arith.constant 1 : i32
    %sub3A_343 = arith.subi %div3A_322, %sub3A_342 : i32
    %select_n3A_344 = arith.select %and3A_341, %sub3A_343, %div3A_322 : i32
    %mul3A_345 = arith.constant 8 : i32
    %mul3A_346 = arith.muli %select_n3A_344, %mul3A_345 : i32
    %min3A = arith.constant 15344 : i32
    %min3A_347 = arith.minsi %mul3A_346, %min3A : i32
    %sub3A_348 = arith.subi %add3A_320, %min3A_347 : i32
    %convert_element_type3A_349 = arith.extui %lt3A_298 : i1 to i32
    %cond3A_350 = arith.constant 0 : i32
    %cond3A_351 = arith.cmpi ne, %convert_element_type3A_349, %cond3A_350 : i32
    scf.if %cond3A_351 {
      "tpu.region"() ({
        %run_scoped3A = tpu.sem_alloc : memref<!tpu.dma_semaphore, #tpu.memory_space<semaphore_mem>>
        %dma_start3A_701 = tpu.memref_slice %arg2[%min3A_347] : memref<16384xi32, #tpu.memory_space<hbm>> -> memref<1040xi32, #tpu.memory_space<hbm>>
        %dma_start3A_702 = tpu.memref_slice %arg2[%min3A_347] : memref<16384xi32, #tpu.memory_space<hbm>> -> memref<1040xi32, #tpu.memory_space<hbm>>
        tpu.enqueue_dma source(%dma_start3A_702 : memref<1040xi32, #tpu.memory_space<hbm>>) target(%arg7 : memref<1040xi32, #tpu.memory_space<vmem>>) target_semaphore(%run_scoped3A : memref<!tpu.dma_semaphore, #tpu.memory_space<semaphore_mem>>)
        %dma_wait3A_703 = tpu.memref_slice %arg2[%min3A_347] : memref<16384xi32, #tpu.memory_space<hbm>> -> memref<1040xi32, #tpu.memory_space<hbm>>
        %dma_wait3A_704 = tpu.memref_slice %arg2[%min3A_347] : memref<16384xi32, #tpu.memory_space<hbm>> -> memref<1040xi32, #tpu.memory_space<hbm>>
        tpu.wait_dma2 semaphore(%run_scoped3A : memref<!tpu.dma_semaphore, #tpu.memory_space<semaphore_mem>>) src(%dma_wait3A_704 : memref<1040xi32, #tpu.memory_space<hbm>>) dst(%arg7 : memref<1040xi32, #tpu.memory_space<vmem>>)
        tpu.yield
      }) : () -> ()
    } else {
    }
    %convert_element_type3A_352 = arith.extui %lt3A_298 : i1 to i32
    %cond3A_353 = arith.constant 0 : i32
    %cond3A_354 = arith.cmpi ne, %convert_element_type3A_352, %cond3A_353 : i32
    scf.if %cond3A_354 {
      %add3A_701 = arith.constant 0 : i32
      %add3A_702 = arith.addi %mul3A_32, %add3A_701 : i32
      %add3A_703 = vector.broadcast %add3A_702 : i32 to vector<16xi32>
      %add3A_704 = arith.addi %iota3A, %add3A_703 : vector<16xi32>
      %lt3A_705 = vector.broadcast %sub3A_295 : i32 to vector<16xi32>
      %lt3A_706 = arith.cmpi slt, %add3A_704, %lt3A_705 : vector<16xi32>
      %add3A_707 = arith.constant 0 : i32
      %add3A_708 = arith.addi %sub3A_348, %add3A_707 : i32
      %add3A_709 = vector.broadcast %add3A_708 : i32 to vector<16xi32>
      %add3A_710 = arith.addi %add3A_709, %iota3A : vector<16xi32>
      %min3A_711 = arith.constant 1039 : i32
      %min3A_712 = vector.broadcast %min3A_711 : i32 to vector<16xi32>
      %min3A_713 = arith.minsi %add3A_710, %min3A_712 : vector<16xi32>
      %gather3A = tpu.vector_load_idx %arg7[%min3A_713] : memref<1040xi32, #tpu.memory_space<vmem>>[vector<16xi32>], vector<16xi32>,
      %jit3A_714 = arith.constant 1000 : i32
      %broadcast_in_dim3A_715 = vector.broadcast %jit3A_714 : i32 to vector<16xi32>
      %select_n3A_716 = arith.select %lt3A_706, %gather3A, %broadcast_in_dim3A_715 : vector<16xi1>, vector<16xi32>
      %swap3A_717 = arith.constant 0 : i32
      %swap3A_718 = arith.index_cast %swap3A_717 : i32 to index
      %swap3A_719 = arith.constant 0 : index
      %swap3A_720 = tpu.vector_load %arg8[%swap3A_718, %swap3A_719] {strides = array<i32>} : memref<8x128xi32, #tpu.memory_space<vmem>>, vector<16xi32>,
      tpu.vector_store %arg8[%swap3A_718, %swap3A_719], %select_n3A_716 {strides = array<i32>} : memref<8x128xi32, #tpu.memory_space<vmem>>, vector<16xi32>,
      %add3A_721 = arith.constant 16 : i32
      %add3A_722 = arith.addi %mul3A_32, %add3A_721 : i32
      %add3A_723 = vector.broadcast %add3A_722 : i32 to vector<16xi32>
      %add3A_724 = arith.addi %iota3A, %add3A_723 : vector<16xi32>
      %lt3A_725 = vector.broadcast %sub3A_295 : i32 to vector<16xi32>
      %lt3A_726 = arith.cmpi slt, %add3A_724, %lt3A_725 : vector<16xi32>
      %add3A_727 = arith.constant 16 : i32
      %add3A_728 = arith.addi %sub3A_348, %add3A_727 : i32
      %add3A_729 = vector.broadcast %add3A_728 : i32 to vector<16xi32>
      %add3A_730 = arith.addi %add3A_729, %iota3A : vector<16xi32>
      %min3A_731 = arith.constant 1039 : i32
      %min3A_732 = vector.broadcast %min3A_731 : i32 to vector<16xi32>
      %min3A_733 = arith.minsi %add3A_730, %min3A_732 : vector<16xi32>
      %gather3A_734 = tpu.vector_load_idx %arg7[%min3A_733] : memref<1040xi32, #tpu.memory_space<vmem>>[vector<16xi32>], vector<16xi32>,
      %jit3A_735 = arith.constant 1000 : i32
      %broadcast_in_dim3A_736 = vector.broadcast %jit3A_735 : i32 to vector<16xi32>
      %select_n3A_737 = arith.select %lt3A_726, %gather3A_734, %broadcast_in_dim3A_736 : vector<16xi1>, vector<16xi32>
      %swap3A_738 = arith.constant 0 : i32
      %swap3A_739 = arith.index_cast %swap3A_738 : i32 to index
      %swap3A_740 = arith.constant 16 : index
      %swap3A_741 = tpu.vector_load %arg8[%swap3A_739, %swap3A_740] {strides = array<i32>} : memref<8x128xi32, #tpu.memory_space<vmem>>, vector<16xi32>,
      tpu.vector_store %arg8[%swap3A_739, %swap3A_740], %select_n3A_737 {strides = array<i32>} : memref<8x128xi32, #tpu.memory_space<vmem>>, vector<16xi32>,
      %add3A_742 = arith.constant 32 : i32
      %add3A_743 = arith.addi %mul3A_32, %add3A_742 : i32
      %add3A_744 = vector.broadcast %add3A_743 : i32 to vector<16xi32>
      %add3A_745 = arith.addi %iota3A, %add3A_744 : vector<16xi32>
      %lt3A_746 = vector.broadcast %sub3A_295 : i32 to vector<16xi32>
      %lt3A_747 = arith.cmpi slt, %add3A_745, %lt3A_746 : vector<16xi32>
      %add3A_748 = arith.constant 32 : i32
      %add3A_749 = arith.addi %sub3A_348, %add3A_748 : i32
      %add3A_750 = vector.broadcast %add3A_749 : i32 to vector<16xi32>
      %add3A_751 = arith.addi %add3A_750, %iota3A : vector<16xi32>
      %min3A_752 = arith.constant 1039 : i32
      %min3A_753 = vector.broadcast %min3A_752 : i32 to vector<16xi32>
      %min3A_754 = arith.minsi %add3A_751, %min3A_753 : vector<16xi32>
      %gather3A_755 = tpu.vector_load_idx %arg7[%min3A_754] : memref<1040xi32, #tpu.memory_space<vmem>>[vector<16xi32>], vector<16xi32>,
      %jit3A_756 = arith.constant 1000 : i32
      %broadcast_in_dim3A_757 = vector.broadcast %jit3A_756 : i32 to vector<16xi32>
      %select_n3A_758 = arith.select %lt3A_747, %gather3A_755, %broadcast_in_dim3A_757 : vector<16xi1>, vector<16xi32>
      %swap3A_759 = arith.constant 0 : i32
      %swap3A_760 = arith.index_cast %swap3A_759 : i32 to index
      %swap3A_761 = arith.constant 32 : index
      %swap3A_762 = tpu.vector_load %arg8[%swap3A_760, %swap3A_761] {strides = array<i32>} : memref<8x128xi32, #tpu.memory_space<vmem>>, vector<16xi32>,
      tpu.vector_store %arg8[%swap3A_760, %swap3A_761], %select_n3A_758 {strides = array<i32>} : memref<8x128xi32, #tpu.memory_space<vmem>>, vector<16xi32>,
      %add3A_763 = arith.constant 48 : i32
      %add3A_764 = arith.addi %mul3A_32, %add3A_763 : i32
      %add3A_765 = vector.broadcast %add3A_764 : i32 to vector<16xi32>
      %add3A_766 = arith.addi %iota3A, %add3A_765 : vector<16xi32>
      %lt3A_767 = vector.broadcast %sub3A_295 : i32 to vector<16xi32>
      %lt3A_768 = arith.cmpi slt, %add3A_766, %lt3A_767 : vector<16xi32>
      %add3A_769 = arith.constant 48 : i32
      %add3A_770 = arith.addi %sub3A_348, %add3A_769 : i32
      %add3A_771 = vector.broadcast %add3A_770 : i32 to vector<16xi32>
      %add3A_772 = arith.addi %add3A_771, %iota3A : vector<16xi32>
      %min3A_773 = arith.constant 1039 : i32
      %min3A_774 = vector.broadcast %min3A_773 : i32 to vector<16xi32>
      %min3A_775 = arith.minsi %add3A_772, %min3A_774 : vector<16xi32>
      %gather3A_776 = tpu.vector_load_idx %arg7[%min3A_775] : memref<1040xi32, #tpu.memory_space<vmem>>[vector<16xi32>], vector<16xi32>,
      %jit3A_777 = arith.constant 1000 : i32
      %broadcast_in_dim3A_778 = vector.broadcast %jit3A_777 : i32 to vector<16xi32>
      %select_n3A_779 = arith.select %lt3A_768, %gather3A_776, %broadcast_in_dim3A_778 : vector<16xi1>, vector<16xi32>
      %swap3A_780 = arith.constant 0 : i32
      %swap3A_781 = arith.index_cast %swap3A_780 : i32 to index
      %swap3A_782 = arith.constant 48 : index
      %swap3A_783 = tpu.vector_load %arg8[%swap3A_781, %swap3A_782] {strides = array<i32>} : memref<8x128xi32, #tpu.memory_space<vmem>>, vector<16xi32>,
      tpu.vector_store %arg8[%swap3A_781, %swap3A_782], %select_n3A_779 {strides = array<i32>} : memref<8x128xi32, #tpu.memory_space<vmem>>, vector<16xi32>,
      %add3A_784 = arith.constant 64 : i32
      %add3A_785 = arith.addi %mul3A_32, %add3A_784 : i32
      %add3A_786 = vector.broadcast %add3A_785 : i32 to vector<16xi32>
      %add3A_787 = arith.addi %iota3A, %add3A_786 : vector<16xi32>
      %lt3A_788 = vector.broadcast %sub3A_295 : i32 to vector<16xi32>
      %lt3A_789 = arith.cmpi slt, %add3A_787, %lt3A_788 : vector<16xi32>
      %add3A_790 = arith.constant 64 : i32
      %add3A_791 = arith.addi %sub3A_348, %add3A_790 : i32
      %add3A_792 = vector.broadcast %add3A_791 : i32 to vector<16xi32>
      %add3A_793 = arith.addi %add3A_792, %iota3A : vector<16xi32>
      %min3A_794 = arith.constant 1039 : i32
      %min3A_795 = vector.broadcast %min3A_794 : i32 to vector<16xi32>
      %min3A_796 = arith.minsi %add3A_793, %min3A_795 : vector<16xi32>
      %gather3A_797 = tpu.vector_load_idx %arg7[%min3A_796] : memref<1040xi32, #tpu.memory_space<vmem>>[vector<16xi32>], vector<16xi32>,
      %jit3A_798 = arith.constant 1000 : i32
      %broadcast_in_dim3A_799 = vector.broadcast %jit3A_798 : i32 to vector<16xi32>
      %select_n3A_800 = arith.select %lt3A_789, %gather3A_797, %broadcast_in_dim3A_799 : vector<16xi1>, vector<16xi32>
      %swap3A_801 = arith.constant 0 : i32
      %swap3A_802 = arith.index_cast %swap3A_801 : i32 to index
      %swap3A_803 = arith.constant 64 : index
      %swap3A_804 = tpu.vector_load %arg8[%swap3A_802, %swap3A_803] {strides = array<i32>} : memref<8x128xi32, #tpu.memory_space<vmem>>, vector<16xi32>,
      tpu.vector_store %arg8[%swap3A_802, %swap3A_803], %select_n3A_800 {strides = array<i32>} : memref<8x128xi32, #tpu.memory_space<vmem>>, vector<16xi32>,
      %add3A_805 = arith.constant 80 : i32
      %add3A_806 = arith.addi %mul3A_32, %add3A_805 : i32
      %add3A_807 = vector.broadcast %add3A_806 : i32 to vector<16xi32>
      %add3A_808 = arith.addi %iota3A, %add3A_807 : vector<16xi32>
      %lt3A_809 = vector.broadcast %sub3A_295 : i32 to vector<16xi32>
      %lt3A_810 = arith.cmpi slt, %add3A_808, %lt3A_809 : vector<16xi32>
      %add3A_811 = arith.constant 80 : i32
      %add3A_812 = arith.addi %sub3A_348, %add3A_811 : i32
      %add3A_813 = vector.broadcast %add3A_812 : i32 to vector<16xi32>
      %add3A_814 = arith.addi %add3A_813, %iota3A : vector<16xi32>
      %min3A_815 = arith.constant 1039 : i32
      %min3A_816 = vector.broadcast %min3A_815 : i32 to vector<16xi32>
      %min3A_817 = arith.minsi %add3A_814, %min3A_816 : vector<16xi32>
      %gather3A_818 = tpu.vector_load_idx %arg7[%min3A_817] : memref<1040xi32, #tpu.memory_space<vmem>>[vector<16xi32>], vector<16xi32>,
      %jit3A_819 = arith.constant 1000 : i32
      %broadcast_in_dim3A_820 = vector.broadcast %jit3A_819 : i32 to vector<16xi32>
      %select_n3A_821 = arith.select %lt3A_810, %gather3A_818, %broadcast_in_dim3A_820 : vector<16xi1>, vector<16xi32>
      %swap3A_822 = arith.constant 0 : i32
      %swap3A_823 = arith.index_cast %swap3A_822 : i32 to index
      %swap3A_824 = arith.constant 80 : index
      %swap3A_825 = tpu.vector_load %arg8[%swap3A_823, %swap3A_824] {strides = array<i32>} : memref<8x128xi32, #tpu.memory_space<vmem>>, vector<16xi32>,
      tpu.vector_store %arg8[%swap3A_823, %swap3A_824], %select_n3A_821 {strides = array<i32>} : memref<8x128xi32, #tpu.memory_space<vmem>>, vector<16xi32>,
      %add3A_826 = arith.constant 96 : i32
      %add3A_827 = arith.addi %mul3A_32, %add3A_826 : i32
      %add3A_828 = vector.broadcast %add3A_827 : i32 to vector<16xi32>
      %add3A_829 = arith.addi %iota3A, %add3A_828 : vector<16xi32>
      %lt3A_830 = vector.broadcast %sub3A_295 : i32 to vector<16xi32>
      %lt3A_831 = arith.cmpi slt, %add3A_829, %lt3A_830 : vector<16xi32>
      %add3A_832 = arith.constant 96 : i32
      %add3A_833 = arith.addi %sub3A_348, %add3A_832 : i32
      %add3A_834 = vector.broadcast %add3A_833 : i32 to vector<16xi32>
      %add3A_835 = arith.addi %add3A_834, %iota3A : vector<16xi32>
      %min3A_836 = arith.constant 1039 : i32
      %min3A_837 = vector.broadcast %min3A_836 : i32 to vector<16xi32>
      %min3A_838 = arith.minsi %add3A_835, %min3A_837 : vector<16xi32>
      %gather3A_839 = tpu.vector_load_idx %arg7[%min3A_838] : memref<1040xi32, #tpu.memory_space<vmem>>[vector<16xi32>], vector<16xi32>,
      %jit3A_840 = arith.constant 1000 : i32
      %broadcast_in_dim3A_841 = vector.broadcast %jit3A_840 : i32 to vector<16xi32>
      %select_n3A_842 = arith.select %lt3A_831, %gather3A_839, %broadcast_in_dim3A_841 : vector<16xi1>, vector<16xi32>
      %swap3A_843 = arith.constant 0 : i32
      %swap3A_844 = arith.index_cast %swap3A_843 : i32 to index
      %swap3A_845 = arith.constant 96 : index
      %swap3A_846 = tpu.vector_load %arg8[%swap3A_844, %swap3A_845] {strides = array<i32>} : memref<8x128xi32, #tpu.memory_space<vmem>>, vector<16xi32>,
      tpu.vector_store %arg8[%swap3A_844, %swap3A_845], %select_n3A_842 {strides = array<i32>} : memref<8x128xi32, #tpu.memory_space<vmem>>, vector<16xi32>,
      %add3A_847 = arith.constant 112 : i32
      %add3A_848 = arith.addi %mul3A_32, %add3A_847 : i32
      %add3A_849 = vector.broadcast %add3A_848 : i32 to vector<16xi32>
      %add3A_850 = arith.addi %iota3A, %add3A_849 : vector<16xi32>
      %lt3A_851 = vector.broadcast %sub3A_295 : i32 to vector<16xi32>
      %lt3A_852 = arith.cmpi slt, %add3A_850, %lt3A_851 : vector<16xi32>
      %add3A_853 = arith.constant 112 : i32
      %add3A_854 = arith.addi %sub3A_348, %add3A_853 : i32
      %add3A_855 = vector.broadcast %add3A_854 : i32 to vector<16xi32>
      %add3A_856 = arith.addi %add3A_855, %iota3A : vector<16xi32>
      %min3A_857 = arith.constant 1039 : i32
      %min3A_858 = vector.broadcast %min3A_857 : i32 to vector<16xi32>
      %min3A_859 = arith.minsi %add3A_856, %min3A_858 : vector<16xi32>
      %gather3A_860 = tpu.vector_load_idx %arg7[%min3A_859] : memref<1040xi32, #tpu.memory_space<vmem>>[vector<16xi32>], vector<16xi32>,
      %jit3A_861 = arith.constant 1000 : i32
      %broadcast_in_dim3A_862 = vector.broadcast %jit3A_861 : i32 to vector<16xi32>
      %select_n3A_863 = arith.select %lt3A_852, %gather3A_860, %broadcast_in_dim3A_862 : vector<16xi1>, vector<16xi32>
      %swap3A_864 = arith.constant 0 : i32
      %swap3A_865 = arith.index_cast %swap3A_864 : i32 to index
      %swap3A_866 = arith.constant 112 : index
      %swap3A_867 = tpu.vector_load %arg8[%swap3A_865, %swap3A_866] {strides = array<i32>} : memref<8x128xi32, #tpu.memory_space<vmem>>, vector<16xi32>,
      tpu.vector_store %arg8[%swap3A_865, %swap3A_866], %select_n3A_863 {strides = array<i32>} : memref<8x128xi32, #tpu.memory_space<vmem>>, vector<16xi32>,
    } else {
    }
    %jit3A_355 = arith.constant 8 : i32
    %eq3A_356 = arith.constant 0 : i32
    %eq3A_357 = arith.cmpi eq, %jit3A_355, %eq3A_356 : i32
    %jit3A_358 = arith.constant 1 : i32
    %select_n3A_359 = arith.select %eq3A_357, %jit3A_358, %jit3A_355 : i32
    %rem3A_360 = vector.broadcast %select_n3A_359 : i32 to vector<16xi32>
    %rem3A_361 = arith.remsi %iota3A, %rem3A_360 : vector<16xi32>
    %ne3A_362 = arith.constant 0 : i32
    %ne3A_363 = vector.broadcast %ne3A_362 : i32 to vector<16xi32>
    %ne3A_364 = arith.cmpi ne, %rem3A_361, %ne3A_363 : vector<16xi32>
    %lt3A_365 = arith.constant 0 : i32
    %lt3A_366 = vector.broadcast %lt3A_365 : i32 to vector<16xi32>
    %lt3A_367 = arith.cmpi slt, %rem3A_361, %lt3A_366 : vector<16xi32>
    %lt3A_368 = arith.constant 0 : i32
    %lt3A_369 = arith.cmpi slt, %select_n3A_359, %lt3A_368 : i32
    %ne3A_370 = vector.broadcast %lt3A_369 : i1 to vector<16xi1>
    %ne3A_371 = vector.broadcast %ne3A_370 : vector<16xi1> to vector<16xi1>
    %ne3A_372 = arith.xori %lt3A_367, %ne3A_371 : vector<16xi1>
    %and3A_373 = arith.andi %ne3A_372, %ne3A_364 : vector<16xi1>
    %add3A_374 = vector.broadcast %select_n3A_359 : i32 to vector<16xi32>
    %add3A_375 = arith.addi %rem3A_361, %add3A_374 : vector<16xi32>
    %select_n3A_376 = arith.select %and3A_373, %add3A_375, %rem3A_361 : vector<16xi1>, vector<16xi32>
    %add3A_377 = arith.constant 1000 : i32
    %add3A_378 = vector.broadcast %add3A_377 : i32 to vector<16xi32>
    %add3A_379 = arith.addi %add3A_378, %select_n3A_376 : vector<16xi32>
    %swap3A_380 = arith.constant 0 : index
    %swap3A_381 = tpu.vector_load %arg12[%swap3A_380] {strides = array<i32>} : memref<128xi32, #tpu.memory_space<vmem>>, vector<16xi32>,
    tpu.vector_store %arg12[%swap3A_380], %add3A_379 {strides = array<i32>} : memref<128xi32, #tpu.memory_space<vmem>>, vector<16xi32>,
    %swap3A_382 = arith.constant 16 : index
    %swap3A_383 = tpu.vector_load %arg12[%swap3A_382] {strides = array<i32>} : memref<128xi32, #tpu.memory_space<vmem>>, vector<16xi32>,
    tpu.vector_store %arg12[%swap3A_382], %add3A_379 {strides = array<i32>} : memref<128xi32, #tpu.memory_space<vmem>>, vector<16xi32>,
    %swap3A_384 = arith.constant 32 : index
    %swap3A_385 = tpu.vector_load %arg12[%swap3A_384] {strides = array<i32>} : memref<128xi32, #tpu.memory_space<vmem>>, vector<16xi32>,
    tpu.vector_store %arg12[%swap3A_384], %add3A_379 {strides = array<i32>} : memref<128xi32, #tpu.memory_space<vmem>>, vector<16xi32>,
    %swap3A_386 = arith.constant 48 : index
    %swap3A_387 = tpu.vector_load %arg12[%swap3A_386] {strides = array<i32>} : memref<128xi32, #tpu.memory_space<vmem>>, vector<16xi32>,
    tpu.vector_store %arg12[%swap3A_386], %add3A_379 {strides = array<i32>} : memref<128xi32, #tpu.memory_space<vmem>>, vector<16xi32>,
    %swap3A_388 = arith.constant 64 : index
    %swap3A_389 = tpu.vector_load %arg12[%swap3A_388] {strides = array<i32>} : memref<128xi32, #tpu.memory_space<vmem>>, vector<16xi32>,
    tpu.vector_store %arg12[%swap3A_388], %add3A_379 {strides = array<i32>} : memref<128xi32, #tpu.memory_space<vmem>>, vector<16xi32>,
    %swap3A_390 = arith.constant 80 : index
    %swap3A_391 = tpu.vector_load %arg12[%swap3A_390] {strides = array<i32>} : memref<128xi32, #tpu.memory_space<vmem>>, vector<16xi32>,
    tpu.vector_store %arg12[%swap3A_390], %add3A_379 {strides = array<i32>} : memref<128xi32, #tpu.memory_space<vmem>>, vector<16xi32>,
    %swap3A_392 = arith.constant 96 : index
    %swap3A_393 = tpu.vector_load %arg12[%swap3A_392] {strides = array<i32>} : memref<128xi32, #tpu.memory_space<vmem>>, vector<16xi32>,
    tpu.vector_store %arg12[%swap3A_392], %add3A_379 {strides = array<i32>} : memref<128xi32, #tpu.memory_space<vmem>>, vector<16xi32>,
    %swap3A_394 = arith.constant 112 : index
    %swap3A_395 = tpu.vector_load %arg12[%swap3A_394] {strides = array<i32>} : memref<128xi32, #tpu.memory_space<vmem>>, vector<16xi32>,
    tpu.vector_store %arg12[%swap3A_394], %add3A_379 {strides = array<i32>} : memref<128xi32, #tpu.memory_space<vmem>>, vector<16xi32>,
    %eq3A_396 = arith.constant 0 : i32
    %eq3A_397 = arith.cmpi eq, %arg1, %eq3A_396 : i32
    %convert_element_type3A_398 = arith.extui %eq3A_397 : i1 to i32
    %cond3A_399 = arith.constant 0 : i32
    %cond3A_400 = arith.cmpi ne, %convert_element_type3A_398, %cond3A_399 : i32
    scf.if %cond3A_400 {
      %dma_wait3A_701 = arith.constant 0 : i32
      %dma_wait3A_702 = arith.constant 0 : i32
      %dma_wait3A_703 = tpu.memref_slice %arg15[%dma_wait3A_701, %dma_wait3A_702] : memref<1008x128xf32, #tpu.memory_space<vmem_shared>> -> memref<1000x128xf32, #tpu.memory_space<vmem_shared>>
      tpu.wait_dma2 semaphore(%arg20 : memref<!tpu.dma_semaphore, #tpu.memory_space<semaphore_mem>>) src(%arg4 : memref<1000x128xf32, #tpu.memory_space<hbm>>) dst(%dma_wait3A_703 : memref<1000x128xf32, #tpu.memory_space<vmem_shared>>)
      "tpu.region"() ({
        %run_scoped3A = tpu.sem_alloc : memref<!tpu.dma_semaphore, #tpu.memory_space<semaphore_mem>>
        %dma_start3A_704 = arith.constant 0 : i32
        %dma_start3A_705 = arith.constant 0 : i32
        %dma_start3A_706 = tpu.memref_slice %arg11[%dma_start3A_704, %dma_start3A_705] : memref<128x128xf32, #tpu.memory_space<vmem>> -> memref<8x128xf32, #tpu.memory_space<vmem>>
        %dma_start3A_707 = arith.constant 1000 : i32
        %dma_start3A_708 = arith.constant 0 : i32
        %dma_start3A_709 = tpu.memref_slice %arg15[%dma_start3A_707, %dma_start3A_708] : memref<1008x128xf32, #tpu.memory_space<vmem_shared>> -> memref<8x128xf32, #tpu.memory_space<vmem_shared>>
        %dma_start3A_710 = arith.constant 1000 : i32
        %dma_start3A_711 = arith.constant 0 : i32
        %dma_start3A_712 = tpu.memref_slice %arg15[%dma_start3A_710, %dma_start3A_711] : memref<1008x128xf32, #tpu.memory_space<vmem_shared>> -> memref<8x128xf32, #tpu.memory_space<vmem_shared>>
        %dma_start3A_713 = arith.constant 0 : i32
        %dma_start3A_714 = arith.constant 0 : i32
        %dma_start3A_715 = tpu.memref_slice %arg11[%dma_start3A_713, %dma_start3A_714] : memref<128x128xf32, #tpu.memory_space<vmem>> -> memref<8x128xf32, #tpu.memory_space<vmem>>
        tpu.enqueue_dma source(%dma_start3A_715 : memref<8x128xf32, #tpu.memory_space<vmem>>) target(%dma_start3A_712 : memref<8x128xf32, #tpu.memory_space<vmem_shared>>) target_semaphore(%run_scoped3A : memref<!tpu.dma_semaphore, #tpu.memory_space<semaphore_mem>>)
        %dma_wait3A_716 = arith.constant 0 : i32
        %dma_wait3A_717 = arith.constant 0 : i32
        %dma_wait3A_718 = tpu.memref_slice %arg11[%dma_wait3A_716, %dma_wait3A_717] : memref<128x128xf32, #tpu.memory_space<vmem>> -> memref<8x128xf32, #tpu.memory_space<vmem>>
        %dma_wait3A_719 = arith.constant 1000 : i32
        %dma_wait3A_720 = arith.constant 0 : i32
        %dma_wait3A_721 = tpu.memref_slice %arg15[%dma_wait3A_719, %dma_wait3A_720] : memref<1008x128xf32, #tpu.memory_space<vmem_shared>> -> memref<8x128xf32, #tpu.memory_space<vmem_shared>>
        %dma_wait3A_722 = arith.constant 1000 : i32
        %dma_wait3A_723 = arith.constant 0 : i32
        %dma_wait3A_724 = tpu.memref_slice %arg15[%dma_wait3A_722, %dma_wait3A_723] : memref<1008x128xf32, #tpu.memory_space<vmem_shared>> -> memref<8x128xf32, #tpu.memory_space<vmem_shared>>
        %dma_wait3A_725 = arith.constant 0 : i32
        %dma_wait3A_726 = arith.constant 0 : i32
        %dma_wait3A_727 = tpu.memref_slice %arg11[%dma_wait3A_725, %dma_wait3A_726] : memref<128x128xf32, #tpu.memory_space<vmem>> -> memref<8x128xf32, #tpu.memory_space<vmem>>
        tpu.wait_dma2 semaphore(%run_scoped3A : memref<!tpu.dma_semaphore, #tpu.memory_space<semaphore_mem>>) src(%dma_wait3A_727 : memref<8x128xf32, #tpu.memory_space<vmem>>) dst(%dma_wait3A_724 : memref<8x128xf32, #tpu.memory_space<vmem_shared>>)
        tpu.yield
      }) : () -> ()
    } else {
    }
    %barrier3A = arith.constant 0 : index
    tpu.barrier barrier_id(%barrier3A)
    %mul3A_401 = arith.constant 1024 : i32
    %mul3A_402 = arith.muli %add3A, %mul3A_401 : i32
    %add3A_403 = arith.constant 0 : i32
    %add3A_404 = arith.addi %mul3A_402, %add3A_403 : i32
    %mul3A_405 = arith.constant 1024 : i32
    %mul3A_406 = arith.muli %add3A, %mul3A_405 : i32
    %add3A_407 = arith.constant 128 : i32
    %add3A_408 = arith.addi %mul3A_406, %add3A_407 : i32
    %mul3A_409 = arith.constant 1024 : i32
    %mul3A_410 = arith.muli %add3A, %mul3A_409 : i32
    %add3A_411 = arith.constant 256 : i32
    %add3A_412 = arith.addi %mul3A_410, %add3A_411 : i32
    %mul3A_413 = arith.constant 1024 : i32
    %mul3A_414 = arith.muli %add3A, %mul3A_413 : i32
    %add3A_415 = arith.constant 384 : i32
    %add3A_416 = arith.addi %mul3A_414, %add3A_415 : i32
    %mul3A_417 = arith.constant 1024 : i32
    %mul3A_418 = arith.muli %add3A, %mul3A_417 : i32
    %add3A_419 = arith.constant 512 : i32
    %add3A_420 = arith.addi %mul3A_418, %add3A_419 : i32
    %mul3A_421 = arith.constant 1024 : i32
    %mul3A_422 = arith.muli %add3A, %mul3A_421 : i32
    %add3A_423 = arith.constant 640 : i32
    %add3A_424 = arith.addi %mul3A_422, %add3A_423 : i32
    %mul3A_425 = arith.constant 1024 : i32
    %mul3A_426 = arith.muli %add3A, %mul3A_425 : i32
    %add3A_427 = arith.constant 768 : i32
    %add3A_428 = arith.addi %mul3A_426, %add3A_427 : i32
    %mul3A_429 = arith.constant 1024 : i32
    %mul3A_430 = arith.muli %add3A, %mul3A_429 : i32
    %add3A_431 = arith.constant 896 : i32
    %add3A_432 = arith.addi %mul3A_430, %add3A_431 : i32
    %mul3A_433 = arith.constant 1024 : i32
    %mul3A_434 = arith.muli %add3A, %mul3A_433 : i32
    %add3A_435 = arith.constant 0 : i32
    %add3A_436 = arith.addi %mul3A_434, %add3A_435 : i32
    %mul3A_437 = arith.constant 1024 : i32
    %mul3A_438 = arith.muli %add3A, %mul3A_437 : i32
    %add3A_439 = arith.constant 128 : i32
    %add3A_440 = arith.addi %mul3A_438, %add3A_439 : i32
    %mul3A_441 = arith.constant 1024 : i32
    %mul3A_442 = arith.muli %add3A, %mul3A_441 : i32
    %add3A_443 = arith.constant 256 : i32
    %add3A_444 = arith.addi %mul3A_442, %add3A_443 : i32
    %mul3A_445 = arith.constant 1024 : i32
    %mul3A_446 = arith.muli %add3A, %mul3A_445 : i32
    %add3A_447 = arith.constant 384 : i32
    %add3A_448 = arith.addi %mul3A_446, %add3A_447 : i32
    %mul3A_449 = arith.constant 1024 : i32
    %mul3A_450 = arith.muli %add3A, %mul3A_449 : i32
    %add3A_451 = arith.constant 512 : i32
    %add3A_452 = arith.addi %mul3A_450, %add3A_451 : i32
    %mul3A_453 = arith.constant 1024 : i32
    %mul3A_454 = arith.muli %add3A, %mul3A_453 : i32
    %add3A_455 = arith.constant 640 : i32
    %add3A_456 = arith.addi %mul3A_454, %add3A_455 : i32
    %mul3A_457 = arith.constant 1024 : i32
    %mul3A_458 = arith.muli %add3A, %mul3A_457 : i32
    %add3A_459 = arith.constant 768 : i32
    %add3A_460 = arith.addi %mul3A_458, %add3A_459 : i32
    %mul3A_461 = arith.constant 1024 : i32
    %mul3A_462 = arith.muli %add3A, %mul3A_461 : i32
    %add3A_463 = arith.constant 896 : i32
    %add3A_464 = arith.addi %mul3A_462, %add3A_463 : i32
    %convert_element_type3A_465 = arith.extui %lt3A_298 : i1 to i32
    %cond3A_466 = arith.constant 0 : i32
    %cond3A_467 = arith.constant 0 : i32
    %cond3A_468 = arith.cmpi ne, %convert_element_type3A_465, %cond3A_467 : i32
    scf.if %cond3A_468 {
      %dma_start3A_701 = arith.constant 0 : i32
      %dma_start3A_702 = tpu.memref_slice %arg8[%cond3A_466, %dma_start3A_701] : memref<8x128xi32, #tpu.memory_space<vmem>> -> memref<1x128xi32, #tpu.memory_space<vmem>>
      %dma_start3A_703 = tpu.memref_squeeze %dma_start3A_702 : memref<1x128xi32, #tpu.memory_space<vmem>> -> memref<128xi32, #tpu.memory_space<vmem>>
      %dma_start3A_704 = arith.constant 0 : i32
      %dma_start3A_705 = arith.constant 0 : i32
      %dma_start3A_706 = tpu.memref_slice %arg15[%dma_start3A_704, %dma_start3A_705] : memref<1008x128xf32, #tpu.memory_space<vmem_shared>> -> memref<1008x128xf32, #tpu.memory_space<vmem_shared>>
      tpu.enqueue_indirect_dma source(%dma_start3A_706 : memref<1008x128xf32, #tpu.memory_space<vmem_shared>>) target(%arg9 : memref<128x128xf32, #tpu.memory_space<vmem>>) offsets(%dma_start3A_703 : memref<128xi32, #tpu.memory_space<vmem>>) semaphore(%arg16 : memref<!tpu.dma_semaphore, #tpu.memory_space<semaphore_mem>>)
    } else {
    }
    %dma_start3A = arith.constant 0 : i32
    %dma_start3A_469 = arith.constant 0 : i32
    %dma_start3A_470 = tpu.memref_slice %arg15[%dma_start3A, %dma_start3A_469] : memref<1008x128xf32, #tpu.memory_space<vmem_shared>> -> memref<1008x128xf32, #tpu.memory_space<vmem_shared>>
    tpu.enqueue_indirect_dma source(%dma_start3A_470 : memref<1008x128xf32, #tpu.memory_space<vmem_shared>>) target(%arg11 : memref<128x128xf32, #tpu.memory_space<vmem>>) offsets(%arg12 : memref<128xi32, #tpu.memory_space<vmem>>) semaphore(%arg19 : memref<!tpu.dma_semaphore, #tpu.memory_space<semaphore_mem>>)
    %convert_element_type3A_471 = arith.extui %lt3A_301 : i1 to i32
    %cond3A_472 = arith.constant 0 : i32
    %cond3A_473 = arith.cmpi ne, %convert_element_type3A_471, %cond3A_472 : i32
    scf.if %cond3A_473 {
      %add3A_701 = arith.constant 128 : i32
      %add3A_702 = arith.addi %mul3A_32, %add3A_701 : i32
      %add3A_703 = vector.broadcast %add3A_702 : i32 to vector<16xi32>
      %add3A_704 = arith.addi %iota3A, %add3A_703 : vector<16xi32>
      %lt3A_705 = vector.broadcast %sub3A_295 : i32 to vector<16xi32>
      %lt3A_706 = arith.cmpi slt, %add3A_704, %lt3A_705 : vector<16xi32>
      %add3A_707 = arith.constant 128 : i32
      %add3A_708 = arith.addi %sub3A_348, %add3A_707 : i32
      %add3A_709 = vector.broadcast %add3A_708 : i32 to vector<16xi32>
      %add3A_710 = arith.addi %add3A_709, %iota3A : vector<16xi32>
      %min3A_711 = arith.constant 1039 : i32
      %min3A_712 = vector.broadcast %min3A_711 : i32 to vector<16xi32>
      %min3A_713 = arith.minsi %add3A_710, %min3A_712 : vector<16xi32>
      %gather3A = tpu.vector_load_idx %arg7[%min3A_713] : memref<1040xi32, #tpu.memory_space<vmem>>[vector<16xi32>], vector<16xi32>,
      %jit3A_714 = arith.constant 1000 : i32
      %broadcast_in_dim3A_715 = vector.broadcast %jit3A_714 : i32 to vector<16xi32>
      %select_n3A_716 = arith.select %lt3A_706, %gather3A, %broadcast_in_dim3A_715 : vector<16xi1>, vector<16xi32>
      %swap3A_717 = arith.constant 1 : i32
      %swap3A_718 = arith.index_cast %swap3A_717 : i32 to index
      %swap3A_719 = arith.constant 0 : index
      %swap3A_720 = tpu.vector_load %arg8[%swap3A_718, %swap3A_719] {strides = array<i32>} : memref<8x128xi32, #tpu.memory_space<vmem>>, vector<16xi32>,
      tpu.vector_store %arg8[%swap3A_718, %swap3A_719], %select_n3A_716 {strides = array<i32>} : memref<8x128xi32, #tpu.memory_space<vmem>>, vector<16xi32>,
      %add3A_721 = arith.constant 144 : i32
      %add3A_722 = arith.addi %mul3A_32, %add3A_721 : i32
      %add3A_723 = vector.broadcast %add3A_722 : i32 to vector<16xi32>
      %add3A_724 = arith.addi %iota3A, %add3A_723 : vector<16xi32>
      %lt3A_725 = vector.broadcast %sub3A_295 : i32 to vector<16xi32>
      %lt3A_726 = arith.cmpi slt, %add3A_724, %lt3A_725 : vector<16xi32>
      %add3A_727 = arith.constant 144 : i32
      %add3A_728 = arith.addi %sub3A_348, %add3A_727 : i32
      %add3A_729 = vector.broadcast %add3A_728 : i32 to vector<16xi32>
      %add3A_730 = arith.addi %add3A_729, %iota3A : vector<16xi32>
      %min3A_731 = arith.constant 1039 : i32
      %min3A_732 = vector.broadcast %min3A_731 : i32 to vector<16xi32>
      %min3A_733 = arith.minsi %add3A_730, %min3A_732 : vector<16xi32>
      %gather3A_734 = tpu.vector_load_idx %arg7[%min3A_733] : memref<1040xi32, #tpu.memory_space<vmem>>[vector<16xi32>], vector<16xi32>,
      %jit3A_735 = arith.constant 1000 : i32
      %broadcast_in_dim3A_736 = vector.broadcast %jit3A_735 : i32 to vector<16xi32>
      %select_n3A_737 = arith.select %lt3A_726, %gather3A_734, %broadcast_in_dim3A_736 : vector<16xi1>, vector<16xi32>
      %swap3A_738 = arith.constant 1 : i32
      %swap3A_739 = arith.index_cast %swap3A_738 : i32 to index
      %swap3A_740 = arith.constant 16 : index
      %swap3A_741 = tpu.vector_load %arg8[%swap3A_739, %swap3A_740] {strides = array<i32>} : memref<8x128xi32, #tpu.memory_space<vmem>>, vector<16xi32>,
      tpu.vector_store %arg8[%swap3A_739, %swap3A_740], %select_n3A_737 {strides = array<i32>} : memref<8x128xi32, #tpu.memory_space<vmem>>, vector<16xi32>,
      %add3A_742 = arith.constant 160 : i32
      %add3A_743 = arith.addi %mul3A_32, %add3A_742 : i32
      %add3A_744 = vector.broadcast %add3A_743 : i32 to vector<16xi32>
      %add3A_745 = arith.addi %iota3A, %add3A_744 : vector<16xi32>
      %lt3A_746 = vector.broadcast %sub3A_295 : i32 to vector<16xi32>
      %lt3A_747 = arith.cmpi slt, %add3A_745, %lt3A_746 : vector<16xi32>
      %add3A_748 = arith.constant 160 : i32
      %add3A_749 = arith.addi %sub3A_348, %add3A_748 : i32
      %add3A_750 = vector.broadcast %add3A_749 : i32 to vector<16xi32>
      %add3A_751 = arith.addi %add3A_750, %iota3A : vector<16xi32>
      %min3A_752 = arith.constant 1039 : i32
      %min3A_753 = vector.broadcast %min3A_752 : i32 to vector<16xi32>
      %min3A_754 = arith.minsi %add3A_751, %min3A_753 : vector<16xi32>
      %gather3A_755 = tpu.vector_load_idx %arg7[%min3A_754] : memref<1040xi32, #tpu.memory_space<vmem>>[vector<16xi32>], vector<16xi32>,
      %jit3A_756 = arith.constant 1000 : i32
      %broadcast_in_dim3A_757 = vector.broadcast %jit3A_756 : i32 to vector<16xi32>
      %select_n3A_758 = arith.select %lt3A_747, %gather3A_755, %broadcast_in_dim3A_757 : vector<16xi1>, vector<16xi32>
      %swap3A_759 = arith.constant 1 : i32
      %swap3A_760 = arith.index_cast %swap3A_759 : i32 to index
      %swap3A_761 = arith.constant 32 : index
      %swap3A_762 = tpu.vector_load %arg8[%swap3A_760, %swap3A_761] {strides = array<i32>} : memref<8x128xi32, #tpu.memory_space<vmem>>, vector<16xi32>,
      tpu.vector_store %arg8[%swap3A_760, %swap3A_761], %select_n3A_758 {strides = array<i32>} : memref<8x128xi32, #tpu.memory_space<vmem>>, vector<16xi32>,
      %add3A_763 = arith.constant 176 : i32
      %add3A_764 = arith.addi %mul3A_32, %add3A_763 : i32
      %add3A_765 = vector.broadcast %add3A_764 : i32 to vector<16xi32>
      %add3A_766 = arith.addi %iota3A, %add3A_765 : vector<16xi32>
      %lt3A_767 = vector.broadcast %sub3A_295 : i32 to vector<16xi32>
      %lt3A_768 = arith.cmpi slt, %add3A_766, %lt3A_767 : vector<16xi32>
      %add3A_769 = arith.constant 176 : i32
      %add3A_770 = arith.addi %sub3A_348, %add3A_769 : i32
      %add3A_771 = vector.broadcast %add3A_770 : i32 to vector<16xi32>
      %add3A_772 = arith.addi %add3A_771, %iota3A : vector<16xi32>
      %min3A_773 = arith.constant 1039 : i32
      %min3A_774 = vector.broadcast %min3A_773 : i32 to vector<16xi32>
      %min3A_775 = arith.minsi %add3A_772, %min3A_774 : vector<16xi32>
      %gather3A_776 = tpu.vector_load_idx %arg7[%min3A_775] : memref<1040xi32, #tpu.memory_space<vmem>>[vector<16xi32>], vector<16xi32>,
      %jit3A_777 = arith.constant 1000 : i32
      %broadcast_in_dim3A_778 = vector.broadcast %jit3A_777 : i32 to vector<16xi32>
      %select_n3A_779 = arith.select %lt3A_768, %gather3A_776, %broadcast_in_dim3A_778 : vector<16xi1>, vector<16xi32>
      %swap3A_780 = arith.constant 1 : i32
      %swap3A_781 = arith.index_cast %swap3A_780 : i32 to index
      %swap3A_782 = arith.constant 48 : index
      %swap3A_783 = tpu.vector_load %arg8[%swap3A_781, %swap3A_782] {strides = array<i32>} : memref<8x128xi32, #tpu.memory_space<vmem>>, vector<16xi32>,
      tpu.vector_store %arg8[%swap3A_781, %swap3A_782], %select_n3A_779 {strides = array<i32>} : memref<8x128xi32, #tpu.memory_space<vmem>>, vector<16xi32>,
      %add3A_784 = arith.constant 192 : i32
      %add3A_785 = arith.addi %mul3A_32, %add3A_784 : i32
      %add3A_786 = vector.broadcast %add3A_785 : i32 to vector<16xi32>
      %add3A_787 = arith.addi %iota3A, %add3A_786 : vector<16xi32>
      %lt3A_788 = vector.broadcast %sub3A_295 : i32 to vector<16xi32>
      %lt3A_789 = arith.cmpi slt, %add3A_787, %lt3A_788 : vector<16xi32>
      %add3A_790 = arith.constant 192 : i32
      %add3A_791 = arith.addi %sub3A_348, %add3A_790 : i32
      %add3A_792 = vector.broadcast %add3A_791 : i32 to vector<16xi32>
      %add3A_793 = arith.addi %add3A_792, %iota3A : vector<16xi32>
      %min3A_794 = arith.constant 1039 : i32
      %min3A_795 = vector.broadcast %min3A_794 : i32 to vector<16xi32>
      %min3A_796 = arith.minsi %add3A_793, %min3A_795 : vector<16xi32>
      %gather3A_797 = tpu.vector_load_idx %arg7[%min3A_796] : memref<1040xi32, #tpu.memory_space<vmem>>[vector<16xi32>], vector<16xi32>,
      %jit3A_798 = arith.constant 1000 : i32
      %broadcast_in_dim3A_799 = vector.broadcast %jit3A_798 : i32 to vector<16xi32>
      %select_n3A_800 = arith.select %lt3A_789, %gather3A_797, %broadcast_in_dim3A_799 : vector<16xi1>, vector<16xi32>
      %swap3A_801 = arith.constant 1 : i32
      %swap3A_802 = arith.index_cast %swap3A_801 : i32 to index
      %swap3A_803 = arith.constant 64 : index
      %swap3A_804 = tpu.vector_load %arg8[%swap3A_802, %swap3A_803] {strides = array<i32>} : memref<8x128xi32, #tpu.memory_space<vmem>>, vector<16xi32>,
      tpu.vector_store %arg8[%swap3A_802, %swap3A_803], %select_n3A_800 {strides = array<i32>} : memref<8x128xi32, #tpu.memory_space<vmem>>, vector<16xi32>,
      %add3A_805 = arith.constant 208 : i32
      %add3A_806 = arith.addi %mul3A_32, %add3A_805 : i32
      %add3A_807 = vector.broadcast %add3A_806 : i32 to vector<16xi32>
      %add3A_808 = arith.addi %iota3A, %add3A_807 : vector<16xi32>
      %lt3A_809 = vector.broadcast %sub3A_295 : i32 to vector<16xi32>
      %lt3A_810 = arith.cmpi slt, %add3A_808, %lt3A_809 : vector<16xi32>
      %add3A_811 = arith.constant 208 : i32
      %add3A_812 = arith.addi %sub3A_348, %add3A_811 : i32
      %add3A_813 = vector.broadcast %add3A_812 : i32 to vector<16xi32>
      %add3A_814 = arith.addi %add3A_813, %iota3A : vector<16xi32>
      %min3A_815 = arith.constant 1039 : i32
      %min3A_816 = vector.broadcast %min3A_815 : i32 to vector<16xi32>
      %min3A_817 = arith.minsi %add3A_814, %min3A_816 : vector<16xi32>
      %gather3A_818 = tpu.vector_load_idx %arg7[%min3A_817] : memref<1040xi32, #tpu.memory_space<vmem>>[vector<16xi32>], vector<16xi32>,
      %jit3A_819 = arith.constant 1000 : i32
      %broadcast_in_dim3A_820 = vector.broadcast %jit3A_819 : i32 to vector<16xi32>
      %select_n3A_821 = arith.select %lt3A_810, %gather3A_818, %broadcast_in_dim3A_820 : vector<16xi1>, vector<16xi32>
      %swap3A_822 = arith.constant 1 : i32
      %swap3A_823 = arith.index_cast %swap3A_822 : i32 to index
      %swap3A_824 = arith.constant 80 : index
      %swap3A_825 = tpu.vector_load %arg8[%swap3A_823, %swap3A_824] {strides = array<i32>} : memref<8x128xi32, #tpu.memory_space<vmem>>, vector<16xi32>,
      tpu.vector_store %arg8[%swap3A_823, %swap3A_824], %select_n3A_821 {strides = array<i32>} : memref<8x128xi32, #tpu.memory_space<vmem>>, vector<16xi32>,
      %add3A_826 = arith.constant 224 : i32
      %add3A_827 = arith.addi %mul3A_32, %add3A_826 : i32
      %add3A_828 = vector.broadcast %add3A_827 : i32 to vector<16xi32>
      %add3A_829 = arith.addi %iota3A, %add3A_828 : vector<16xi32>
      %lt3A_830 = vector.broadcast %sub3A_295 : i32 to vector<16xi32>
      %lt3A_831 = arith.cmpi slt, %add3A_829, %lt3A_830 : vector<16xi32>
      %add3A_832 = arith.constant 224 : i32
      %add3A_833 = arith.addi %sub3A_348, %add3A_832 : i32
      %add3A_834 = vector.broadcast %add3A_833 : i32 to vector<16xi32>
      %add3A_835 = arith.addi %add3A_834, %iota3A : vector<16xi32>
      %min3A_836 = arith.constant 1039 : i32
      %min3A_837 = vector.broadcast %min3A_836 : i32 to vector<16xi32>
      %min3A_838 = arith.minsi %add3A_835, %min3A_837 : vector<16xi32>
      %gather3A_839 = tpu.vector_load_idx %arg7[%min3A_838] : memref<1040xi32, #tpu.memory_space<vmem>>[vector<16xi32>], vector<16xi32>,
      %jit3A_840 = arith.constant 1000 : i32
      %broadcast_in_dim3A_841 = vector.broadcast %jit3A_840 : i32 to vector<16xi32>
      %select_n3A_842 = arith.select %lt3A_831, %gather3A_839, %broadcast_in_dim3A_841 : vector<16xi1>, vector<16xi32>
      %swap3A_843 = arith.constant 1 : i32
      %swap3A_844 = arith.index_cast %swap3A_843 : i32 to index
      %swap3A_845 = arith.constant 96 : index
      %swap3A_846 = tpu.vector_load %arg8[%swap3A_844, %swap3A_845] {strides = array<i32>} : memref<8x128xi32, #tpu.memory_space<vmem>>, vector<16xi32>,
      tpu.vector_store %arg8[%swap3A_844, %swap3A_845], %select_n3A_842 {strides = array<i32>} : memref<8x128xi32, #tpu.memory_space<vmem>>, vector<16xi32>,
      %add3A_847 = arith.constant 240 : i32
      %add3A_848 = arith.addi %mul3A_32, %add3A_847 : i32
      %add3A_849 = vector.broadcast %add3A_848 : i32 to vector<16xi32>
      %add3A_850 = arith.addi %iota3A, %add3A_849 : vector<16xi32>
      %lt3A_851 = vector.broadcast %sub3A_295 : i32 to vector<16xi32>
      %lt3A_852 = arith.cmpi slt, %add3A_850, %lt3A_851 : vector<16xi32>
      %add3A_853 = arith.constant 240 : i32
      %add3A_854 = arith.addi %sub3A_348, %add3A_853 : i32
      %add3A_855 = vector.broadcast %add3A_854 : i32 to vector<16xi32>
      %add3A_856 = arith.addi %add3A_855, %iota3A : vector<16xi32>
      %min3A_857 = arith.constant 1039 : i32
      %min3A_858 = vector.broadcast %min3A_857 : i32 to vector<16xi32>
      %min3A_859 = arith.minsi %add3A_856, %min3A_858 : vector<16xi32>
      %gather3A_860 = tpu.vector_load_idx %arg7[%min3A_859] : memref<1040xi32, #tpu.memory_space<vmem>>[vector<16xi32>], vector<16xi32>,
      %jit3A_861 = arith.constant 1000 : i32
      %broadcast_in_dim3A_862 = vector.broadcast %jit3A_861 : i32 to vector<16xi32>
      %select_n3A_863 = arith.select %lt3A_852, %gather3A_860, %broadcast_in_dim3A_862 : vector<16xi1>, vector<16xi32>
      %swap3A_864 = arith.constant 1 : i32
      %swap3A_865 = arith.index_cast %swap3A_864 : i32 to index
      %swap3A_866 = arith.constant 112 : index
      %swap3A_867 = tpu.vector_load %arg8[%swap3A_865, %swap3A_866] {strides = array<i32>} : memref<8x128xi32, #tpu.memory_space<vmem>>, vector<16xi32>,
      tpu.vector_store %arg8[%swap3A_865, %swap3A_866], %select_n3A_863 {strides = array<i32>} : memref<8x128xi32, #tpu.memory_space<vmem>>, vector<16xi32>,
    } else {
    }
    %convert_element_type3A_474 = arith.extui %lt3A_304 : i1 to i32
    %cond3A_475 = arith.constant 0 : i32
    %cond3A_476 = arith.cmpi ne, %convert_element_type3A_474, %cond3A_475 : i32
    scf.if %cond3A_476 {
      %add3A_701 = arith.constant 256 : i32
      %add3A_702 = arith.addi %mul3A_32, %add3A_701 : i32
      %add3A_703 = vector.broadcast %add3A_702 : i32 to vector<16xi32>
      %add3A_704 = arith.addi %iota3A, %add3A_703 : vector<16xi32>
      %lt3A_705 = vector.broadcast %sub3A_295 : i32 to vector<16xi32>
      %lt3A_706 = arith.cmpi slt, %add3A_704, %lt3A_705 : vector<16xi32>
      %add3A_707 = arith.constant 256 : i32
      %add3A_708 = arith.addi %sub3A_348, %add3A_707 : i32
      %add3A_709 = vector.broadcast %add3A_708 : i32 to vector<16xi32>
      %add3A_710 = arith.addi %add3A_709, %iota3A : vector<16xi32>
      %min3A_711 = arith.constant 1039 : i32
      %min3A_712 = vector.broadcast %min3A_711 : i32 to vector<16xi32>
      %min3A_713 = arith.minsi %add3A_710, %min3A_712 : vector<16xi32>
      %gather3A = tpu.vector_load_idx %arg7[%min3A_713] : memref<1040xi32, #tpu.memory_space<vmem>>[vector<16xi32>], vector<16xi32>,
      %jit3A_714 = arith.constant 1000 : i32
      %broadcast_in_dim3A_715 = vector.broadcast %jit3A_714 : i32 to vector<16xi32>
      %select_n3A_716 = arith.select %lt3A_706, %gather3A, %broadcast_in_dim3A_715 : vector<16xi1>, vector<16xi32>
      %swap3A_717 = arith.constant 2 : i32
      %swap3A_718 = arith.index_cast %swap3A_717 : i32 to index
      %swap3A_719 = arith.constant 0 : index
      %swap3A_720 = tpu.vector_load %arg8[%swap3A_718, %swap3A_719] {strides = array<i32>} : memref<8x128xi32, #tpu.memory_space<vmem>>, vector<16xi32>,
      tpu.vector_store %arg8[%swap3A_718, %swap3A_719], %select_n3A_716 {strides = array<i32>} : memref<8x128xi32, #tpu.memory_space<vmem>>, vector<16xi32>,
      %add3A_721 = arith.constant 272 : i32
      %add3A_722 = arith.addi %mul3A_32, %add3A_721 : i32
      %add3A_723 = vector.broadcast %add3A_722 : i32 to vector<16xi32>
      %add3A_724 = arith.addi %iota3A, %add3A_723 : vector<16xi32>
      %lt3A_725 = vector.broadcast %sub3A_295 : i32 to vector<16xi32>
      %lt3A_726 = arith.cmpi slt, %add3A_724, %lt3A_725 : vector<16xi32>
      %add3A_727 = arith.constant 272 : i32
      %add3A_728 = arith.addi %sub3A_348, %add3A_727 : i32
      %add3A_729 = vector.broadcast %add3A_728 : i32 to vector<16xi32>
      %add3A_730 = arith.addi %add3A_729, %iota3A : vector<16xi32>
      %min3A_731 = arith.constant 1039 : i32
      %min3A_732 = vector.broadcast %min3A_731 : i32 to vector<16xi32>
      %min3A_733 = arith.minsi %add3A_730, %min3A_732 : vector<16xi32>
      %gather3A_734 = tpu.vector_load_idx %arg7[%min3A_733] : memref<1040xi32, #tpu.memory_space<vmem>>[vector<16xi32>], vector<16xi32>,
      %jit3A_735 = arith.constant 1000 : i32
      %broadcast_in_dim3A_736 = vector.broadcast %jit3A_735 : i32 to vector<16xi32>
      %select_n3A_737 = arith.select %lt3A_726, %gather3A_734, %broadcast_in_dim3A_736 : vector<16xi1>, vector<16xi32>
      %swap3A_738 = arith.constant 2 : i32
      %swap3A_739 = arith.index_cast %swap3A_738 : i32 to index
      %swap3A_740 = arith.constant 16 : index
      %swap3A_741 = tpu.vector_load %arg8[%swap3A_739, %swap3A_740] {strides = array<i32>} : memref<8x128xi32, #tpu.memory_space<vmem>>, vector<16xi32>,
      tpu.vector_store %arg8[%swap3A_739, %swap3A_740], %select_n3A_737 {strides = array<i32>} : memref<8x128xi32, #tpu.memory_space<vmem>>, vector<16xi32>,
      %add3A_742 = arith.constant 288 : i32
      %add3A_743 = arith.addi %mul3A_32, %add3A_742 : i32
      %add3A_744 = vector.broadcast %add3A_743 : i32 to vector<16xi32>
      %add3A_745 = arith.addi %iota3A, %add3A_744 : vector<16xi32>
      %lt3A_746 = vector.broadcast %sub3A_295 : i32 to vector<16xi32>
      %lt3A_747 = arith.cmpi slt, %add3A_745, %lt3A_746 : vector<16xi32>
      %add3A_748 = arith.constant 288 : i32
      %add3A_749 = arith.addi %sub3A_348, %add3A_748 : i32
      %add3A_750 = vector.broadcast %add3A_749 : i32 to vector<16xi32>
      %add3A_751 = arith.addi %add3A_750, %iota3A : vector<16xi32>
      %min3A_752 = arith.constant 1039 : i32
      %min3A_753 = vector.broadcast %min3A_752 : i32 to vector<16xi32>
      %min3A_754 = arith.minsi %add3A_751, %min3A_753 : vector<16xi32>
      %gather3A_755 = tpu.vector_load_idx %arg7[%min3A_754] : memref<1040xi32, #tpu.memory_space<vmem>>[vector<16xi32>], vector<16xi32>,
      %jit3A_756 = arith.constant 1000 : i32
      %broadcast_in_dim3A_757 = vector.broadcast %jit3A_756 : i32 to vector<16xi32>
      %select_n3A_758 = arith.select %lt3A_747, %gather3A_755, %broadcast_in_dim3A_757 : vector<16xi1>, vector<16xi32>
      %swap3A_759 = arith.constant 2 : i32
      %swap3A_760 = arith.index_cast %swap3A_759 : i32 to index
      %swap3A_761 = arith.constant 32 : index
      %swap3A_762 = tpu.vector_load %arg8[%swap3A_760, %swap3A_761] {strides = array<i32>} : memref<8x128xi32, #tpu.memory_space<vmem>>, vector<16xi32>,
      tpu.vector_store %arg8[%swap3A_760, %swap3A_761], %select_n3A_758 {strides = array<i32>} : memref<8x128xi32, #tpu.memory_space<vmem>>, vector<16xi32>,
      %add3A_763 = arith.constant 304 : i32
      %add3A_764 = arith.addi %mul3A_32, %add3A_763 : i32
      %add3A_765 = vector.broadcast %add3A_764 : i32 to vector<16xi32>
      %add3A_766 = arith.addi %iota3A, %add3A_765 : vector<16xi32>
      %lt3A_767 = vector.broadcast %sub3A_295 : i32 to vector<16xi32>
      %lt3A_768 = arith.cmpi slt, %add3A_766, %lt3A_767 : vector<16xi32>
      %add3A_769 = arith.constant 304 : i32
      %add3A_770 = arith.addi %sub3A_348, %add3A_769 : i32
      %add3A_771 = vector.broadcast %add3A_770 : i32 to vector<16xi32>
      %add3A_772 = arith.addi %add3A_771, %iota3A : vector<16xi32>
      %min3A_773 = arith.constant 1039 : i32
      %min3A_774 = vector.broadcast %min3A_773 : i32 to vector<16xi32>
      %min3A_775 = arith.minsi %add3A_772, %min3A_774 : vector<16xi32>
      %gather3A_776 = tpu.vector_load_idx %arg7[%min3A_775] : memref<1040xi32, #tpu.memory_space<vmem>>[vector<16xi32>], vector<16xi32>,
      %jit3A_777 = arith.constant 1000 : i32
      %broadcast_in_dim3A_778 = vector.broadcast %jit3A_777 : i32 to vector<16xi32>
      %select_n3A_779 = arith.select %lt3A_768, %gather3A_776, %broadcast_in_dim3A_778 : vector<16xi1>, vector<16xi32>
      %swap3A_780 = arith.constant 2 : i32
      %swap3A_781 = arith.index_cast %swap3A_780 : i32 to index
      %swap3A_782 = arith.constant 48 : index
      %swap3A_783 = tpu.vector_load %arg8[%swap3A_781, %swap3A_782] {strides = array<i32>} : memref<8x128xi32, #tpu.memory_space<vmem>>, vector<16xi32>,
      tpu.vector_store %arg8[%swap3A_781, %swap3A_782], %select_n3A_779 {strides = array<i32>} : memref<8x128xi32, #tpu.memory_space<vmem>>, vector<16xi32>,
      %add3A_784 = arith.constant 320 : i32
      %add3A_785 = arith.addi %mul3A_32, %add3A_784 : i32
      %add3A_786 = vector.broadcast %add3A_785 : i32 to vector<16xi32>
      %add3A_787 = arith.addi %iota3A, %add3A_786 : vector<16xi32>
      %lt3A_788 = vector.broadcast %sub3A_295 : i32 to vector<16xi32>
      %lt3A_789 = arith.cmpi slt, %add3A_787, %lt3A_788 : vector<16xi32>
      %add3A_790 = arith.constant 320 : i32
      %add3A_791 = arith.addi %sub3A_348, %add3A_790 : i32
      %add3A_792 = vector.broadcast %add3A_791 : i32 to vector<16xi32>
      %add3A_793 = arith.addi %add3A_792, %iota3A : vector<16xi32>
      %min3A_794 = arith.constant 1039 : i32
      %min3A_795 = vector.broadcast %min3A_794 : i32 to vector<16xi32>
      %min3A_796 = arith.minsi %add3A_793, %min3A_795 : vector<16xi32>
      %gather3A_797 = tpu.vector_load_idx %arg7[%min3A_796] : memref<1040xi32, #tpu.memory_space<vmem>>[vector<16xi32>], vector<16xi32>,
      %jit3A_798 = arith.constant 1000 : i32
      %broadcast_in_dim3A_799 = vector.broadcast %jit3A_798 : i32 to vector<16xi32>
      %select_n3A_800 = arith.select %lt3A_789, %gather3A_797, %broadcast_in_dim3A_799 : vector<16xi1>, vector<16xi32>
      %swap3A_801 = arith.constant 2 : i32
      %swap3A_802 = arith.index_cast %swap3A_801 : i32 to index
      %swap3A_803 = arith.constant 64 : index
      %swap3A_804 = tpu.vector_load %arg8[%swap3A_802, %swap3A_803] {strides = array<i32>} : memref<8x128xi32, #tpu.memory_space<vmem>>, vector<16xi32>,
      tpu.vector_store %arg8[%swap3A_802, %swap3A_803], %select_n3A_800 {strides = array<i32>} : memref<8x128xi32, #tpu.memory_space<vmem>>, vector<16xi32>,
      %add3A_805 = arith.constant 336 : i32
      %add3A_806 = arith.addi %mul3A_32, %add3A_805 : i32
      %add3A_807 = vector.broadcast %add3A_806 : i32 to vector<16xi32>
      %add3A_808 = arith.addi %iota3A, %add3A_807 : vector<16xi32>
      %lt3A_809 = vector.broadcast %sub3A_295 : i32 to vector<16xi32>
      %lt3A_810 = arith.cmpi slt, %add3A_808, %lt3A_809 : vector<16xi32>
      %add3A_811 = arith.constant 336 : i32
      %add3A_812 = arith.addi %sub3A_348, %add3A_811 : i32
      %add3A_813 = vector.broadcast %add3A_812 : i32 to vector<16xi32>
      %add3A_814 = arith.addi %add3A_813, %iota3A : vector<16xi32>
      %min3A_815 = arith.constant 1039 : i32
      %min3A_816 = vector.broadcast %min3A_815 : i32 to vector<16xi32>
      %min3A_817 = arith.minsi %add3A_814, %min3A_816 : vector<16xi32>
      %gather3A_818 = tpu.vector_load_idx %arg7[%min3A_817] : memref<1040xi32, #tpu.memory_space<vmem>>[vector<16xi32>], vector<16xi32>,
      %jit3A_819 = arith.constant 1000 : i32
      %broadcast_in_dim3A_820 = vector.broadcast %jit3A_819 : i32 to vector<16xi32>
      %select_n3A_821 = arith.select %lt3A_810, %gather3A_818, %broadcast_in_dim3A_820 : vector<16xi1>, vector<16xi32>
      %swap3A_822 = arith.constant 2 : i32
      %swap3A_823 = arith.index_cast %swap3A_822 : i32 to index
      %swap3A_824 = arith.constant 80 : index
      %swap3A_825 = tpu.vector_load %arg8[%swap3A_823, %swap3A_824] {strides = array<i32>} : memref<8x128xi32, #tpu.memory_space<vmem>>, vector<16xi32>,
      tpu.vector_store %arg8[%swap3A_823, %swap3A_824], %select_n3A_821 {strides = array<i32>} : memref<8x128xi32, #tpu.memory_space<vmem>>, vector<16xi32>,
      %add3A_826 = arith.constant 352 : i32
      %add3A_827 = arith.addi %mul3A_32, %add3A_826 : i32
      %add3A_828 = vector.broadcast %add3A_827 : i32 to vector<16xi32>
      %add3A_829 = arith.addi %iota3A, %add3A_828 : vector<16xi32>
      %lt3A_830 = vector.broadcast %sub3A_295 : i32 to vector<16xi32>
      %lt3A_831 = arith.cmpi slt, %add3A_829, %lt3A_830 : vector<16xi32>
      %add3A_832 = arith.constant 352 : i32
      %add3A_833 = arith.addi %sub3A_348, %add3A_832 : i32
      %add3A_834 = vector.broadcast %add3A_833 : i32 to vector<16xi32>
      %add3A_835 = arith.addi %add3A_834, %iota3A : vector<16xi32>
      %min3A_836 = arith.constant 1039 : i32
      %min3A_837 = vector.broadcast %min3A_836 : i32 to vector<16xi32>
      %min3A_838 = arith.minsi %add3A_835, %min3A_837 : vector<16xi32>
      %gather3A_839 = tpu.vector_load_idx %arg7[%min3A_838] : memref<1040xi32, #tpu.memory_space<vmem>>[vector<16xi32>], vector<16xi32>,
      %jit3A_840 = arith.constant 1000 : i32
      %broadcast_in_dim3A_841 = vector.broadcast %jit3A_840 : i32 to vector<16xi32>
      %select_n3A_842 = arith.select %lt3A_831, %gather3A_839, %broadcast_in_dim3A_841 : vector<16xi1>, vector<16xi32>
      %swap3A_843 = arith.constant 2 : i32
      %swap3A_844 = arith.index_cast %swap3A_843 : i32 to index
      %swap3A_845 = arith.constant 96 : index
      %swap3A_846 = tpu.vector_load %arg8[%swap3A_844, %swap3A_845] {strides = array<i32>} : memref<8x128xi32, #tpu.memory_space<vmem>>, vector<16xi32>,
      tpu.vector_store %arg8[%swap3A_844, %swap3A_845], %select_n3A_842 {strides = array<i32>} : memref<8x128xi32, #tpu.memory_space<vmem>>, vector<16xi32>,
      %add3A_847 = arith.constant 368 : i32
      %add3A_848 = arith.addi %mul3A_32, %add3A_847 : i32
      %add3A_849 = vector.broadcast %add3A_848 : i32 to vector<16xi32>
      %add3A_850 = arith.addi %iota3A, %add3A_849 : vector<16xi32>
      %lt3A_851 = vector.broadcast %sub3A_295 : i32 to vector<16xi32>
      %lt3A_852 = arith.cmpi slt, %add3A_850, %lt3A_851 : vector<16xi32>
      %add3A_853 = arith.constant 368 : i32
      %add3A_854 = arith.addi %sub3A_348, %add3A_853 : i32
      %add3A_855 = vector.broadcast %add3A_854 : i32 to vector<16xi32>
      %add3A_856 = arith.addi %add3A_855, %iota3A : vector<16xi32>
      %min3A_857 = arith.constant 1039 : i32
      %min3A_858 = vector.broadcast %min3A_857 : i32 to vector<16xi32>
      %min3A_859 = arith.minsi %add3A_856, %min3A_858 : vector<16xi32>
      %gather3A_860 = tpu.vector_load_idx %arg7[%min3A_859] : memref<1040xi32, #tpu.memory_space<vmem>>[vector<16xi32>], vector<16xi32>,
      %jit3A_861 = arith.constant 1000 : i32
      %broadcast_in_dim3A_862 = vector.broadcast %jit3A_861 : i32 to vector<16xi32>
      %select_n3A_863 = arith.select %lt3A_852, %gather3A_860, %broadcast_in_dim3A_862 : vector<16xi1>, vector<16xi32>
      %swap3A_864 = arith.constant 2 : i32
      %swap3A_865 = arith.index_cast %swap3A_864 : i32 to index
      %swap3A_866 = arith.constant 112 : index
      %swap3A_867 = tpu.vector_load %arg8[%swap3A_865, %swap3A_866] {strides = array<i32>} : memref<8x128xi32, #tpu.memory_space<vmem>>, vector<16xi32>,
      tpu.vector_store %arg8[%swap3A_865, %swap3A_866], %select_n3A_863 {strides = array<i32>} : memref<8x128xi32, #tpu.memory_space<vmem>>, vector<16xi32>,
    } else {
    }
    %convert_element_type3A_477 = arith.extui %lt3A_307 : i1 to i32
    %cond3A_478 = arith.constant 0 : i32
    %cond3A_479 = arith.cmpi ne, %convert_element_type3A_477, %cond3A_478 : i32
    scf.if %cond3A_479 {
      %add3A_701 = arith.constant 384 : i32
      %add3A_702 = arith.addi %mul3A_32, %add3A_701 : i32
      %add3A_703 = vector.broadcast %add3A_702 : i32 to vector<16xi32>
      %add3A_704 = arith.addi %iota3A, %add3A_703 : vector<16xi32>
      %lt3A_705 = vector.broadcast %sub3A_295 : i32 to vector<16xi32>
      %lt3A_706 = arith.cmpi slt, %add3A_704, %lt3A_705 : vector<16xi32>
      %add3A_707 = arith.constant 384 : i32
      %add3A_708 = arith.addi %sub3A_348, %add3A_707 : i32
      %add3A_709 = vector.broadcast %add3A_708 : i32 to vector<16xi32>
      %add3A_710 = arith.addi %add3A_709, %iota3A : vector<16xi32>
      %min3A_711 = arith.constant 1039 : i32
      %min3A_712 = vector.broadcast %min3A_711 : i32 to vector<16xi32>
      %min3A_713 = arith.minsi %add3A_710, %min3A_712 : vector<16xi32>
      %gather3A = tpu.vector_load_idx %arg7[%min3A_713] : memref<1040xi32, #tpu.memory_space<vmem>>[vector<16xi32>], vector<16xi32>,
      %jit3A_714 = arith.constant 1000 : i32
      %broadcast_in_dim3A_715 = vector.broadcast %jit3A_714 : i32 to vector<16xi32>
      %select_n3A_716 = arith.select %lt3A_706, %gather3A, %broadcast_in_dim3A_715 : vector<16xi1>, vector<16xi32>
      %swap3A_717 = arith.constant 3 : i32
      %swap3A_718 = arith.index_cast %swap3A_717 : i32 to index
      %swap3A_719 = arith.constant 0 : index
      %swap3A_720 = tpu.vector_load %arg8[%swap3A_718, %swap3A_719] {strides = array<i32>} : memref<8x128xi32, #tpu.memory_space<vmem>>, vector<16xi32>,
      tpu.vector_store %arg8[%swap3A_718, %swap3A_719], %select_n3A_716 {strides = array<i32>} : memref<8x128xi32, #tpu.memory_space<vmem>>, vector<16xi32>,
      %add3A_721 = arith.constant 400 : i32
      %add3A_722 = arith.addi %mul3A_32, %add3A_721 : i32
      %add3A_723 = vector.broadcast %add3A_722 : i32 to vector<16xi32>
      %add3A_724 = arith.addi %iota3A, %add3A_723 : vector<16xi32>
      %lt3A_725 = vector.broadcast %sub3A_295 : i32 to vector<16xi32>
      %lt3A_726 = arith.cmpi slt, %add3A_724, %lt3A_725 : vector<16xi32>
      %add3A_727 = arith.constant 400 : i32
      %add3A_728 = arith.addi %sub3A_348, %add3A_727 : i32
      %add3A_729 = vector.broadcast %add3A_728 : i32 to vector<16xi32>
      %add3A_730 = arith.addi %add3A_729, %iota3A : vector<16xi32>
      %min3A_731 = arith.constant 1039 : i32
      %min3A_732 = vector.broadcast %min3A_731 : i32 to vector<16xi32>
      %min3A_733 = arith.minsi %add3A_730, %min3A_732 : vector<16xi32>
      %gather3A_734 = tpu.vector_load_idx %arg7[%min3A_733] : memref<1040xi32, #tpu.memory_space<vmem>>[vector<16xi32>], vector<16xi32>,
      %jit3A_735 = arith.constant 1000 : i32
      %broadcast_in_dim3A_736 = vector.broadcast %jit3A_735 : i32 to vector<16xi32>
      %select_n3A_737 = arith.select %lt3A_726, %gather3A_734, %broadcast_in_dim3A_736 : vector<16xi1>, vector<16xi32>
      %swap3A_738 = arith.constant 3 : i32
      %swap3A_739 = arith.index_cast %swap3A_738 : i32 to index
      %swap3A_740 = arith.constant 16 : index
      %swap3A_741 = tpu.vector_load %arg8[%swap3A_739, %swap3A_740] {strides = array<i32>} : memref<8x128xi32, #tpu.memory_space<vmem>>, vector<16xi32>,
      tpu.vector_store %arg8[%swap3A_739, %swap3A_740], %select_n3A_737 {strides = array<i32>} : memref<8x128xi32, #tpu.memory_space<vmem>>, vector<16xi32>,
      %add3A_742 = arith.constant 416 : i32
      %add3A_743 = arith.addi %mul3A_32, %add3A_742 : i32
      %add3A_744 = vector.broadcast %add3A_743 : i32 to vector<16xi32>
      %add3A_745 = arith.addi %iota3A, %add3A_744 : vector<16xi32>
      %lt3A_746 = vector.broadcast %sub3A_295 : i32 to vector<16xi32>
      %lt3A_747 = arith.cmpi slt, %add3A_745, %lt3A_746 : vector<16xi32>
      %add3A_748 = arith.constant 416 : i32
      %add3A_749 = arith.addi %sub3A_348, %add3A_748 : i32
      %add3A_750 = vector.broadcast %add3A_749 : i32 to vector<16xi32>
      %add3A_751 = arith.addi %add3A_750, %iota3A : vector<16xi32>
      %min3A_752 = arith.constant 1039 : i32
      %min3A_753 = vector.broadcast %min3A_752 : i32 to vector<16xi32>
      %min3A_754 = arith.minsi %add3A_751, %min3A_753 : vector<16xi32>
      %gather3A_755 = tpu.vector_load_idx %arg7[%min3A_754] : memref<1040xi32, #tpu.memory_space<vmem>>[vector<16xi32>], vector<16xi32>,
      %jit3A_756 = arith.constant 1000 : i32
      %broadcast_in_dim3A_757 = vector.broadcast %jit3A_756 : i32 to vector<16xi32>
      %select_n3A_758 = arith.select %lt3A_747, %gather3A_755, %broadcast_in_dim3A_757 : vector<16xi1>, vector<16xi32>
      %swap3A_759 = arith.constant 3 : i32
      %swap3A_760 = arith.index_cast %swap3A_759 : i32 to index
      %swap3A_761 = arith.constant 32 : index
      %swap3A_762 = tpu.vector_load %arg8[%swap3A_760, %swap3A_761] {strides = array<i32>} : memref<8x128xi32, #tpu.memory_space<vmem>>, vector<16xi32>,
      tpu.vector_store %arg8[%swap3A_760, %swap3A_761], %select_n3A_758 {strides = array<i32>} : memref<8x128xi32, #tpu.memory_space<vmem>>, vector<16xi32>,
      %add3A_763 = arith.constant 432 : i32
      %add3A_764 = arith.addi %mul3A_32, %add3A_763 : i32
      %add3A_765 = vector.broadcast %add3A_764 : i32 to vector<16xi32>
      %add3A_766 = arith.addi %iota3A, %add3A_765 : vector<16xi32>
      %lt3A_767 = vector.broadcast %sub3A_295 : i32 to vector<16xi32>
      %lt3A_768 = arith.cmpi slt, %add3A_766, %lt3A_767 : vector<16xi32>
      %add3A_769 = arith.constant 432 : i32
      %add3A_770 = arith.addi %sub3A_348, %add3A_769 : i32
      %add3A_771 = vector.broadcast %add3A_770 : i32 to vector<16xi32>
      %add3A_772 = arith.addi %add3A_771, %iota3A : vector<16xi32>
      %min3A_773 = arith.constant 1039 : i32
      %min3A_774 = vector.broadcast %min3A_773 : i32 to vector<16xi32>
      %min3A_775 = arith.minsi %add3A_772, %min3A_774 : vector<16xi32>
      %gather3A_776 = tpu.vector_load_idx %arg7[%min3A_775] : memref<1040xi32, #tpu.memory_space<vmem>>[vector<16xi32>], vector<16xi32>,
      %jit3A_777 = arith.constant 1000 : i32
      %broadcast_in_dim3A_778 = vector.broadcast %jit3A_777 : i32 to vector<16xi32>
      %select_n3A_779 = arith.select %lt3A_768, %gather3A_776, %broadcast_in_dim3A_778 : vector<16xi1>, vector<16xi32>
      %swap3A_780 = arith.constant 3 : i32
      %swap3A_781 = arith.index_cast %swap3A_780 : i32 to index
      %swap3A_782 = arith.constant 48 : index
      %swap3A_783 = tpu.vector_load %arg8[%swap3A_781, %swap3A_782] {strides = array<i32>} : memref<8x128xi32, #tpu.memory_space<vmem>>, vector<16xi32>,
      tpu.vector_store %arg8[%swap3A_781, %swap3A_782], %select_n3A_779 {strides = array<i32>} : memref<8x128xi32, #tpu.memory_space<vmem>>, vector<16xi32>,
      %add3A_784 = arith.constant 448 : i32
      %add3A_785 = arith.addi %mul3A_32, %add3A_784 : i32
      %add3A_786 = vector.broadcast %add3A_785 : i32 to vector<16xi32>
      %add3A_787 = arith.addi %iota3A, %add3A_786 : vector<16xi32>
      %lt3A_788 = vector.broadcast %sub3A_295 : i32 to vector<16xi32>
      %lt3A_789 = arith.cmpi slt, %add3A_787, %lt3A_788 : vector<16xi32>
      %add3A_790 = arith.constant 448 : i32
      %add3A_791 = arith.addi %sub3A_348, %add3A_790 : i32
      %add3A_792 = vector.broadcast %add3A_791 : i32 to vector<16xi32>
      %add3A_793 = arith.addi %add3A_792, %iota3A : vector<16xi32>
      %min3A_794 = arith.constant 1039 : i32
      %min3A_795 = vector.broadcast %min3A_794 : i32 to vector<16xi32>
      %min3A_796 = arith.minsi %add3A_793, %min3A_795 : vector<16xi32>
      %gather3A_797 = tpu.vector_load_idx %arg7[%min3A_796] : memref<1040xi32, #tpu.memory_space<vmem>>[vector<16xi32>], vector<16xi32>,
      %jit3A_798 = arith.constant 1000 : i32
      %broadcast_in_dim3A_799 = vector.broadcast %jit3A_798 : i32 to vector<16xi32>
      %select_n3A_800 = arith.select %lt3A_789, %gather3A_797, %broadcast_in_dim3A_799 : vector<16xi1>, vector<16xi32>
      %swap3A_801 = arith.constant 3 : i32
      %swap3A_802 = arith.index_cast %swap3A_801 : i32 to index
      %swap3A_803 = arith.constant 64 : index
      %swap3A_804 = tpu.vector_load %arg8[%swap3A_802, %swap3A_803] {strides = array<i32>} : memref<8x128xi32, #tpu.memory_space<vmem>>, vector<16xi32>,
      tpu.vector_store %arg8[%swap3A_802, %swap3A_803], %select_n3A_800 {strides = array<i32>} : memref<8x128xi32, #tpu.memory_space<vmem>>, vector<16xi32>,
      %add3A_805 = arith.constant 464 : i32
      %add3A_806 = arith.addi %mul3A_32, %add3A_805 : i32
      %add3A_807 = vector.broadcast %add3A_806 : i32 to vector<16xi32>
      %add3A_808 = arith.addi %iota3A, %add3A_807 : vector<16xi32>
      %lt3A_809 = vector.broadcast %sub3A_295 : i32 to vector<16xi32>
      %lt3A_810 = arith.cmpi slt, %add3A_808, %lt3A_809 : vector<16xi32>
      %add3A_811 = arith.constant 464 : i32
      %add3A_812 = arith.addi %sub3A_348, %add3A_811 : i32
      %add3A_813 = vector.broadcast %add3A_812 : i32 to vector<16xi32>
      %add3A_814 = arith.addi %add3A_813, %iota3A : vector<16xi32>
      %min3A_815 = arith.constant 1039 : i32
      %min3A_816 = vector.broadcast %min3A_815 : i32 to vector<16xi32>
      %min3A_817 = arith.minsi %add3A_814, %min3A_816 : vector<16xi32>
      %gather3A_818 = tpu.vector_load_idx %arg7[%min3A_817] : memref<1040xi32, #tpu.memory_space<vmem>>[vector<16xi32>], vector<16xi32>,
      %jit3A_819 = arith.constant 1000 : i32
      %broadcast_in_dim3A_820 = vector.broadcast %jit3A_819 : i32 to vector<16xi32>
      %select_n3A_821 = arith.select %lt3A_810, %gather3A_818, %broadcast_in_dim3A_820 : vector<16xi1>, vector<16xi32>
      %swap3A_822 = arith.constant 3 : i32
      %swap3A_823 = arith.index_cast %swap3A_822 : i32 to index
      %swap3A_824 = arith.constant 80 : index
      %swap3A_825 = tpu.vector_load %arg8[%swap3A_823, %swap3A_824] {strides = array<i32>} : memref<8x128xi32, #tpu.memory_space<vmem>>, vector<16xi32>,
      tpu.vector_store %arg8[%swap3A_823, %swap3A_824], %select_n3A_821 {strides = array<i32>} : memref<8x128xi32, #tpu.memory_space<vmem>>, vector<16xi32>,
      %add3A_826 = arith.constant 480 : i32
      %add3A_827 = arith.addi %mul3A_32, %add3A_826 : i32
      %add3A_828 = vector.broadcast %add3A_827 : i32 to vector<16xi32>
      %add3A_829 = arith.addi %iota3A, %add3A_828 : vector<16xi32>
      %lt3A_830 = vector.broadcast %sub3A_295 : i32 to vector<16xi32>
      %lt3A_831 = arith.cmpi slt, %add3A_829, %lt3A_830 : vector<16xi32>
      %add3A_832 = arith.constant 480 : i32
      %add3A_833 = arith.addi %sub3A_348, %add3A_832 : i32
      %add3A_834 = vector.broadcast %add3A_833 : i32 to vector<16xi32>
      %add3A_835 = arith.addi %add3A_834, %iota3A : vector<16xi32>
      %min3A_836 = arith.constant 1039 : i32
      %min3A_837 = vector.broadcast %min3A_836 : i32 to vector<16xi32>
      %min3A_838 = arith.minsi %add3A_835, %min3A_837 : vector<16xi32>
      %gather3A_839 = tpu.vector_load_idx %arg7[%min3A_838] : memref<1040xi32, #tpu.memory_space<vmem>>[vector<16xi32>], vector<16xi32>,
      %jit3A_840 = arith.constant 1000 : i32
      %broadcast_in_dim3A_841 = vector.broadcast %jit3A_840 : i32 to vector<16xi32>
      %select_n3A_842 = arith.select %lt3A_831, %gather3A_839, %broadcast_in_dim3A_841 : vector<16xi1>, vector<16xi32>
      %swap3A_843 = arith.constant 3 : i32
      %swap3A_844 = arith.index_cast %swap3A_843 : i32 to index
      %swap3A_845 = arith.constant 96 : index
      %swap3A_846 = tpu.vector_load %arg8[%swap3A_844, %swap3A_845] {strides = array<i32>} : memref<8x128xi32, #tpu.memory_space<vmem>>, vector<16xi32>,
      tpu.vector_store %arg8[%swap3A_844, %swap3A_845], %select_n3A_842 {strides = array<i32>} : memref<8x128xi32, #tpu.memory_space<vmem>>, vector<16xi32>,
      %add3A_847 = arith.constant 496 : i32
      %add3A_848 = arith.addi %mul3A_32, %add3A_847 : i32
      %add3A_849 = vector.broadcast %add3A_848 : i32 to vector<16xi32>
      %add3A_850 = arith.addi %iota3A, %add3A_849 : vector<16xi32>
      %lt3A_851 = vector.broadcast %sub3A_295 : i32 to vector<16xi32>
      %lt3A_852 = arith.cmpi slt, %add3A_850, %lt3A_851 : vector<16xi32>
      %add3A_853 = arith.constant 496 : i32
      %add3A_854 = arith.addi %sub3A_348, %add3A_853 : i32
      %add3A_855 = vector.broadcast %add3A_854 : i32 to vector<16xi32>
      %add3A_856 = arith.addi %add3A_855, %iota3A : vector<16xi32>
      %min3A_857 = arith.constant 1039 : i32
      %min3A_858 = vector.broadcast %min3A_857 : i32 to vector<16xi32>
      %min3A_859 = arith.minsi %add3A_856, %min3A_858 : vector<16xi32>
      %gather3A_860 = tpu.vector_load_idx %arg7[%min3A_859] : memref<1040xi32, #tpu.memory_space<vmem>>[vector<16xi32>], vector<16xi32>,
      %jit3A_861 = arith.constant 1000 : i32
      %broadcast_in_dim3A_862 = vector.broadcast %jit3A_861 : i32 to vector<16xi32>
      %select_n3A_863 = arith.select %lt3A_852, %gather3A_860, %broadcast_in_dim3A_862 : vector<16xi1>, vector<16xi32>
      %swap3A_864 = arith.constant 3 : i32
      %swap3A_865 = arith.index_cast %swap3A_864 : i32 to index
      %swap3A_866 = arith.constant 112 : index
      %swap3A_867 = tpu.vector_load %arg8[%swap3A_865, %swap3A_866] {strides = array<i32>} : memref<8x128xi32, #tpu.memory_space<vmem>>, vector<16xi32>,
      tpu.vector_store %arg8[%swap3A_865, %swap3A_866], %select_n3A_863 {strides = array<i32>} : memref<8x128xi32, #tpu.memory_space<vmem>>, vector<16xi32>,
    } else {
    }
    %convert_element_type3A_480 = arith.extui %lt3A_310 : i1 to i32
    %cond3A_481 = arith.constant 0 : i32
    %cond3A_482 = arith.cmpi ne, %convert_element_type3A_480, %cond3A_481 : i32
    scf.if %cond3A_482 {
      %add3A_701 = arith.constant 512 : i32
      %add3A_702 = arith.addi %mul3A_32, %add3A_701 : i32
      %add3A_703 = vector.broadcast %add3A_702 : i32 to vector<16xi32>
      %add3A_704 = arith.addi %iota3A, %add3A_703 : vector<16xi32>
      %lt3A_705 = vector.broadcast %sub3A_295 : i32 to vector<16xi32>
      %lt3A_706 = arith.cmpi slt, %add3A_704, %lt3A_705 : vector<16xi32>
      %add3A_707 = arith.constant 512 : i32
      %add3A_708 = arith.addi %sub3A_348, %add3A_707 : i32
      %add3A_709 = vector.broadcast %add3A_708 : i32 to vector<16xi32>
      %add3A_710 = arith.addi %add3A_709, %iota3A : vector<16xi32>
      %min3A_711 = arith.constant 1039 : i32
      %min3A_712 = vector.broadcast %min3A_711 : i32 to vector<16xi32>
      %min3A_713 = arith.minsi %add3A_710, %min3A_712 : vector<16xi32>
      %gather3A = tpu.vector_load_idx %arg7[%min3A_713] : memref<1040xi32, #tpu.memory_space<vmem>>[vector<16xi32>], vector<16xi32>,
      %jit3A_714 = arith.constant 1000 : i32
      %broadcast_in_dim3A_715 = vector.broadcast %jit3A_714 : i32 to vector<16xi32>
      %select_n3A_716 = arith.select %lt3A_706, %gather3A, %broadcast_in_dim3A_715 : vector<16xi1>, vector<16xi32>
      %swap3A_717 = arith.constant 4 : i32
      %swap3A_718 = arith.index_cast %swap3A_717 : i32 to index
      %swap3A_719 = arith.constant 0 : index
      %swap3A_720 = tpu.vector_load %arg8[%swap3A_718, %swap3A_719] {strides = array<i32>} : memref<8x128xi32, #tpu.memory_space<vmem>>, vector<16xi32>,
      tpu.vector_store %arg8[%swap3A_718, %swap3A_719], %select_n3A_716 {strides = array<i32>} : memref<8x128xi32, #tpu.memory_space<vmem>>, vector<16xi32>,
      %add3A_721 = arith.constant 528 : i32
      %add3A_722 = arith.addi %mul3A_32, %add3A_721 : i32
      %add3A_723 = vector.broadcast %add3A_722 : i32 to vector<16xi32>
      %add3A_724 = arith.addi %iota3A, %add3A_723 : vector<16xi32>
      %lt3A_725 = vector.broadcast %sub3A_295 : i32 to vector<16xi32>
      %lt3A_726 = arith.cmpi slt, %add3A_724, %lt3A_725 : vector<16xi32>
      %add3A_727 = arith.constant 528 : i32
      %add3A_728 = arith.addi %sub3A_348, %add3A_727 : i32
      %add3A_729 = vector.broadcast %add3A_728 : i32 to vector<16xi32>
      %add3A_730 = arith.addi %add3A_729, %iota3A : vector<16xi32>
      %min3A_731 = arith.constant 1039 : i32
      %min3A_732 = vector.broadcast %min3A_731 : i32 to vector<16xi32>
      %min3A_733 = arith.minsi %add3A_730, %min3A_732 : vector<16xi32>
      %gather3A_734 = tpu.vector_load_idx %arg7[%min3A_733] : memref<1040xi32, #tpu.memory_space<vmem>>[vector<16xi32>], vector<16xi32>,
      %jit3A_735 = arith.constant 1000 : i32
      %broadcast_in_dim3A_736 = vector.broadcast %jit3A_735 : i32 to vector<16xi32>
      %select_n3A_737 = arith.select %lt3A_726, %gather3A_734, %broadcast_in_dim3A_736 : vector<16xi1>, vector<16xi32>
      %swap3A_738 = arith.constant 4 : i32
      %swap3A_739 = arith.index_cast %swap3A_738 : i32 to index
      %swap3A_740 = arith.constant 16 : index
      %swap3A_741 = tpu.vector_load %arg8[%swap3A_739, %swap3A_740] {strides = array<i32>} : memref<8x128xi32, #tpu.memory_space<vmem>>, vector<16xi32>,
      tpu.vector_store %arg8[%swap3A_739, %swap3A_740], %select_n3A_737 {strides = array<i32>} : memref<8x128xi32, #tpu.memory_space<vmem>>, vector<16xi32>,
      %add3A_742 = arith.constant 544 : i32
      %add3A_743 = arith.addi %mul3A_32, %add3A_742 : i32
      %add3A_744 = vector.broadcast %add3A_743 : i32 to vector<16xi32>
      %add3A_745 = arith.addi %iota3A, %add3A_744 : vector<16xi32>
      %lt3A_746 = vector.broadcast %sub3A_295 : i32 to vector<16xi32>
      %lt3A_747 = arith.cmpi slt, %add3A_745, %lt3A_746 : vector<16xi32>
      %add3A_748 = arith.constant 544 : i32
      %add3A_749 = arith.addi %sub3A_348, %add3A_748 : i32
      %add3A_750 = vector.broadcast %add3A_749 : i32 to vector<16xi32>
      %add3A_751 = arith.addi %add3A_750, %iota3A : vector<16xi32>
      %min3A_752 = arith.constant 1039 : i32
      %min3A_753 = vector.broadcast %min3A_752 : i32 to vector<16xi32>
      %min3A_754 = arith.minsi %add3A_751, %min3A_753 : vector<16xi32>
      %gather3A_755 = tpu.vector_load_idx %arg7[%min3A_754] : memref<1040xi32, #tpu.memory_space<vmem>>[vector<16xi32>], vector<16xi32>,
      %jit3A_756 = arith.constant 1000 : i32
      %broadcast_in_dim3A_757 = vector.broadcast %jit3A_756 : i32 to vector<16xi32>
      %select_n3A_758 = arith.select %lt3A_747, %gather3A_755, %broadcast_in_dim3A_757 : vector<16xi1>, vector<16xi32>
      %swap3A_759 = arith.constant 4 : i32
      %swap3A_760 = arith.index_cast %swap3A_759 : i32 to index
      %swap3A_761 = arith.constant 32 : index
      %swap3A_762 = tpu.vector_load %arg8[%swap3A_760, %swap3A_761] {strides = array<i32>} : memref<8x128xi32, #tpu.memory_space<vmem>>, vector<16xi32>,
      tpu.vector_store %arg8[%swap3A_760, %swap3A_761], %select_n3A_758 {strides = array<i32>} : memref<8x128xi32, #tpu.memory_space<vmem>>, vector<16xi32>,
      %add3A_763 = arith.constant 560 : i32
      %add3A_764 = arith.addi %mul3A_32, %add3A_763 : i32
      %add3A_765 = vector.broadcast %add3A_764 : i32 to vector<16xi32>
      %add3A_766 = arith.addi %iota3A, %add3A_765 : vector<16xi32>
      %lt3A_767 = vector.broadcast %sub3A_295 : i32 to vector<16xi32>
      %lt3A_768 = arith.cmpi slt, %add3A_766, %lt3A_767 : vector<16xi32>
      %add3A_769 = arith.constant 560 : i32
      %add3A_770 = arith.addi %sub3A_348, %add3A_769 : i32
      %add3A_771 = vector.broadcast %add3A_770 : i32 to vector<16xi32>
      %add3A_772 = arith.addi %add3A_771, %iota3A : vector<16xi32>
      %min3A_773 = arith.constant 1039 : i32
      %min3A_774 = vector.broadcast %min3A_773 : i32 to vector<16xi32>
      %min3A_775 = arith.minsi %add3A_772, %min3A_774 : vector<16xi32>
      %gather3A_776 = tpu.vector_load_idx %arg7[%min3A_775] : memref<1040xi32, #tpu.memory_space<vmem>>[vector<16xi32>], vector<16xi32>,
      %jit3A_777 = arith.constant 1000 : i32
      %broadcast_in_dim3A_778 = vector.broadcast %jit3A_777 : i32 to vector<16xi32>
      %select_n3A_779 = arith.select %lt3A_768, %gather3A_776, %broadcast_in_dim3A_778 : vector<16xi1>, vector<16xi32>
      %swap3A_780 = arith.constant 4 : i32
      %swap3A_781 = arith.index_cast %swap3A_780 : i32 to index
      %swap3A_782 = arith.constant 48 : index
      %swap3A_783 = tpu.vector_load %arg8[%swap3A_781, %swap3A_782] {strides = array<i32>} : memref<8x128xi32, #tpu.memory_space<vmem>>, vector<16xi32>,
      tpu.vector_store %arg8[%swap3A_781, %swap3A_782], %select_n3A_779 {strides = array<i32>} : memref<8x128xi32, #tpu.memory_space<vmem>>, vector<16xi32>,
      %add3A_784 = arith.constant 576 : i32
      %add3A_785 = arith.addi %mul3A_32, %add3A_784 : i32
      %add3A_786 = vector.broadcast %add3A_785 : i32 to vector<16xi32>
      %add3A_787 = arith.addi %iota3A, %add3A_786 : vector<16xi32>
      %lt3A_788 = vector.broadcast %sub3A_295 : i32 to vector<16xi32>
      %lt3A_789 = arith.cmpi slt, %add3A_787, %lt3A_788 : vector<16xi32>
      %add3A_790 = arith.constant 576 : i32
      %add3A_791 = arith.addi %sub3A_348, %add3A_790 : i32
      %add3A_792 = vector.broadcast %add3A_791 : i32 to vector<16xi32>
      %add3A_793 = arith.addi %add3A_792, %iota3A : vector<16xi32>
      %min3A_794 = arith.constant 1039 : i32
      %min3A_795 = vector.broadcast %min3A_794 : i32 to vector<16xi32>
      %min3A_796 = arith.minsi %add3A_793, %min3A_795 : vector<16xi32>
      %gather3A_797 = tpu.vector_load_idx %arg7[%min3A_796] : memref<1040xi32, #tpu.memory_space<vmem>>[vector<16xi32>], vector<16xi32>,
      %jit3A_798 = arith.constant 1000 : i32
      %broadcast_in_dim3A_799 = vector.broadcast %jit3A_798 : i32 to vector<16xi32>
      %select_n3A_800 = arith.select %lt3A_789, %gather3A_797, %broadcast_in_dim3A_799 : vector<16xi1>, vector<16xi32>
      %swap3A_801 = arith.constant 4 : i32
      %swap3A_802 = arith.index_cast %swap3A_801 : i32 to index
      %swap3A_803 = arith.constant 64 : index
      %swap3A_804 = tpu.vector_load %arg8[%swap3A_802, %swap3A_803] {strides = array<i32>} : memref<8x128xi32, #tpu.memory_space<vmem>>, vector<16xi32>,
      tpu.vector_store %arg8[%swap3A_802, %swap3A_803], %select_n3A_800 {strides = array<i32>} : memref<8x128xi32, #tpu.memory_space<vmem>>, vector<16xi32>,
      %add3A_805 = arith.constant 592 : i32
      %add3A_806 = arith.addi %mul3A_32, %add3A_805 : i32
      %add3A_807 = vector.broadcast %add3A_806 : i32 to vector<16xi32>
      %add3A_808 = arith.addi %iota3A, %add3A_807 : vector<16xi32>
      %lt3A_809 = vector.broadcast %sub3A_295 : i32 to vector<16xi32>
      %lt3A_810 = arith.cmpi slt, %add3A_808, %lt3A_809 : vector<16xi32>
      %add3A_811 = arith.constant 592 : i32
      %add3A_812 = arith.addi %sub3A_348, %add3A_811 : i32
      %add3A_813 = vector.broadcast %add3A_812 : i32 to vector<16xi32>
      %add3A_814 = arith.addi %add3A_813, %iota3A : vector<16xi32>
      %min3A_815 = arith.constant 1039 : i32
      %min3A_816 = vector.broadcast %min3A_815 : i32 to vector<16xi32>
      %min3A_817 = arith.minsi %add3A_814, %min3A_816 : vector<16xi32>
      %gather3A_818 = tpu.vector_load_idx %arg7[%min3A_817] : memref<1040xi32, #tpu.memory_space<vmem>>[vector<16xi32>], vector<16xi32>,
      %jit3A_819 = arith.constant 1000 : i32
      %broadcast_in_dim3A_820 = vector.broadcast %jit3A_819 : i32 to vector<16xi32>
      %select_n3A_821 = arith.select %lt3A_810, %gather3A_818, %broadcast_in_dim3A_820 : vector<16xi1>, vector<16xi32>
      %swap3A_822 = arith.constant 4 : i32
      %swap3A_823 = arith.index_cast %swap3A_822 : i32 to index
      %swap3A_824 = arith.constant 80 : index
      %swap3A_825 = tpu.vector_load %arg8[%swap3A_823, %swap3A_824] {strides = array<i32>} : memref<8x128xi32, #tpu.memory_space<vmem>>, vector<16xi32>,
      tpu.vector_store %arg8[%swap3A_823, %swap3A_824], %select_n3A_821 {strides = array<i32>} : memref<8x128xi32, #tpu.memory_space<vmem>>, vector<16xi32>,
      %add3A_826 = arith.constant 608 : i32
      %add3A_827 = arith.addi %mul3A_32, %add3A_826 : i32
      %add3A_828 = vector.broadcast %add3A_827 : i32 to vector<16xi32>
      %add3A_829 = arith.addi %iota3A, %add3A_828 : vector<16xi32>
      %lt3A_830 = vector.broadcast %sub3A_295 : i32 to vector<16xi32>
      %lt3A_831 = arith.cmpi slt, %add3A_829, %lt3A_830 : vector<16xi32>
      %add3A_832 = arith.constant 608 : i32
      %add3A_833 = arith.addi %sub3A_348, %add3A_832 : i32
      %add3A_834 = vector.broadcast %add3A_833 : i32 to vector<16xi32>
      %add3A_835 = arith.addi %add3A_834, %iota3A : vector<16xi32>
      %min3A_836 = arith.constant 1039 : i32
      %min3A_837 = vector.broadcast %min3A_836 : i32 to vector<16xi32>
      %min3A_838 = arith.minsi %add3A_835, %min3A_837 : vector<16xi32>
      %gather3A_839 = tpu.vector_load_idx %arg7[%min3A_838] : memref<1040xi32, #tpu.memory_space<vmem>>[vector<16xi32>], vector<16xi32>,
      %jit3A_840 = arith.constant 1000 : i32
      %broadcast_in_dim3A_841 = vector.broadcast %jit3A_840 : i32 to vector<16xi32>
      %select_n3A_842 = arith.select %lt3A_831, %gather3A_839, %broadcast_in_dim3A_841 : vector<16xi1>, vector<16xi32>
      %swap3A_843 = arith.constant 4 : i32
      %swap3A_844 = arith.index_cast %swap3A_843 : i32 to index
      %swap3A_845 = arith.constant 96 : index
      %swap3A_846 = tpu.vector_load %arg8[%swap3A_844, %swap3A_845] {strides = array<i32>} : memref<8x128xi32, #tpu.memory_space<vmem>>, vector<16xi32>,
      tpu.vector_store %arg8[%swap3A_844, %swap3A_845], %select_n3A_842 {strides = array<i32>} : memref<8x128xi32, #tpu.memory_space<vmem>>, vector<16xi32>,
      %add3A_847 = arith.constant 624 : i32
      %add3A_848 = arith.addi %mul3A_32, %add3A_847 : i32
      %add3A_849 = vector.broadcast %add3A_848 : i32 to vector<16xi32>
      %add3A_850 = arith.addi %iota3A, %add3A_849 : vector<16xi32>
      %lt3A_851 = vector.broadcast %sub3A_295 : i32 to vector<16xi32>
      %lt3A_852 = arith.cmpi slt, %add3A_850, %lt3A_851 : vector<16xi32>
      %add3A_853 = arith.constant 624 : i32
      %add3A_854 = arith.addi %sub3A_348, %add3A_853 : i32
      %add3A_855 = vector.broadcast %add3A_854 : i32 to vector<16xi32>
      %add3A_856 = arith.addi %add3A_855, %iota3A : vector<16xi32>
      %min3A_857 = arith.constant 1039 : i32
      %min3A_858 = vector.broadcast %min3A_857 : i32 to vector<16xi32>
      %min3A_859 = arith.minsi %add3A_856, %min3A_858 : vector<16xi32>
      %gather3A_860 = tpu.vector_load_idx %arg7[%min3A_859] : memref<1040xi32, #tpu.memory_space<vmem>>[vector<16xi32>], vector<16xi32>,
      %jit3A_861 = arith.constant 1000 : i32
      %broadcast_in_dim3A_862 = vector.broadcast %jit3A_861 : i32 to vector<16xi32>
      %select_n3A_863 = arith.select %lt3A_852, %gather3A_860, %broadcast_in_dim3A_862 : vector<16xi1>, vector<16xi32>
      %swap3A_864 = arith.constant 4 : i32
      %swap3A_865 = arith.index_cast %swap3A_864 : i32 to index
      %swap3A_866 = arith.constant 112 : index
      %swap3A_867 = tpu.vector_load %arg8[%swap3A_865, %swap3A_866] {strides = array<i32>} : memref<8x128xi32, #tpu.memory_space<vmem>>, vector<16xi32>,
      tpu.vector_store %arg8[%swap3A_865, %swap3A_866], %select_n3A_863 {strides = array<i32>} : memref<8x128xi32, #tpu.memory_space<vmem>>, vector<16xi32>,
    } else {
    }
    %convert_element_type3A_483 = arith.extui %lt3A_313 : i1 to i32
    %cond3A_484 = arith.constant 0 : i32
    %cond3A_485 = arith.cmpi ne, %convert_element_type3A_483, %cond3A_484 : i32
    scf.if %cond3A_485 {
      %add3A_701 = arith.constant 640 : i32
      %add3A_702 = arith.addi %mul3A_32, %add3A_701 : i32
      %add3A_703 = vector.broadcast %add3A_702 : i32 to vector<16xi32>
      %add3A_704 = arith.addi %iota3A, %add3A_703 : vector<16xi32>
      %lt3A_705 = vector.broadcast %sub3A_295 : i32 to vector<16xi32>
      %lt3A_706 = arith.cmpi slt, %add3A_704, %lt3A_705 : vector<16xi32>
      %add3A_707 = arith.constant 640 : i32
      %add3A_708 = arith.addi %sub3A_348, %add3A_707 : i32
      %add3A_709 = vector.broadcast %add3A_708 : i32 to vector<16xi32>
      %add3A_710 = arith.addi %add3A_709, %iota3A : vector<16xi32>
      %min3A_711 = arith.constant 1039 : i32
      %min3A_712 = vector.broadcast %min3A_711 : i32 to vector<16xi32>
      %min3A_713 = arith.minsi %add3A_710, %min3A_712 : vector<16xi32>
      %gather3A = tpu.vector_load_idx %arg7[%min3A_713] : memref<1040xi32, #tpu.memory_space<vmem>>[vector<16xi32>], vector<16xi32>,
      %jit3A_714 = arith.constant 1000 : i32
      %broadcast_in_dim3A_715 = vector.broadcast %jit3A_714 : i32 to vector<16xi32>
      %select_n3A_716 = arith.select %lt3A_706, %gather3A, %broadcast_in_dim3A_715 : vector<16xi1>, vector<16xi32>
      %swap3A_717 = arith.constant 5 : i32
      %swap3A_718 = arith.index_cast %swap3A_717 : i32 to index
      %swap3A_719 = arith.constant 0 : index
      %swap3A_720 = tpu.vector_load %arg8[%swap3A_718, %swap3A_719] {strides = array<i32>} : memref<8x128xi32, #tpu.memory_space<vmem>>, vector<16xi32>,
      tpu.vector_store %arg8[%swap3A_718, %swap3A_719], %select_n3A_716 {strides = array<i32>} : memref<8x128xi32, #tpu.memory_space<vmem>>, vector<16xi32>,
      %add3A_721 = arith.constant 656 : i32
      %add3A_722 = arith.addi %mul3A_32, %add3A_721 : i32
      %add3A_723 = vector.broadcast %add3A_722 : i32 to vector<16xi32>
      %add3A_724 = arith.addi %iota3A, %add3A_723 : vector<16xi32>
      %lt3A_725 = vector.broadcast %sub3A_295 : i32 to vector<16xi32>
      %lt3A_726 = arith.cmpi slt, %add3A_724, %lt3A_725 : vector<16xi32>
      %add3A_727 = arith.constant 656 : i32
      %add3A_728 = arith.addi %sub3A_348, %add3A_727 : i32
      %add3A_729 = vector.broadcast %add3A_728 : i32 to vector<16xi32>
      %add3A_730 = arith.addi %add3A_729, %iota3A : vector<16xi32>
      %min3A_731 = arith.constant 1039 : i32
      %min3A_732 = vector.broadcast %min3A_731 : i32 to vector<16xi32>
      %min3A_733 = arith.minsi %add3A_730, %min3A_732 : vector<16xi32>
      %gather3A_734 = tpu.vector_load_idx %arg7[%min3A_733] : memref<1040xi32, #tpu.memory_space<vmem>>[vector<16xi32>], vector<16xi32>,
      %jit3A_735 = arith.constant 1000 : i32
      %broadcast_in_dim3A_736 = vector.broadcast %jit3A_735 : i32 to vector<16xi32>
      %select_n3A_737 = arith.select %lt3A_726, %gather3A_734, %broadcast_in_dim3A_736 : vector<16xi1>, vector<16xi32>
      %swap3A_738 = arith.constant 5 : i32
      %swap3A_739 = arith.index_cast %swap3A_738 : i32 to index
      %swap3A_740 = arith.constant 16 : index
      %swap3A_741 = tpu.vector_load %arg8[%swap3A_739, %swap3A_740] {strides = array<i32>} : memref<8x128xi32, #tpu.memory_space<vmem>>, vector<16xi32>,
      tpu.vector_store %arg8[%swap3A_739, %swap3A_740], %select_n3A_737 {strides = array<i32>} : memref<8x128xi32, #tpu.memory_space<vmem>>, vector<16xi32>,
      %add3A_742 = arith.constant 672 : i32
      %add3A_743 = arith.addi %mul3A_32, %add3A_742 : i32
      %add3A_744 = vector.broadcast %add3A_743 : i32 to vector<16xi32>
      %add3A_745 = arith.addi %iota3A, %add3A_744 : vector<16xi32>
      %lt3A_746 = vector.broadcast %sub3A_295 : i32 to vector<16xi32>
      %lt3A_747 = arith.cmpi slt, %add3A_745, %lt3A_746 : vector<16xi32>
      %add3A_748 = arith.constant 672 : i32
      %add3A_749 = arith.addi %sub3A_348, %add3A_748 : i32
      %add3A_750 = vector.broadcast %add3A_749 : i32 to vector<16xi32>
      %add3A_751 = arith.addi %add3A_750, %iota3A : vector<16xi32>
      %min3A_752 = arith.constant 1039 : i32
      %min3A_753 = vector.broadcast %min3A_752 : i32 to vector<16xi32>
      %min3A_754 = arith.minsi %add3A_751, %min3A_753 : vector<16xi32>
      %gather3A_755 = tpu.vector_load_idx %arg7[%min3A_754] : memref<1040xi32, #tpu.memory_space<vmem>>[vector<16xi32>], vector<16xi32>,
      %jit3A_756 = arith.constant 1000 : i32
      %broadcast_in_dim3A_757 = vector.broadcast %jit3A_756 : i32 to vector<16xi32>
      %select_n3A_758 = arith.select %lt3A_747, %gather3A_755, %broadcast_in_dim3A_757 : vector<16xi1>, vector<16xi32>
      %swap3A_759 = arith.constant 5 : i32
      %swap3A_760 = arith.index_cast %swap3A_759 : i32 to index
      %swap3A_761 = arith.constant 32 : index
      %swap3A_762 = tpu.vector_load %arg8[%swap3A_760, %swap3A_761] {strides = array<i32>} : memref<8x128xi32, #tpu.memory_space<vmem>>, vector<16xi32>,
      tpu.vector_store %arg8[%swap3A_760, %swap3A_761], %select_n3A_758 {strides = array<i32>} : memref<8x128xi32, #tpu.memory_space<vmem>>, vector<16xi32>,
      %add3A_763 = arith.constant 688 : i32
      %add3A_764 = arith.addi %mul3A_32, %add3A_763 : i32
      %add3A_765 = vector.broadcast %add3A_764 : i32 to vector<16xi32>
      %add3A_766 = arith.addi %iota3A, %add3A_765 : vector<16xi32>
      %lt3A_767 = vector.broadcast %sub3A_295 : i32 to vector<16xi32>
      %lt3A_768 = arith.cmpi slt, %add3A_766, %lt3A_767 : vector<16xi32>
      %add3A_769 = arith.constant 688 : i32
      %add3A_770 = arith.addi %sub3A_348, %add3A_769 : i32
      %add3A_771 = vector.broadcast %add3A_770 : i32 to vector<16xi32>
      %add3A_772 = arith.addi %add3A_771, %iota3A : vector<16xi32>
      %min3A_773 = arith.constant 1039 : i32
      %min3A_774 = vector.broadcast %min3A_773 : i32 to vector<16xi32>
      %min3A_775 = arith.minsi %add3A_772, %min3A_774 : vector<16xi32>
      %gather3A_776 = tpu.vector_load_idx %arg7[%min3A_775] : memref<1040xi32, #tpu.memory_space<vmem>>[vector<16xi32>], vector<16xi32>,
      %jit3A_777 = arith.constant 1000 : i32
      %broadcast_in_dim3A_778 = vector.broadcast %jit3A_777 : i32 to vector<16xi32>
      %select_n3A_779 = arith.select %lt3A_768, %gather3A_776, %broadcast_in_dim3A_778 : vector<16xi1>, vector<16xi32>
      %swap3A_780 = arith.constant 5 : i32
      %swap3A_781 = arith.index_cast %swap3A_780 : i32 to index
      %swap3A_782 = arith.constant 48 : index
      %swap3A_783 = tpu.vector_load %arg8[%swap3A_781, %swap3A_782] {strides = array<i32>} : memref<8x128xi32, #tpu.memory_space<vmem>>, vector<16xi32>,
      tpu.vector_store %arg8[%swap3A_781, %swap3A_782], %select_n3A_779 {strides = array<i32>} : memref<8x128xi32, #tpu.memory_space<vmem>>, vector<16xi32>,
      %add3A_784 = arith.constant 704 : i32
      %add3A_785 = arith.addi %mul3A_32, %add3A_784 : i32
      %add3A_786 = vector.broadcast %add3A_785 : i32 to vector<16xi32>
      %add3A_787 = arith.addi %iota3A, %add3A_786 : vector<16xi32>
      %lt3A_788 = vector.broadcast %sub3A_295 : i32 to vector<16xi32>
      %lt3A_789 = arith.cmpi slt, %add3A_787, %lt3A_788 : vector<16xi32>
      %add3A_790 = arith.constant 704 : i32
      %add3A_791 = arith.addi %sub3A_348, %add3A_790 : i32
      %add3A_792 = vector.broadcast %add3A_791 : i32 to vector<16xi32>
      %add3A_793 = arith.addi %add3A_792, %iota3A : vector<16xi32>
      %min3A_794 = arith.constant 1039 : i32
      %min3A_795 = vector.broadcast %min3A_794 : i32 to vector<16xi32>
      %min3A_796 = arith.minsi %add3A_793, %min3A_795 : vector<16xi32>
      %gather3A_797 = tpu.vector_load_idx %arg7[%min3A_796] : memref<1040xi32, #tpu.memory_space<vmem>>[vector<16xi32>], vector<16xi32>,
      %jit3A_798 = arith.constant 1000 : i32
      %broadcast_in_dim3A_799 = vector.broadcast %jit3A_798 : i32 to vector<16xi32>
      %select_n3A_800 = arith.select %lt3A_789, %gather3A_797, %broadcast_in_dim3A_799 : vector<16xi1>, vector<16xi32>
      %swap3A_801 = arith.constant 5 : i32
      %swap3A_802 = arith.index_cast %swap3A_801 : i32 to index
      %swap3A_803 = arith.constant 64 : index
      %swap3A_804 = tpu.vector_load %arg8[%swap3A_802, %swap3A_803] {strides = array<i32>} : memref<8x128xi32, #tpu.memory_space<vmem>>, vector<16xi32>,
      tpu.vector_store %arg8[%swap3A_802, %swap3A_803], %select_n3A_800 {strides = array<i32>} : memref<8x128xi32, #tpu.memory_space<vmem>>, vector<16xi32>,
      %add3A_805 = arith.constant 720 : i32
      %add3A_806 = arith.addi %mul3A_32, %add3A_805 : i32
      %add3A_807 = vector.broadcast %add3A_806 : i32 to vector<16xi32>
      %add3A_808 = arith.addi %iota3A, %add3A_807 : vector<16xi32>
      %lt3A_809 = vector.broadcast %sub3A_295 : i32 to vector<16xi32>
      %lt3A_810 = arith.cmpi slt, %add3A_808, %lt3A_809 : vector<16xi32>
      %add3A_811 = arith.constant 720 : i32
      %add3A_812 = arith.addi %sub3A_348, %add3A_811 : i32
      %add3A_813 = vector.broadcast %add3A_812 : i32 to vector<16xi32>
      %add3A_814 = arith.addi %add3A_813, %iota3A : vector<16xi32>
      %min3A_815 = arith.constant 1039 : i32
      %min3A_816 = vector.broadcast %min3A_815 : i32 to vector<16xi32>
      %min3A_817 = arith.minsi %add3A_814, %min3A_816 : vector<16xi32>
      %gather3A_818 = tpu.vector_load_idx %arg7[%min3A_817] : memref<1040xi32, #tpu.memory_space<vmem>>[vector<16xi32>], vector<16xi32>,
      %jit3A_819 = arith.constant 1000 : i32
      %broadcast_in_dim3A_820 = vector.broadcast %jit3A_819 : i32 to vector<16xi32>
      %select_n3A_821 = arith.select %lt3A_810, %gather3A_818, %broadcast_in_dim3A_820 : vector<16xi1>, vector<16xi32>
      %swap3A_822 = arith.constant 5 : i32
      %swap3A_823 = arith.index_cast %swap3A_822 : i32 to index
      %swap3A_824 = arith.constant 80 : index
      %swap3A_825 = tpu.vector_load %arg8[%swap3A_823, %swap3A_824] {strides = array<i32>} : memref<8x128xi32, #tpu.memory_space<vmem>>, vector<16xi32>,
      tpu.vector_store %arg8[%swap3A_823, %swap3A_824], %select_n3A_821 {strides = array<i32>} : memref<8x128xi32, #tpu.memory_space<vmem>>, vector<16xi32>,
      %add3A_826 = arith.constant 736 : i32
      %add3A_827 = arith.addi %mul3A_32, %add3A_826 : i32
      %add3A_828 = vector.broadcast %add3A_827 : i32 to vector<16xi32>
      %add3A_829 = arith.addi %iota3A, %add3A_828 : vector<16xi32>
      %lt3A_830 = vector.broadcast %sub3A_295 : i32 to vector<16xi32>
      %lt3A_831 = arith.cmpi slt, %add3A_829, %lt3A_830 : vector<16xi32>
      %add3A_832 = arith.constant 736 : i32
      %add3A_833 = arith.addi %sub3A_348, %add3A_832 : i32
      %add3A_834 = vector.broadcast %add3A_833 : i32 to vector<16xi32>
      %add3A_835 = arith.addi %add3A_834, %iota3A : vector<16xi32>
      %min3A_836 = arith.constant 1039 : i32
      %min3A_837 = vector.broadcast %min3A_836 : i32 to vector<16xi32>
      %min3A_838 = arith.minsi %add3A_835, %min3A_837 : vector<16xi32>
      %gather3A_839 = tpu.vector_load_idx %arg7[%min3A_838] : memref<1040xi32, #tpu.memory_space<vmem>>[vector<16xi32>], vector<16xi32>,
      %jit3A_840 = arith.constant 1000 : i32
      %broadcast_in_dim3A_841 = vector.broadcast %jit3A_840 : i32 to vector<16xi32>
      %select_n3A_842 = arith.select %lt3A_831, %gather3A_839, %broadcast_in_dim3A_841 : vector<16xi1>, vector<16xi32>
      %swap3A_843 = arith.constant 5 : i32
      %swap3A_844 = arith.index_cast %swap3A_843 : i32 to index
      %swap3A_845 = arith.constant 96 : index
      %swap3A_846 = tpu.vector_load %arg8[%swap3A_844, %swap3A_845] {strides = array<i32>} : memref<8x128xi32, #tpu.memory_space<vmem>>, vector<16xi32>,
      tpu.vector_store %arg8[%swap3A_844, %swap3A_845], %select_n3A_842 {strides = array<i32>} : memref<8x128xi32, #tpu.memory_space<vmem>>, vector<16xi32>,
      %add3A_847 = arith.constant 752 : i32
      %add3A_848 = arith.addi %mul3A_32, %add3A_847 : i32
      %add3A_849 = vector.broadcast %add3A_848 : i32 to vector<16xi32>
      %add3A_850 = arith.addi %iota3A, %add3A_849 : vector<16xi32>
      %lt3A_851 = vector.broadcast %sub3A_295 : i32 to vector<16xi32>
      %lt3A_852 = arith.cmpi slt, %add3A_850, %lt3A_851 : vector<16xi32>
      %add3A_853 = arith.constant 752 : i32
      %add3A_854 = arith.addi %sub3A_348, %add3A_853 : i32
      %add3A_855 = vector.broadcast %add3A_854 : i32 to vector<16xi32>
      %add3A_856 = arith.addi %add3A_855, %iota3A : vector<16xi32>
      %min3A_857 = arith.constant 1039 : i32
      %min3A_858 = vector.broadcast %min3A_857 : i32 to vector<16xi32>
      %min3A_859 = arith.minsi %add3A_856, %min3A_858 : vector<16xi32>
      %gather3A_860 = tpu.vector_load_idx %arg7[%min3A_859] : memref<1040xi32, #tpu.memory_space<vmem>>[vector<16xi32>], vector<16xi32>,
      %jit3A_861 = arith.constant 1000 : i32
      %broadcast_in_dim3A_862 = vector.broadcast %jit3A_861 : i32 to vector<16xi32>
      %select_n3A_863 = arith.select %lt3A_852, %gather3A_860, %broadcast_in_dim3A_862 : vector<16xi1>, vector<16xi32>
      %swap3A_864 = arith.constant 5 : i32
      %swap3A_865 = arith.index_cast %swap3A_864 : i32 to index
      %swap3A_866 = arith.constant 112 : index
      %swap3A_867 = tpu.vector_load %arg8[%swap3A_865, %swap3A_866] {strides = array<i32>} : memref<8x128xi32, #tpu.memory_space<vmem>>, vector<16xi32>,
      tpu.vector_store %arg8[%swap3A_865, %swap3A_866], %select_n3A_863 {strides = array<i32>} : memref<8x128xi32, #tpu.memory_space<vmem>>, vector<16xi32>,
    } else {
    }
    %convert_element_type3A_486 = arith.extui %lt3A_316 : i1 to i32
    %cond3A_487 = arith.constant 0 : i32
    %cond3A_488 = arith.cmpi ne, %convert_element_type3A_486, %cond3A_487 : i32
    scf.if %cond3A_488 {
      %add3A_701 = arith.constant 768 : i32
      %add3A_702 = arith.addi %mul3A_32, %add3A_701 : i32
      %add3A_703 = vector.broadcast %add3A_702 : i32 to vector<16xi32>
      %add3A_704 = arith.addi %iota3A, %add3A_703 : vector<16xi32>
      %lt3A_705 = vector.broadcast %sub3A_295 : i32 to vector<16xi32>
      %lt3A_706 = arith.cmpi slt, %add3A_704, %lt3A_705 : vector<16xi32>
      %add3A_707 = arith.constant 768 : i32
      %add3A_708 = arith.addi %sub3A_348, %add3A_707 : i32
      %add3A_709 = vector.broadcast %add3A_708 : i32 to vector<16xi32>
      %add3A_710 = arith.addi %add3A_709, %iota3A : vector<16xi32>
      %min3A_711 = arith.constant 1039 : i32
      %min3A_712 = vector.broadcast %min3A_711 : i32 to vector<16xi32>
      %min3A_713 = arith.minsi %add3A_710, %min3A_712 : vector<16xi32>
      %gather3A = tpu.vector_load_idx %arg7[%min3A_713] : memref<1040xi32, #tpu.memory_space<vmem>>[vector<16xi32>], vector<16xi32>,
      %jit3A_714 = arith.constant 1000 : i32
      %broadcast_in_dim3A_715 = vector.broadcast %jit3A_714 : i32 to vector<16xi32>
      %select_n3A_716 = arith.select %lt3A_706, %gather3A, %broadcast_in_dim3A_715 : vector<16xi1>, vector<16xi32>
      %swap3A_717 = arith.constant 6 : i32
      %swap3A_718 = arith.index_cast %swap3A_717 : i32 to index
      %swap3A_719 = arith.constant 0 : index
      %swap3A_720 = tpu.vector_load %arg8[%swap3A_718, %swap3A_719] {strides = array<i32>} : memref<8x128xi32, #tpu.memory_space<vmem>>, vector<16xi32>,
      tpu.vector_store %arg8[%swap3A_718, %swap3A_719], %select_n3A_716 {strides = array<i32>} : memref<8x128xi32, #tpu.memory_space<vmem>>, vector<16xi32>,
      %add3A_721 = arith.constant 784 : i32
      %add3A_722 = arith.addi %mul3A_32, %add3A_721 : i32
      %add3A_723 = vector.broadcast %add3A_722 : i32 to vector<16xi32>
      %add3A_724 = arith.addi %iota3A, %add3A_723 : vector<16xi32>
      %lt3A_725 = vector.broadcast %sub3A_295 : i32 to vector<16xi32>
      %lt3A_726 = arith.cmpi slt, %add3A_724, %lt3A_725 : vector<16xi32>
      %add3A_727 = arith.constant 784 : i32
      %add3A_728 = arith.addi %sub3A_348, %add3A_727 : i32
      %add3A_729 = vector.broadcast %add3A_728 : i32 to vector<16xi32>
      %add3A_730 = arith.addi %add3A_729, %iota3A : vector<16xi32>
      %min3A_731 = arith.constant 1039 : i32
      %min3A_732 = vector.broadcast %min3A_731 : i32 to vector<16xi32>
      %min3A_733 = arith.minsi %add3A_730, %min3A_732 : vector<16xi32>
      %gather3A_734 = tpu.vector_load_idx %arg7[%min3A_733] : memref<1040xi32, #tpu.memory_space<vmem>>[vector<16xi32>], vector<16xi32>,
      %jit3A_735 = arith.constant 1000 : i32
      %broadcast_in_dim3A_736 = vector.broadcast %jit3A_735 : i32 to vector<16xi32>
      %select_n3A_737 = arith.select %lt3A_726, %gather3A_734, %broadcast_in_dim3A_736 : vector<16xi1>, vector<16xi32>
      %swap3A_738 = arith.constant 6 : i32
      %swap3A_739 = arith.index_cast %swap3A_738 : i32 to index
      %swap3A_740 = arith.constant 16 : index
      %swap3A_741 = tpu.vector_load %arg8[%swap3A_739, %swap3A_740] {strides = array<i32>} : memref<8x128xi32, #tpu.memory_space<vmem>>, vector<16xi32>,
      tpu.vector_store %arg8[%swap3A_739, %swap3A_740], %select_n3A_737 {strides = array<i32>} : memref<8x128xi32, #tpu.memory_space<vmem>>, vector<16xi32>,
      %add3A_742 = arith.constant 800 : i32
      %add3A_743 = arith.addi %mul3A_32, %add3A_742 : i32
      %add3A_744 = vector.broadcast %add3A_743 : i32 to vector<16xi32>
      %add3A_745 = arith.addi %iota3A, %add3A_744 : vector<16xi32>
      %lt3A_746 = vector.broadcast %sub3A_295 : i32 to vector<16xi32>
      %lt3A_747 = arith.cmpi slt, %add3A_745, %lt3A_746 : vector<16xi32>
      %add3A_748 = arith.constant 800 : i32
      %add3A_749 = arith.addi %sub3A_348, %add3A_748 : i32
      %add3A_750 = vector.broadcast %add3A_749 : i32 to vector<16xi32>
      %add3A_751 = arith.addi %add3A_750, %iota3A : vector<16xi32>
      %min3A_752 = arith.constant 1039 : i32
      %min3A_753 = vector.broadcast %min3A_752 : i32 to vector<16xi32>
      %min3A_754 = arith.minsi %add3A_751, %min3A_753 : vector<16xi32>
      %gather3A_755 = tpu.vector_load_idx %arg7[%min3A_754] : memref<1040xi32, #tpu.memory_space<vmem>>[vector<16xi32>], vector<16xi32>,
      %jit3A_756 = arith.constant 1000 : i32
      %broadcast_in_dim3A_757 = vector.broadcast %jit3A_756 : i32 to vector<16xi32>
      %select_n3A_758 = arith.select %lt3A_747, %gather3A_755, %broadcast_in_dim3A_757 : vector<16xi1>, vector<16xi32>
      %swap3A_759 = arith.constant 6 : i32
      %swap3A_760 = arith.index_cast %swap3A_759 : i32 to index
      %swap3A_761 = arith.constant 32 : index
      %swap3A_762 = tpu.vector_load %arg8[%swap3A_760, %swap3A_761] {strides = array<i32>} : memref<8x128xi32, #tpu.memory_space<vmem>>, vector<16xi32>,
      tpu.vector_store %arg8[%swap3A_760, %swap3A_761], %select_n3A_758 {strides = array<i32>} : memref<8x128xi32, #tpu.memory_space<vmem>>, vector<16xi32>,
      %add3A_763 = arith.constant 816 : i32
      %add3A_764 = arith.addi %mul3A_32, %add3A_763 : i32
      %add3A_765 = vector.broadcast %add3A_764 : i32 to vector<16xi32>
      %add3A_766 = arith.addi %iota3A, %add3A_765 : vector<16xi32>
      %lt3A_767 = vector.broadcast %sub3A_295 : i32 to vector<16xi32>
      %lt3A_768 = arith.cmpi slt, %add3A_766, %lt3A_767 : vector<16xi32>
      %add3A_769 = arith.constant 816 : i32
      %add3A_770 = arith.addi %sub3A_348, %add3A_769 : i32
      %add3A_771 = vector.broadcast %add3A_770 : i32 to vector<16xi32>
      %add3A_772 = arith.addi %add3A_771, %iota3A : vector<16xi32>
      %min3A_773 = arith.constant 1039 : i32
      %min3A_774 = vector.broadcast %min3A_773 : i32 to vector<16xi32>
      %min3A_775 = arith.minsi %add3A_772, %min3A_774 : vector<16xi32>
      %gather3A_776 = tpu.vector_load_idx %arg7[%min3A_775] : memref<1040xi32, #tpu.memory_space<vmem>>[vector<16xi32>], vector<16xi32>,
      %jit3A_777 = arith.constant 1000 : i32
      %broadcast_in_dim3A_778 = vector.broadcast %jit3A_777 : i32 to vector<16xi32>
      %select_n3A_779 = arith.select %lt3A_768, %gather3A_776, %broadcast_in_dim3A_778 : vector<16xi1>, vector<16xi32>
      %swap3A_780 = arith.constant 6 : i32
      %swap3A_781 = arith.index_cast %swap3A_780 : i32 to index
      %swap3A_782 = arith.constant 48 : index
      %swap3A_783 = tpu.vector_load %arg8[%swap3A_781, %swap3A_782] {strides = array<i32>} : memref<8x128xi32, #tpu.memory_space<vmem>>, vector<16xi32>,
      tpu.vector_store %arg8[%swap3A_781, %swap3A_782], %select_n3A_779 {strides = array<i32>} : memref<8x128xi32, #tpu.memory_space<vmem>>, vector<16xi32>,
      %add3A_784 = arith.constant 832 : i32
      %add3A_785 = arith.addi %mul3A_32, %add3A_784 : i32
      %add3A_786 = vector.broadcast %add3A_785 : i32 to vector<16xi32>
      %add3A_787 = arith.addi %iota3A, %add3A_786 : vector<16xi32>
      %lt3A_788 = vector.broadcast %sub3A_295 : i32 to vector<16xi32>
      %lt3A_789 = arith.cmpi slt, %add3A_787, %lt3A_788 : vector<16xi32>
      %add3A_790 = arith.constant 832 : i32
      %add3A_791 = arith.addi %sub3A_348, %add3A_790 : i32
      %add3A_792 = vector.broadcast %add3A_791 : i32 to vector<16xi32>
      %add3A_793 = arith.addi %add3A_792, %iota3A : vector<16xi32>
      %min3A_794 = arith.constant 1039 : i32
      %min3A_795 = vector.broadcast %min3A_794 : i32 to vector<16xi32>
      %min3A_796 = arith.minsi %add3A_793, %min3A_795 : vector<16xi32>
      %gather3A_797 = tpu.vector_load_idx %arg7[%min3A_796] : memref<1040xi32, #tpu.memory_space<vmem>>[vector<16xi32>], vector<16xi32>,
      %jit3A_798 = arith.constant 1000 : i32
      %broadcast_in_dim3A_799 = vector.broadcast %jit3A_798 : i32 to vector<16xi32>
      %select_n3A_800 = arith.select %lt3A_789, %gather3A_797, %broadcast_in_dim3A_799 : vector<16xi1>, vector<16xi32>
      %swap3A_801 = arith.constant 6 : i32
      %swap3A_802 = arith.index_cast %swap3A_801 : i32 to index
      %swap3A_803 = arith.constant 64 : index
      %swap3A_804 = tpu.vector_load %arg8[%swap3A_802, %swap3A_803] {strides = array<i32>} : memref<8x128xi32, #tpu.memory_space<vmem>>, vector<16xi32>,
      tpu.vector_store %arg8[%swap3A_802, %swap3A_803], %select_n3A_800 {strides = array<i32>} : memref<8x128xi32, #tpu.memory_space<vmem>>, vector<16xi32>,
      %add3A_805 = arith.constant 848 : i32
      %add3A_806 = arith.addi %mul3A_32, %add3A_805 : i32
      %add3A_807 = vector.broadcast %add3A_806 : i32 to vector<16xi32>
      %add3A_808 = arith.addi %iota3A, %add3A_807 : vector<16xi32>
      %lt3A_809 = vector.broadcast %sub3A_295 : i32 to vector<16xi32>
      %lt3A_810 = arith.cmpi slt, %add3A_808, %lt3A_809 : vector<16xi32>
      %add3A_811 = arith.constant 848 : i32
      %add3A_812 = arith.addi %sub3A_348, %add3A_811 : i32
      %add3A_813 = vector.broadcast %add3A_812 : i32 to vector<16xi32>
      %add3A_814 = arith.addi %add3A_813, %iota3A : vector<16xi32>
      %min3A_815 = arith.constant 1039 : i32
      %min3A_816 = vector.broadcast %min3A_815 : i32 to vector<16xi32>
      %min3A_817 = arith.minsi %add3A_814, %min3A_816 : vector<16xi32>
      %gather3A_818 = tpu.vector_load_idx %arg7[%min3A_817] : memref<1040xi32, #tpu.memory_space<vmem>>[vector<16xi32>], vector<16xi32>,
      %jit3A_819 = arith.constant 1000 : i32
      %broadcast_in_dim3A_820 = vector.broadcast %jit3A_819 : i32 to vector<16xi32>
      %select_n3A_821 = arith.select %lt3A_810, %gather3A_818, %broadcast_in_dim3A_820 : vector<16xi1>, vector<16xi32>
      %swap3A_822 = arith.constant 6 : i32
      %swap3A_823 = arith.index_cast %swap3A_822 : i32 to index
      %swap3A_824 = arith.constant 80 : index
      %swap3A_825 = tpu.vector_load %arg8[%swap3A_823, %swap3A_824] {strides = array<i32>} : memref<8x128xi32, #tpu.memory_space<vmem>>, vector<16xi32>,
      tpu.vector_store %arg8[%swap3A_823, %swap3A_824], %select_n3A_821 {strides = array<i32>} : memref<8x128xi32, #tpu.memory_space<vmem>>, vector<16xi32>,
      %add3A_826 = arith.constant 864 : i32
      %add3A_827 = arith.addi %mul3A_32, %add3A_826 : i32
      %add3A_828 = vector.broadcast %add3A_827 : i32 to vector<16xi32>
      %add3A_829 = arith.addi %iota3A, %add3A_828 : vector<16xi32>
      %lt3A_830 = vector.broadcast %sub3A_295 : i32 to vector<16xi32>
      %lt3A_831 = arith.cmpi slt, %add3A_829, %lt3A_830 : vector<16xi32>
      %add3A_832 = arith.constant 864 : i32
      %add3A_833 = arith.addi %sub3A_348, %add3A_832 : i32
      %add3A_834 = vector.broadcast %add3A_833 : i32 to vector<16xi32>
      %add3A_835 = arith.addi %add3A_834, %iota3A : vector<16xi32>
      %min3A_836 = arith.constant 1039 : i32
      %min3A_837 = vector.broadcast %min3A_836 : i32 to vector<16xi32>
      %min3A_838 = arith.minsi %add3A_835, %min3A_837 : vector<16xi32>
      %gather3A_839 = tpu.vector_load_idx %arg7[%min3A_838] : memref<1040xi32, #tpu.memory_space<vmem>>[vector<16xi32>], vector<16xi32>,
      %jit3A_840 = arith.constant 1000 : i32
      %broadcast_in_dim3A_841 = vector.broadcast %jit3A_840 : i32 to vector<16xi32>
      %select_n3A_842 = arith.select %lt3A_831, %gather3A_839, %broadcast_in_dim3A_841 : vector<16xi1>, vector<16xi32>
      %swap3A_843 = arith.constant 6 : i32
      %swap3A_844 = arith.index_cast %swap3A_843 : i32 to index
      %swap3A_845 = arith.constant 96 : index
      %swap3A_846 = tpu.vector_load %arg8[%swap3A_844, %swap3A_845] {strides = array<i32>} : memref<8x128xi32, #tpu.memory_space<vmem>>, vector<16xi32>,
      tpu.vector_store %arg8[%swap3A_844, %swap3A_845], %select_n3A_842 {strides = array<i32>} : memref<8x128xi32, #tpu.memory_space<vmem>>, vector<16xi32>,
      %add3A_847 = arith.constant 880 : i32
      %add3A_848 = arith.addi %mul3A_32, %add3A_847 : i32
      %add3A_849 = vector.broadcast %add3A_848 : i32 to vector<16xi32>
      %add3A_850 = arith.addi %iota3A, %add3A_849 : vector<16xi32>
      %lt3A_851 = vector.broadcast %sub3A_295 : i32 to vector<16xi32>
      %lt3A_852 = arith.cmpi slt, %add3A_850, %lt3A_851 : vector<16xi32>
      %add3A_853 = arith.constant 880 : i32
      %add3A_854 = arith.addi %sub3A_348, %add3A_853 : i32
      %add3A_855 = vector.broadcast %add3A_854 : i32 to vector<16xi32>
      %add3A_856 = arith.addi %add3A_855, %iota3A : vector<16xi32>
      %min3A_857 = arith.constant 1039 : i32
      %min3A_858 = vector.broadcast %min3A_857 : i32 to vector<16xi32>
      %min3A_859 = arith.minsi %add3A_856, %min3A_858 : vector<16xi32>
      %gather3A_860 = tpu.vector_load_idx %arg7[%min3A_859] : memref<1040xi32, #tpu.memory_space<vmem>>[vector<16xi32>], vector<16xi32>,
      %jit3A_861 = arith.constant 1000 : i32
      %broadcast_in_dim3A_862 = vector.broadcast %jit3A_861 : i32 to vector<16xi32>
      %select_n3A_863 = arith.select %lt3A_852, %gather3A_860, %broadcast_in_dim3A_862 : vector<16xi1>, vector<16xi32>
      %swap3A_864 = arith.constant 6 : i32
      %swap3A_865 = arith.index_cast %swap3A_864 : i32 to index
      %swap3A_866 = arith.constant 112 : index
      %swap3A_867 = tpu.vector_load %arg8[%swap3A_865, %swap3A_866] {strides = array<i32>} : memref<8x128xi32, #tpu.memory_space<vmem>>, vector<16xi32>,
      tpu.vector_store %arg8[%swap3A_865, %swap3A_866], %select_n3A_863 {strides = array<i32>} : memref<8x128xi32, #tpu.memory_space<vmem>>, vector<16xi32>,
    } else {
    }
    %convert_element_type3A_489 = arith.extui %lt3A_319 : i1 to i32
    %cond3A_490 = arith.constant 0 : i32
    %cond3A_491 = arith.cmpi ne, %convert_element_type3A_489, %cond3A_490 : i32
    scf.if %cond3A_491 {
      %add3A_701 = arith.constant 896 : i32
      %add3A_702 = arith.addi %mul3A_32, %add3A_701 : i32
      %add3A_703 = vector.broadcast %add3A_702 : i32 to vector<16xi32>
      %add3A_704 = arith.addi %iota3A, %add3A_703 : vector<16xi32>
      %lt3A_705 = vector.broadcast %sub3A_295 : i32 to vector<16xi32>
      %lt3A_706 = arith.cmpi slt, %add3A_704, %lt3A_705 : vector<16xi32>
      %add3A_707 = arith.constant 896 : i32
      %add3A_708 = arith.addi %sub3A_348, %add3A_707 : i32
      %add3A_709 = vector.broadcast %add3A_708 : i32 to vector<16xi32>
      %add3A_710 = arith.addi %add3A_709, %iota3A : vector<16xi32>
      %min3A_711 = arith.constant 1039 : i32
      %min3A_712 = vector.broadcast %min3A_711 : i32 to vector<16xi32>
      %min3A_713 = arith.minsi %add3A_710, %min3A_712 : vector<16xi32>
      %gather3A = tpu.vector_load_idx %arg7[%min3A_713] : memref<1040xi32, #tpu.memory_space<vmem>>[vector<16xi32>], vector<16xi32>,
      %jit3A_714 = arith.constant 1000 : i32
      %broadcast_in_dim3A_715 = vector.broadcast %jit3A_714 : i32 to vector<16xi32>
      %select_n3A_716 = arith.select %lt3A_706, %gather3A, %broadcast_in_dim3A_715 : vector<16xi1>, vector<16xi32>
      %swap3A_717 = arith.constant 7 : i32
      %swap3A_718 = arith.index_cast %swap3A_717 : i32 to index
      %swap3A_719 = arith.constant 0 : index
      %swap3A_720 = tpu.vector_load %arg8[%swap3A_718, %swap3A_719] {strides = array<i32>} : memref<8x128xi32, #tpu.memory_space<vmem>>, vector<16xi32>,
      tpu.vector_store %arg8[%swap3A_718, %swap3A_719], %select_n3A_716 {strides = array<i32>} : memref<8x128xi32, #tpu.memory_space<vmem>>, vector<16xi32>,
      %add3A_721 = arith.constant 912 : i32
      %add3A_722 = arith.addi %mul3A_32, %add3A_721 : i32
      %add3A_723 = vector.broadcast %add3A_722 : i32 to vector<16xi32>
      %add3A_724 = arith.addi %iota3A, %add3A_723 : vector<16xi32>
      %lt3A_725 = vector.broadcast %sub3A_295 : i32 to vector<16xi32>
      %lt3A_726 = arith.cmpi slt, %add3A_724, %lt3A_725 : vector<16xi32>
      %add3A_727 = arith.constant 912 : i32
      %add3A_728 = arith.addi %sub3A_348, %add3A_727 : i32
      %add3A_729 = vector.broadcast %add3A_728 : i32 to vector<16xi32>
      %add3A_730 = arith.addi %add3A_729, %iota3A : vector<16xi32>
      %min3A_731 = arith.constant 1039 : i32
      %min3A_732 = vector.broadcast %min3A_731 : i32 to vector<16xi32>
      %min3A_733 = arith.minsi %add3A_730, %min3A_732 : vector<16xi32>
      %gather3A_734 = tpu.vector_load_idx %arg7[%min3A_733] : memref<1040xi32, #tpu.memory_space<vmem>>[vector<16xi32>], vector<16xi32>,
      %jit3A_735 = arith.constant 1000 : i32
      %broadcast_in_dim3A_736 = vector.broadcast %jit3A_735 : i32 to vector<16xi32>
      %select_n3A_737 = arith.select %lt3A_726, %gather3A_734, %broadcast_in_dim3A_736 : vector<16xi1>, vector<16xi32>
      %swap3A_738 = arith.constant 7 : i32
      %swap3A_739 = arith.index_cast %swap3A_738 : i32 to index
      %swap3A_740 = arith.constant 16 : index
      %swap3A_741 = tpu.vector_load %arg8[%swap3A_739, %swap3A_740] {strides = array<i32>} : memref<8x128xi32, #tpu.memory_space<vmem>>, vector<16xi32>,
      tpu.vector_store %arg8[%swap3A_739, %swap3A_740], %select_n3A_737 {strides = array<i32>} : memref<8x128xi32, #tpu.memory_space<vmem>>, vector<16xi32>,
      %add3A_742 = arith.constant 928 : i32
      %add3A_743 = arith.addi %mul3A_32, %add3A_742 : i32
      %add3A_744 = vector.broadcast %add3A_743 : i32 to vector<16xi32>
      %add3A_745 = arith.addi %iota3A, %add3A_744 : vector<16xi32>
      %lt3A_746 = vector.broadcast %sub3A_295 : i32 to vector<16xi32>
      %lt3A_747 = arith.cmpi slt, %add3A_745, %lt3A_746 : vector<16xi32>
      %add3A_748 = arith.constant 928 : i32
      %add3A_749 = arith.addi %sub3A_348, %add3A_748 : i32
      %add3A_750 = vector.broadcast %add3A_749 : i32 to vector<16xi32>
      %add3A_751 = arith.addi %add3A_750, %iota3A : vector<16xi32>
      %min3A_752 = arith.constant 1039 : i32
      %min3A_753 = vector.broadcast %min3A_752 : i32 to vector<16xi32>
      %min3A_754 = arith.minsi %add3A_751, %min3A_753 : vector<16xi32>
      %gather3A_755 = tpu.vector_load_idx %arg7[%min3A_754] : memref<1040xi32, #tpu.memory_space<vmem>>[vector<16xi32>], vector<16xi32>,
      %jit3A_756 = arith.constant 1000 : i32
      %broadcast_in_dim3A_757 = vector.broadcast %jit3A_756 : i32 to vector<16xi32>
      %select_n3A_758 = arith.select %lt3A_747, %gather3A_755, %broadcast_in_dim3A_757 : vector<16xi1>, vector<16xi32>
      %swap3A_759 = arith.constant 7 : i32
      %swap3A_760 = arith.index_cast %swap3A_759 : i32 to index
      %swap3A_761 = arith.constant 32 : index
      %swap3A_762 = tpu.vector_load %arg8[%swap3A_760, %swap3A_761] {strides = array<i32>} : memref<8x128xi32, #tpu.memory_space<vmem>>, vector<16xi32>,
      tpu.vector_store %arg8[%swap3A_760, %swap3A_761], %select_n3A_758 {strides = array<i32>} : memref<8x128xi32, #tpu.memory_space<vmem>>, vector<16xi32>,
      %add3A_763 = arith.constant 944 : i32
      %add3A_764 = arith.addi %mul3A_32, %add3A_763 : i32
      %add3A_765 = vector.broadcast %add3A_764 : i32 to vector<16xi32>
      %add3A_766 = arith.addi %iota3A, %add3A_765 : vector<16xi32>
      %lt3A_767 = vector.broadcast %sub3A_295 : i32 to vector<16xi32>
      %lt3A_768 = arith.cmpi slt, %add3A_766, %lt3A_767 : vector<16xi32>
      %add3A_769 = arith.constant 944 : i32
      %add3A_770 = arith.addi %sub3A_348, %add3A_769 : i32
      %add3A_771 = vector.broadcast %add3A_770 : i32 to vector<16xi32>
      %add3A_772 = arith.addi %add3A_771, %iota3A : vector<16xi32>
      %min3A_773 = arith.constant 1039 : i32
      %min3A_774 = vector.broadcast %min3A_773 : i32 to vector<16xi32>
      %min3A_775 = arith.minsi %add3A_772, %min3A_774 : vector<16xi32>
      %gather3A_776 = tpu.vector_load_idx %arg7[%min3A_775] : memref<1040xi32, #tpu.memory_space<vmem>>[vector<16xi32>], vector<16xi32>,
      %jit3A_777 = arith.constant 1000 : i32
      %broadcast_in_dim3A_778 = vector.broadcast %jit3A_777 : i32 to vector<16xi32>
      %select_n3A_779 = arith.select %lt3A_768, %gather3A_776, %broadcast_in_dim3A_778 : vector<16xi1>, vector<16xi32>
      %swap3A_780 = arith.constant 7 : i32
      %swap3A_781 = arith.index_cast %swap3A_780 : i32 to index
      %swap3A_782 = arith.constant 48 : index
      %swap3A_783 = tpu.vector_load %arg8[%swap3A_781, %swap3A_782] {strides = array<i32>} : memref<8x128xi32, #tpu.memory_space<vmem>>, vector<16xi32>,
      tpu.vector_store %arg8[%swap3A_781, %swap3A_782], %select_n3A_779 {strides = array<i32>} : memref<8x128xi32, #tpu.memory_space<vmem>>, vector<16xi32>,
      %add3A_784 = arith.constant 960 : i32
      %add3A_785 = arith.addi %mul3A_32, %add3A_784 : i32
      %add3A_786 = vector.broadcast %add3A_785 : i32 to vector<16xi32>
      %add3A_787 = arith.addi %iota3A, %add3A_786 : vector<16xi32>
      %lt3A_788 = vector.broadcast %sub3A_295 : i32 to vector<16xi32>
      %lt3A_789 = arith.cmpi slt, %add3A_787, %lt3A_788 : vector<16xi32>
      %add3A_790 = arith.constant 960 : i32
      %add3A_791 = arith.addi %sub3A_348, %add3A_790 : i32
      %add3A_792 = vector.broadcast %add3A_791 : i32 to vector<16xi32>
      %add3A_793 = arith.addi %add3A_792, %iota3A : vector<16xi32>
      %min3A_794 = arith.constant 1039 : i32
      %min3A_795 = vector.broadcast %min3A_794 : i32 to vector<16xi32>
      %min3A_796 = arith.minsi %add3A_793, %min3A_795 : vector<16xi32>
      %gather3A_797 = tpu.vector_load_idx %arg7[%min3A_796] : memref<1040xi32, #tpu.memory_space<vmem>>[vector<16xi32>], vector<16xi32>,
      %jit3A_798 = arith.constant 1000 : i32
      %broadcast_in_dim3A_799 = vector.broadcast %jit3A_798 : i32 to vector<16xi32>
      %select_n3A_800 = arith.select %lt3A_789, %gather3A_797, %broadcast_in_dim3A_799 : vector<16xi1>, vector<16xi32>
      %swap3A_801 = arith.constant 7 : i32
      %swap3A_802 = arith.index_cast %swap3A_801 : i32 to index
      %swap3A_803 = arith.constant 64 : index
      %swap3A_804 = tpu.vector_load %arg8[%swap3A_802, %swap3A_803] {strides = array<i32>} : memref<8x128xi32, #tpu.memory_space<vmem>>, vector<16xi32>,
      tpu.vector_store %arg8[%swap3A_802, %swap3A_803], %select_n3A_800 {strides = array<i32>} : memref<8x128xi32, #tpu.memory_space<vmem>>, vector<16xi32>,
      %add3A_805 = arith.constant 976 : i32
      %add3A_806 = arith.addi %mul3A_32, %add3A_805 : i32
      %add3A_807 = vector.broadcast %add3A_806 : i32 to vector<16xi32>
      %add3A_808 = arith.addi %iota3A, %add3A_807 : vector<16xi32>
      %lt3A_809 = vector.broadcast %sub3A_295 : i32 to vector<16xi32>
      %lt3A_810 = arith.cmpi slt, %add3A_808, %lt3A_809 : vector<16xi32>
      %add3A_811 = arith.constant 976 : i32
      %add3A_812 = arith.addi %sub3A_348, %add3A_811 : i32
      %add3A_813 = vector.broadcast %add3A_812 : i32 to vector<16xi32>
      %add3A_814 = arith.addi %add3A_813, %iota3A : vector<16xi32>
      %min3A_815 = arith.constant 1039 : i32
      %min3A_816 = vector.broadcast %min3A_815 : i32 to vector<16xi32>
      %min3A_817 = arith.minsi %add3A_814, %min3A_816 : vector<16xi32>
      %gather3A_818 = tpu.vector_load_idx %arg7[%min3A_817] : memref<1040xi32, #tpu.memory_space<vmem>>[vector<16xi32>], vector<16xi32>,
      %jit3A_819 = arith.constant 1000 : i32
      %broadcast_in_dim3A_820 = vector.broadcast %jit3A_819 : i32 to vector<16xi32>
      %select_n3A_821 = arith.select %lt3A_810, %gather3A_818, %broadcast_in_dim3A_820 : vector<16xi1>, vector<16xi32>
      %swap3A_822 = arith.constant 7 : i32
      %swap3A_823 = arith.index_cast %swap3A_822 : i32 to index
      %swap3A_824 = arith.constant 80 : index
      %swap3A_825 = tpu.vector_load %arg8[%swap3A_823, %swap3A_824] {strides = array<i32>} : memref<8x128xi32, #tpu.memory_space<vmem>>, vector<16xi32>,
      tpu.vector_store %arg8[%swap3A_823, %swap3A_824], %select_n3A_821 {strides = array<i32>} : memref<8x128xi32, #tpu.memory_space<vmem>>, vector<16xi32>,
      %add3A_826 = arith.constant 992 : i32
      %add3A_827 = arith.addi %mul3A_32, %add3A_826 : i32
      %add3A_828 = vector.broadcast %add3A_827 : i32 to vector<16xi32>
      %add3A_829 = arith.addi %iota3A, %add3A_828 : vector<16xi32>
      %lt3A_830 = vector.broadcast %sub3A_295 : i32 to vector<16xi32>
      %lt3A_831 = arith.cmpi slt, %add3A_829, %lt3A_830 : vector<16xi32>
      %add3A_832 = arith.constant 992 : i32
      %add3A_833 = arith.addi %sub3A_348, %add3A_832 : i32
      %add3A_834 = vector.broadcast %add3A_833 : i32 to vector<16xi32>
      %add3A_835 = arith.addi %add3A_834, %iota3A : vector<16xi32>
      %min3A_836 = arith.constant 1039 : i32
      %min3A_837 = vector.broadcast %min3A_836 : i32 to vector<16xi32>
      %min3A_838 = arith.minsi %add3A_835, %min3A_837 : vector<16xi32>
      %gather3A_839 = tpu.vector_load_idx %arg7[%min3A_838] : memref<1040xi32, #tpu.memory_space<vmem>>[vector<16xi32>], vector<16xi32>,
      %jit3A_840 = arith.constant 1000 : i32
      %broadcast_in_dim3A_841 = vector.broadcast %jit3A_840 : i32 to vector<16xi32>
      %select_n3A_842 = arith.select %lt3A_831, %gather3A_839, %broadcast_in_dim3A_841 : vector<16xi1>, vector<16xi32>
      %swap3A_843 = arith.constant 7 : i32
      %swap3A_844 = arith.index_cast %swap3A_843 : i32 to index
      %swap3A_845 = arith.constant 96 : index
      %swap3A_846 = tpu.vector_load %arg8[%swap3A_844, %swap3A_845] {strides = array<i32>} : memref<8x128xi32, #tpu.memory_space<vmem>>, vector<16xi32>,
      tpu.vector_store %arg8[%swap3A_844, %swap3A_845], %select_n3A_842 {strides = array<i32>} : memref<8x128xi32, #tpu.memory_space<vmem>>, vector<16xi32>,
      %add3A_847 = arith.constant 1008 : i32
      %add3A_848 = arith.addi %mul3A_32, %add3A_847 : i32
      %add3A_849 = vector.broadcast %add3A_848 : i32 to vector<16xi32>
      %add3A_850 = arith.addi %iota3A, %add3A_849 : vector<16xi32>
      %lt3A_851 = vector.broadcast %sub3A_295 : i32 to vector<16xi32>
      %lt3A_852 = arith.cmpi slt, %add3A_850, %lt3A_851 : vector<16xi32>
      %add3A_853 = arith.constant 1008 : i32
      %add3A_854 = arith.addi %sub3A_348, %add3A_853 : i32
      %add3A_855 = vector.broadcast %add3A_854 : i32 to vector<16xi32>
      %add3A_856 = arith.addi %add3A_855, %iota3A : vector<16xi32>
      %min3A_857 = arith.constant 1039 : i32
      %min3A_858 = vector.broadcast %min3A_857 : i32 to vector<16xi32>
      %min3A_859 = arith.minsi %add3A_856, %min3A_858 : vector<16xi32>
      %gather3A_860 = tpu.vector_load_idx %arg7[%min3A_859] : memref<1040xi32, #tpu.memory_space<vmem>>[vector<16xi32>], vector<16xi32>,
      %jit3A_861 = arith.constant 1000 : i32
      %broadcast_in_dim3A_862 = vector.broadcast %jit3A_861 : i32 to vector<16xi32>
      %select_n3A_863 = arith.select %lt3A_852, %gather3A_860, %broadcast_in_dim3A_862 : vector<16xi1>, vector<16xi32>
      %swap3A_864 = arith.constant 7 : i32
      %swap3A_865 = arith.index_cast %swap3A_864 : i32 to index
      %swap3A_866 = arith.constant 112 : index
      %swap3A_867 = tpu.vector_load %arg8[%swap3A_865, %swap3A_866] {strides = array<i32>} : memref<8x128xi32, #tpu.memory_space<vmem>>, vector<16xi32>,
      tpu.vector_store %arg8[%swap3A_865, %swap3A_866], %select_n3A_863 {strides = array<i32>} : memref<8x128xi32, #tpu.memory_space<vmem>>, vector<16xi32>,
    } else {
    }
    %not3A = arith.constant true
    %not3A_492 = arith.xori %lt3A_298, %not3A : i1
    %convert_element_type3A_493 = arith.extui %not3A_492 : i1 to i32
    %cond3A_494 = arith.constant 0 : i32
    %cond3A_495 = arith.cmpi ne, %convert_element_type3A_493, %cond3A_494 : i32
    scf.if %cond3A_495 {
      %dma_wait3A_701 = arith.constant 0 : i32
      %dma_wait3A_702 = arith.constant 0 : i32
      %dma_wait3A_703 = tpu.memref_slice %arg15[%dma_wait3A_701, %dma_wait3A_702] : memref<1008x128xf32, #tpu.memory_space<vmem_shared>> -> memref<1008x128xf32, #tpu.memory_space<vmem_shared>>
      tpu.wait_indirect_dma semaphore(%arg19 : memref<!tpu.dma_semaphore, #tpu.memory_space<semaphore_mem>>) src(%dma_wait3A_703 : memref<1008x128xf32, #tpu.memory_space<vmem_shared>>) dst(%arg11 : memref<128x128xf32, #tpu.memory_space<vmem>>)
    } else {
    }
    %convert_element_type3A_496 = arith.extui %lt3A_298 : i1 to i32
    %cond3A_497 = arith.constant 0 : i32
    %cond3A_498 = arith.constant 0 : i32
    %cond3A_499 = arith.cmpi ne, %convert_element_type3A_496, %cond3A_498 : i32
    scf.if %cond3A_499 {
      %dma_wait3A_701 = arith.constant 0 : i32
      %dma_wait3A_702 = tpu.memref_slice %arg8[%cond3A_497, %dma_wait3A_701] : memref<8x128xi32, #tpu.memory_space<vmem>> -> memref<1x128xi32, #tpu.memory_space<vmem>>
      %dma_wait3A_703 = tpu.memref_squeeze %dma_wait3A_702 : memref<1x128xi32, #tpu.memory_space<vmem>> -> memref<128xi32, #tpu.memory_space<vmem>>
      %dma_wait3A_704 = arith.constant 0 : i32
      %dma_wait3A_705 = arith.constant 0 : i32
      %dma_wait3A_706 = tpu.memref_slice %arg15[%dma_wait3A_704, %dma_wait3A_705] : memref<1008x128xf32, #tpu.memory_space<vmem_shared>> -> memref<1008x128xf32, #tpu.memory_space<vmem_shared>>
      tpu.wait_indirect_dma semaphore(%arg16 : memref<!tpu.dma_semaphore, #tpu.memory_space<semaphore_mem>>) src(%dma_wait3A_706 : memref<1008x128xf32, #tpu.memory_space<vmem_shared>>) dst(%arg9 : memref<128x128xf32, #tpu.memory_space<vmem>>)
    } else {
    }
    %convert_element_type3A_500 = arith.extui %lt3A_301 : i1 to i32
    %cond3A_501 = arith.constant 1 : i32
    %cond3A_502 = arith.constant 0 : i32
    %cond3A_503 = arith.cmpi ne, %convert_element_type3A_500, %cond3A_502 : i32
    scf.if %cond3A_503 {
      %dma_start3A_701 = arith.constant 0 : i32
      %dma_start3A_702 = tpu.memref_slice %arg8[%cond3A_501, %dma_start3A_701] : memref<8x128xi32, #tpu.memory_space<vmem>> -> memref<1x128xi32, #tpu.memory_space<vmem>>
      %dma_start3A_703 = tpu.memref_squeeze %dma_start3A_702 : memref<1x128xi32, #tpu.memory_space<vmem>> -> memref<128xi32, #tpu.memory_space<vmem>>
      %dma_start3A_704 = arith.constant 0 : i32
      %dma_start3A_705 = arith.constant 0 : i32
      %dma_start3A_706 = tpu.memref_slice %arg15[%dma_start3A_704, %dma_start3A_705] : memref<1008x128xf32, #tpu.memory_space<vmem_shared>> -> memref<1008x128xf32, #tpu.memory_space<vmem_shared>>
      tpu.enqueue_indirect_dma source(%dma_start3A_706 : memref<1008x128xf32, #tpu.memory_space<vmem_shared>>) target(%arg10 : memref<128x128xf32, #tpu.memory_space<vmem>>) offsets(%dma_start3A_703 : memref<128xi32, #tpu.memory_space<vmem>>) semaphore(%arg17 : memref<!tpu.dma_semaphore, #tpu.memory_space<semaphore_mem>>)
    } else {
    }
    %convert_element_type3A_504 = arith.extui %lt3A_298 : i1 to i32
    %cond3A_505 = arith.constant 0 : i32
    %cond3A_506 = arith.cmpi ne, %convert_element_type3A_504, %cond3A_505 : i32
    scf.if %cond3A_506 {
      %dma_start3A_701 = arith.constant 0 : i32
      %dma_start3A_702 = tpu.memref_slice %arg5[%add3A_404, %dma_start3A_701] : memref<32768x128xf32, #tpu.memory_space<hbm>> -> memref<128x128xf32, #tpu.memory_space<hbm>>
      %dma_start3A_703 = arith.constant 0 : i32
      %dma_start3A_704 = tpu.memref_slice %arg5[%add3A_404, %dma_start3A_703] : memref<32768x128xf32, #tpu.memory_space<hbm>> -> memref<128x128xf32, #tpu.memory_space<hbm>>
      tpu.enqueue_dma source(%arg9 : memref<128x128xf32, #tpu.memory_space<vmem>>) target(%dma_start3A_704 : memref<128x128xf32, #tpu.memory_space<hbm>>) target_semaphore(%arg18 : memref<!tpu.dma_semaphore, #tpu.memory_space<semaphore_mem>>)
    } else {
    }
    %not3A_507 = arith.constant true
    %not3A_508 = arith.xori %lt3A_298, %not3A_507 : i1
    %convert_element_type3A_509 = arith.extui %not3A_508 : i1 to i32
    %cond3A_510 = arith.constant 0 : i32
    %cond3A_511 = arith.cmpi ne, %convert_element_type3A_509, %cond3A_510 : i32
    scf.if %cond3A_511 {
      %dma_start3A_701 = arith.constant 0 : i32
      %dma_start3A_702 = tpu.memref_slice %arg5[%add3A_436, %dma_start3A_701] : memref<32768x128xf32, #tpu.memory_space<hbm>> -> memref<128x128xf32, #tpu.memory_space<hbm>>
      %dma_start3A_703 = arith.constant 0 : i32
      %dma_start3A_704 = tpu.memref_slice %arg5[%add3A_436, %dma_start3A_703] : memref<32768x128xf32, #tpu.memory_space<hbm>> -> memref<128x128xf32, #tpu.memory_space<hbm>>
      tpu.enqueue_dma source(%arg11 : memref<128x128xf32, #tpu.memory_space<vmem>>) target(%dma_start3A_704 : memref<128x128xf32, #tpu.memory_space<hbm>>) target_semaphore(%arg18 : memref<!tpu.dma_semaphore, #tpu.memory_space<semaphore_mem>>)
    } else {
    }
    %not3A_512 = arith.constant true
    %not3A_513 = arith.xori %lt3A_301, %not3A_512 : i1
    %and3A_514 = arith.andi %lt3A_298, %not3A_513 : i1
    %convert_element_type3A_515 = arith.extui %and3A_514 : i1 to i32
    %cond3A_516 = arith.constant 0 : i32
    %cond3A_517 = arith.cmpi ne, %convert_element_type3A_515, %cond3A_516 : i32
    scf.if %cond3A_517 {
      %dma_wait3A_701 = arith.constant 0 : i32
      %dma_wait3A_702 = arith.constant 0 : i32
      %dma_wait3A_703 = tpu.memref_slice %arg15[%dma_wait3A_701, %dma_wait3A_702] : memref<1008x128xf32, #tpu.memory_space<vmem_shared>> -> memref<1008x128xf32, #tpu.memory_space<vmem_shared>>
      tpu.wait_indirect_dma semaphore(%arg19 : memref<!tpu.dma_semaphore, #tpu.memory_space<semaphore_mem>>) src(%dma_wait3A_703 : memref<1008x128xf32, #tpu.memory_space<vmem_shared>>) dst(%arg11 : memref<128x128xf32, #tpu.memory_space<vmem>>)
    } else {
    }
    %convert_element_type3A_518 = arith.extui %lt3A_301 : i1 to i32
    %cond3A_519 = arith.constant 1 : i32
    %cond3A_520 = arith.constant 0 : i32
    %cond3A_521 = arith.cmpi ne, %convert_element_type3A_518, %cond3A_520 : i32
    scf.if %cond3A_521 {
      %dma_wait3A_701 = arith.constant 0 : i32
      %dma_wait3A_702 = tpu.memref_slice %arg8[%cond3A_519, %dma_wait3A_701] : memref<8x128xi32, #tpu.memory_space<vmem>> -> memref<1x128xi32, #tpu.memory_space<vmem>>
      %dma_wait3A_703 = tpu.memref_squeeze %dma_wait3A_702 : memref<1x128xi32, #tpu.memory_space<vmem>> -> memref<128xi32, #tpu.memory_space<vmem>>
      %dma_wait3A_704 = arith.constant 0 : i32
      %dma_wait3A_705 = arith.constant 0 : i32
      %dma_wait3A_706 = tpu.memref_slice %arg15[%dma_wait3A_704, %dma_wait3A_705] : memref<1008x128xf32, #tpu.memory_space<vmem_shared>> -> memref<1008x128xf32, #tpu.memory_space<vmem_shared>>
      tpu.wait_indirect_dma semaphore(%arg17 : memref<!tpu.dma_semaphore, #tpu.memory_space<semaphore_mem>>) src(%dma_wait3A_706 : memref<1008x128xf32, #tpu.memory_space<vmem_shared>>) dst(%arg10 : memref<128x128xf32, #tpu.memory_space<vmem>>)
    } else {
    }
    %dma_wait3A = arith.constant 0 : i32
    %dma_wait3A_522 = tpu.memref_slice %arg5[%add3A_404, %dma_wait3A] : memref<32768x128xf32, #tpu.memory_space<hbm>> -> memref<128x128xf32, #tpu.memory_space<hbm>>
    %dma_wait3A_523 = arith.constant 0 : i32
    %dma_wait3A_524 = tpu.memref_slice %arg5[%add3A_404, %dma_wait3A_523] : memref<32768x128xf32, #tpu.memory_space<hbm>> -> memref<128x128xf32, #tpu.memory_space<hbm>>
    tpu.wait_dma2 semaphore(%arg18 : memref<!tpu.dma_semaphore, #tpu.memory_space<semaphore_mem>>) src(%arg9 : memref<128x128xf32, #tpu.memory_space<vmem>>) dst(%dma_wait3A_524 : memref<128x128xf32, #tpu.memory_space<hbm>>)
    %convert_element_type3A_525 = arith.extui %lt3A_304 : i1 to i32
    %cond3A_526 = arith.constant 2 : i32
    %cond3A_527 = arith.constant 0 : i32
    %cond3A_528 = arith.cmpi ne, %convert_element_type3A_525, %cond3A_527 : i32
    scf.if %cond3A_528 {
      %dma_start3A_701 = arith.constant 0 : i32
      %dma_start3A_702 = tpu.memref_slice %arg8[%cond3A_526, %dma_start3A_701] : memref<8x128xi32, #tpu.memory_space<vmem>> -> memref<1x128xi32, #tpu.memory_space<vmem>>
      %dma_start3A_703 = tpu.memref_squeeze %dma_start3A_702 : memref<1x128xi32, #tpu.memory_space<vmem>> -> memref<128xi32, #tpu.memory_space<vmem>>
      %dma_start3A_704 = arith.constant 0 : i32
      %dma_start3A_705 = arith.constant 0 : i32
      %dma_start3A_706 = tpu.memref_slice %arg15[%dma_start3A_704, %dma_start3A_705] : memref<1008x128xf32, #tpu.memory_space<vmem_shared>> -> memref<1008x128xf32, #tpu.memory_space<vmem_shared>>
      tpu.enqueue_indirect_dma source(%dma_start3A_706 : memref<1008x128xf32, #tpu.memory_space<vmem_shared>>) target(%arg9 : memref<128x128xf32, #tpu.memory_space<vmem>>) offsets(%dma_start3A_703 : memref<128xi32, #tpu.memory_space<vmem>>) semaphore(%arg16 : memref<!tpu.dma_semaphore, #tpu.memory_space<semaphore_mem>>)
    } else {
    }
    %convert_element_type3A_529 = arith.extui %lt3A_301 : i1 to i32
    %cond3A_530 = arith.constant 0 : i32
    %cond3A_531 = arith.cmpi ne, %convert_element_type3A_529, %cond3A_530 : i32
    scf.if %cond3A_531 {
      %dma_start3A_701 = arith.constant 0 : i32
      %dma_start3A_702 = tpu.memref_slice %arg5[%add3A_408, %dma_start3A_701] : memref<32768x128xf32, #tpu.memory_space<hbm>> -> memref<128x128xf32, #tpu.memory_space<hbm>>
      %dma_start3A_703 = arith.constant 0 : i32
      %dma_start3A_704 = tpu.memref_slice %arg5[%add3A_408, %dma_start3A_703] : memref<32768x128xf32, #tpu.memory_space<hbm>> -> memref<128x128xf32, #tpu.memory_space<hbm>>
      tpu.enqueue_dma source(%arg10 : memref<128x128xf32, #tpu.memory_space<vmem>>) target(%dma_start3A_704 : memref<128x128xf32, #tpu.memory_space<hbm>>) target_semaphore(%arg18 : memref<!tpu.dma_semaphore, #tpu.memory_space<semaphore_mem>>)
    } else {
    }
    %not3A_532 = arith.constant true
    %not3A_533 = arith.xori %lt3A_301, %not3A_532 : i1
    %convert_element_type3A_534 = arith.extui %not3A_533 : i1 to i32
    %cond3A_535 = arith.constant 0 : i32
    %cond3A_536 = arith.cmpi ne, %convert_element_type3A_534, %cond3A_535 : i32
    scf.if %cond3A_536 {
      %dma_start3A_701 = arith.constant 0 : i32
      %dma_start3A_702 = tpu.memref_slice %arg5[%add3A_440, %dma_start3A_701] : memref<32768x128xf32, #tpu.memory_space<hbm>> -> memref<128x128xf32, #tpu.memory_space<hbm>>
      %dma_start3A_703 = arith.constant 0 : i32
      %dma_start3A_704 = tpu.memref_slice %arg5[%add3A_440, %dma_start3A_703] : memref<32768x128xf32, #tpu.memory_space<hbm>> -> memref<128x128xf32, #tpu.memory_space<hbm>>
      tpu.enqueue_dma source(%arg11 : memref<128x128xf32, #tpu.memory_space<vmem>>) target(%dma_start3A_704 : memref<128x128xf32, #tpu.memory_space<hbm>>) target_semaphore(%arg18 : memref<!tpu.dma_semaphore, #tpu.memory_space<semaphore_mem>>)
    } else {
    }
    %not3A_537 = arith.constant true
    %not3A_538 = arith.xori %lt3A_304, %not3A_537 : i1
    %and3A_539 = arith.andi %lt3A_301, %not3A_538 : i1
    %convert_element_type3A_540 = arith.extui %and3A_539 : i1 to i32
    %cond3A_541 = arith.constant 0 : i32
    %cond3A_542 = arith.cmpi ne, %convert_element_type3A_540, %cond3A_541 : i32
    scf.if %cond3A_542 {
      %dma_wait3A_701 = arith.constant 0 : i32
      %dma_wait3A_702 = arith.constant 0 : i32
      %dma_wait3A_703 = tpu.memref_slice %arg15[%dma_wait3A_701, %dma_wait3A_702] : memref<1008x128xf32, #tpu.memory_space<vmem_shared>> -> memref<1008x128xf32, #tpu.memory_space<vmem_shared>>
      tpu.wait_indirect_dma semaphore(%arg19 : memref<!tpu.dma_semaphore, #tpu.memory_space<semaphore_mem>>) src(%dma_wait3A_703 : memref<1008x128xf32, #tpu.memory_space<vmem_shared>>) dst(%arg11 : memref<128x128xf32, #tpu.memory_space<vmem>>)
    } else {
    }
    %convert_element_type3A_543 = arith.extui %lt3A_304 : i1 to i32
    %cond3A_544 = arith.constant 2 : i32
    %cond3A_545 = arith.constant 0 : i32
    %cond3A_546 = arith.cmpi ne, %convert_element_type3A_543, %cond3A_545 : i32
    scf.if %cond3A_546 {
      %dma_wait3A_701 = arith.constant 0 : i32
      %dma_wait3A_702 = tpu.memref_slice %arg8[%cond3A_544, %dma_wait3A_701] : memref<8x128xi32, #tpu.memory_space<vmem>> -> memref<1x128xi32, #tpu.memory_space<vmem>>
      %dma_wait3A_703 = tpu.memref_squeeze %dma_wait3A_702 : memref<1x128xi32, #tpu.memory_space<vmem>> -> memref<128xi32, #tpu.memory_space<vmem>>
      %dma_wait3A_704 = arith.constant 0 : i32
      %dma_wait3A_705 = arith.constant 0 : i32
      %dma_wait3A_706 = tpu.memref_slice %arg15[%dma_wait3A_704, %dma_wait3A_705] : memref<1008x128xf32, #tpu.memory_space<vmem_shared>> -> memref<1008x128xf32, #tpu.memory_space<vmem_shared>>
      tpu.wait_indirect_dma semaphore(%arg16 : memref<!tpu.dma_semaphore, #tpu.memory_space<semaphore_mem>>) src(%dma_wait3A_706 : memref<1008x128xf32, #tpu.memory_space<vmem_shared>>) dst(%arg9 : memref<128x128xf32, #tpu.memory_space<vmem>>)
    } else {
    }
    %dma_wait3A_547 = arith.constant 0 : i32
    %dma_wait3A_548 = tpu.memref_slice %arg5[%add3A_408, %dma_wait3A_547] : memref<32768x128xf32, #tpu.memory_space<hbm>> -> memref<128x128xf32, #tpu.memory_space<hbm>>
    %dma_wait3A_549 = arith.constant 0 : i32
    %dma_wait3A_550 = tpu.memref_slice %arg5[%add3A_408, %dma_wait3A_549] : memref<32768x128xf32, #tpu.memory_space<hbm>> -> memref<128x128xf32, #tpu.memory_space<hbm>>
    tpu.wait_dma2 semaphore(%arg18 : memref<!tpu.dma_semaphore, #tpu.memory_space<semaphore_mem>>) src(%arg10 : memref<128x128xf32, #tpu.memory_space<vmem>>) dst(%dma_wait3A_550 : memref<128x128xf32, #tpu.memory_space<hbm>>)
    %convert_element_type3A_551 = arith.extui %lt3A_307 : i1 to i32
    %cond3A_552 = arith.constant 3 : i32
    %cond3A_553 = arith.constant 0 : i32
    %cond3A_554 = arith.cmpi ne, %convert_element_type3A_551, %cond3A_553 : i32
    scf.if %cond3A_554 {
      %dma_start3A_701 = arith.constant 0 : i32
      %dma_start3A_702 = tpu.memref_slice %arg8[%cond3A_552, %dma_start3A_701] : memref<8x128xi32, #tpu.memory_space<vmem>> -> memref<1x128xi32, #tpu.memory_space<vmem>>
      %dma_start3A_703 = tpu.memref_squeeze %dma_start3A_702 : memref<1x128xi32, #tpu.memory_space<vmem>> -> memref<128xi32, #tpu.memory_space<vmem>>
      %dma_start3A_704 = arith.constant 0 : i32
      %dma_start3A_705 = arith.constant 0 : i32
      %dma_start3A_706 = tpu.memref_slice %arg15[%dma_start3A_704, %dma_start3A_705] : memref<1008x128xf32, #tpu.memory_space<vmem_shared>> -> memref<1008x128xf32, #tpu.memory_space<vmem_shared>>
      tpu.enqueue_indirect_dma source(%dma_start3A_706 : memref<1008x128xf32, #tpu.memory_space<vmem_shared>>) target(%arg10 : memref<128x128xf32, #tpu.memory_space<vmem>>) offsets(%dma_start3A_703 : memref<128xi32, #tpu.memory_space<vmem>>) semaphore(%arg17 : memref<!tpu.dma_semaphore, #tpu.memory_space<semaphore_mem>>)
    } else {
    }
    %convert_element_type3A_555 = arith.extui %lt3A_304 : i1 to i32
    %cond3A_556 = arith.constant 0 : i32
    %cond3A_557 = arith.cmpi ne, %convert_element_type3A_555, %cond3A_556 : i32
    scf.if %cond3A_557 {
      %dma_start3A_701 = arith.constant 0 : i32
      %dma_start3A_702 = tpu.memref_slice %arg5[%add3A_412, %dma_start3A_701] : memref<32768x128xf32, #tpu.memory_space<hbm>> -> memref<128x128xf32, #tpu.memory_space<hbm>>
      %dma_start3A_703 = arith.constant 0 : i32
      %dma_start3A_704 = tpu.memref_slice %arg5[%add3A_412, %dma_start3A_703] : memref<32768x128xf32, #tpu.memory_space<hbm>> -> memref<128x128xf32, #tpu.memory_space<hbm>>
      tpu.enqueue_dma source(%arg9 : memref<128x128xf32, #tpu.memory_space<vmem>>) target(%dma_start3A_704 : memref<128x128xf32, #tpu.memory_space<hbm>>) target_semaphore(%arg18 : memref<!tpu.dma_semaphore, #tpu.memory_space<semaphore_mem>>)
    } else {
    }
    %not3A_558 = arith.constant true
    %not3A_559 = arith.xori %lt3A_304, %not3A_558 : i1
    %convert_element_type3A_560 = arith.extui %not3A_559 : i1 to i32
    %cond3A_561 = arith.constant 0 : i32
    %cond3A_562 = arith.cmpi ne, %convert_element_type3A_560, %cond3A_561 : i32
    scf.if %cond3A_562 {
      %dma_start3A_701 = arith.constant 0 : i32
      %dma_start3A_702 = tpu.memref_slice %arg5[%add3A_444, %dma_start3A_701] : memref<32768x128xf32, #tpu.memory_space<hbm>> -> memref<128x128xf32, #tpu.memory_space<hbm>>
      %dma_start3A_703 = arith.constant 0 : i32
      %dma_start3A_704 = tpu.memref_slice %arg5[%add3A_444, %dma_start3A_703] : memref<32768x128xf32, #tpu.memory_space<hbm>> -> memref<128x128xf32, #tpu.memory_space<hbm>>
      tpu.enqueue_dma source(%arg11 : memref<128x128xf32, #tpu.memory_space<vmem>>) target(%dma_start3A_704 : memref<128x128xf32, #tpu.memory_space<hbm>>) target_semaphore(%arg18 : memref<!tpu.dma_semaphore, #tpu.memory_space<semaphore_mem>>)
    } else {
    }
    %not3A_563 = arith.constant true
    %not3A_564 = arith.xori %lt3A_307, %not3A_563 : i1
    %and3A_565 = arith.andi %lt3A_304, %not3A_564 : i1
    %convert_element_type3A_566 = arith.extui %and3A_565 : i1 to i32
    %cond3A_567 = arith.constant 0 : i32
    %cond3A_568 = arith.cmpi ne, %convert_element_type3A_566, %cond3A_567 : i32
    scf.if %cond3A_568 {
      %dma_wait3A_701 = arith.constant 0 : i32
      %dma_wait3A_702 = arith.constant 0 : i32
      %dma_wait3A_703 = tpu.memref_slice %arg15[%dma_wait3A_701, %dma_wait3A_702] : memref<1008x128xf32, #tpu.memory_space<vmem_shared>> -> memref<1008x128xf32, #tpu.memory_space<vmem_shared>>
      tpu.wait_indirect_dma semaphore(%arg19 : memref<!tpu.dma_semaphore, #tpu.memory_space<semaphore_mem>>) src(%dma_wait3A_703 : memref<1008x128xf32, #tpu.memory_space<vmem_shared>>) dst(%arg11 : memref<128x128xf32, #tpu.memory_space<vmem>>)
    } else {
    }
    %convert_element_type3A_569 = arith.extui %lt3A_307 : i1 to i32
    %cond3A_570 = arith.constant 3 : i32
    %cond3A_571 = arith.constant 0 : i32
    %cond3A_572 = arith.cmpi ne, %convert_element_type3A_569, %cond3A_571 : i32
    scf.if %cond3A_572 {
      %dma_wait3A_701 = arith.constant 0 : i32
      %dma_wait3A_702 = tpu.memref_slice %arg8[%cond3A_570, %dma_wait3A_701] : memref<8x128xi32, #tpu.memory_space<vmem>> -> memref<1x128xi32, #tpu.memory_space<vmem>>
      %dma_wait3A_703 = tpu.memref_squeeze %dma_wait3A_702 : memref<1x128xi32, #tpu.memory_space<vmem>> -> memref<128xi32, #tpu.memory_space<vmem>>
      %dma_wait3A_704 = arith.constant 0 : i32
      %dma_wait3A_705 = arith.constant 0 : i32
      %dma_wait3A_706 = tpu.memref_slice %arg15[%dma_wait3A_704, %dma_wait3A_705] : memref<1008x128xf32, #tpu.memory_space<vmem_shared>> -> memref<1008x128xf32, #tpu.memory_space<vmem_shared>>
      tpu.wait_indirect_dma semaphore(%arg17 : memref<!tpu.dma_semaphore, #tpu.memory_space<semaphore_mem>>) src(%dma_wait3A_706 : memref<1008x128xf32, #tpu.memory_space<vmem_shared>>) dst(%arg10 : memref<128x128xf32, #tpu.memory_space<vmem>>)
    } else {
    }
    %dma_wait3A_573 = arith.constant 0 : i32
    %dma_wait3A_574 = tpu.memref_slice %arg5[%add3A_412, %dma_wait3A_573] : memref<32768x128xf32, #tpu.memory_space<hbm>> -> memref<128x128xf32, #tpu.memory_space<hbm>>
    %dma_wait3A_575 = arith.constant 0 : i32
    %dma_wait3A_576 = tpu.memref_slice %arg5[%add3A_412, %dma_wait3A_575] : memref<32768x128xf32, #tpu.memory_space<hbm>> -> memref<128x128xf32, #tpu.memory_space<hbm>>
    tpu.wait_dma2 semaphore(%arg18 : memref<!tpu.dma_semaphore, #tpu.memory_space<semaphore_mem>>) src(%arg9 : memref<128x128xf32, #tpu.memory_space<vmem>>) dst(%dma_wait3A_576 : memref<128x128xf32, #tpu.memory_space<hbm>>)
    %convert_element_type3A_577 = arith.extui %lt3A_310 : i1 to i32
    %cond3A_578 = arith.constant 4 : i32
    %cond3A_579 = arith.constant 0 : i32
    %cond3A_580 = arith.cmpi ne, %convert_element_type3A_577, %cond3A_579 : i32
    scf.if %cond3A_580 {
      %dma_start3A_701 = arith.constant 0 : i32
      %dma_start3A_702 = tpu.memref_slice %arg8[%cond3A_578, %dma_start3A_701] : memref<8x128xi32, #tpu.memory_space<vmem>> -> memref<1x128xi32, #tpu.memory_space<vmem>>
      %dma_start3A_703 = tpu.memref_squeeze %dma_start3A_702 : memref<1x128xi32, #tpu.memory_space<vmem>> -> memref<128xi32, #tpu.memory_space<vmem>>
      %dma_start3A_704 = arith.constant 0 : i32
      %dma_start3A_705 = arith.constant 0 : i32
      %dma_start3A_706 = tpu.memref_slice %arg15[%dma_start3A_704, %dma_start3A_705] : memref<1008x128xf32, #tpu.memory_space<vmem_shared>> -> memref<1008x128xf32, #tpu.memory_space<vmem_shared>>
      tpu.enqueue_indirect_dma source(%dma_start3A_706 : memref<1008x128xf32, #tpu.memory_space<vmem_shared>>) target(%arg9 : memref<128x128xf32, #tpu.memory_space<vmem>>) offsets(%dma_start3A_703 : memref<128xi32, #tpu.memory_space<vmem>>) semaphore(%arg16 : memref<!tpu.dma_semaphore, #tpu.memory_space<semaphore_mem>>)
    } else {
    }
    %convert_element_type3A_581 = arith.extui %lt3A_307 : i1 to i32
    %cond3A_582 = arith.constant 0 : i32
    %cond3A_583 = arith.cmpi ne, %convert_element_type3A_581, %cond3A_582 : i32
    scf.if %cond3A_583 {
      %dma_start3A_701 = arith.constant 0 : i32
      %dma_start3A_702 = tpu.memref_slice %arg5[%add3A_416, %dma_start3A_701] : memref<32768x128xf32, #tpu.memory_space<hbm>> -> memref<128x128xf32, #tpu.memory_space<hbm>>
      %dma_start3A_703 = arith.constant 0 : i32
      %dma_start3A_704 = tpu.memref_slice %arg5[%add3A_416, %dma_start3A_703] : memref<32768x128xf32, #tpu.memory_space<hbm>> -> memref<128x128xf32, #tpu.memory_space<hbm>>
      tpu.enqueue_dma source(%arg10 : memref<128x128xf32, #tpu.memory_space<vmem>>) target(%dma_start3A_704 : memref<128x128xf32, #tpu.memory_space<hbm>>) target_semaphore(%arg18 : memref<!tpu.dma_semaphore, #tpu.memory_space<semaphore_mem>>)
    } else {
    }
    %not3A_584 = arith.constant true
    %not3A_585 = arith.xori %lt3A_307, %not3A_584 : i1
    %convert_element_type3A_586 = arith.extui %not3A_585 : i1 to i32
    %cond3A_587 = arith.constant 0 : i32
    %cond3A_588 = arith.cmpi ne, %convert_element_type3A_586, %cond3A_587 : i32
    scf.if %cond3A_588 {
      %dma_start3A_701 = arith.constant 0 : i32
      %dma_start3A_702 = tpu.memref_slice %arg5[%add3A_448, %dma_start3A_701] : memref<32768x128xf32, #tpu.memory_space<hbm>> -> memref<128x128xf32, #tpu.memory_space<hbm>>
      %dma_start3A_703 = arith.constant 0 : i32
      %dma_start3A_704 = tpu.memref_slice %arg5[%add3A_448, %dma_start3A_703] : memref<32768x128xf32, #tpu.memory_space<hbm>> -> memref<128x128xf32, #tpu.memory_space<hbm>>
      tpu.enqueue_dma source(%arg11 : memref<128x128xf32, #tpu.memory_space<vmem>>) target(%dma_start3A_704 : memref<128x128xf32, #tpu.memory_space<hbm>>) target_semaphore(%arg18 : memref<!tpu.dma_semaphore, #tpu.memory_space<semaphore_mem>>)
    } else {
    }
    %not3A_589 = arith.constant true
    %not3A_590 = arith.xori %lt3A_310, %not3A_589 : i1
    %and3A_591 = arith.andi %lt3A_307, %not3A_590 : i1
    %convert_element_type3A_592 = arith.extui %and3A_591 : i1 to i32
    %cond3A_593 = arith.constant 0 : i32
    %cond3A_594 = arith.cmpi ne, %convert_element_type3A_592, %cond3A_593 : i32
    scf.if %cond3A_594 {
      %dma_wait3A_701 = arith.constant 0 : i32
      %dma_wait3A_702 = arith.constant 0 : i32
      %dma_wait3A_703 = tpu.memref_slice %arg15[%dma_wait3A_701, %dma_wait3A_702] : memref<1008x128xf32, #tpu.memory_space<vmem_shared>> -> memref<1008x128xf32, #tpu.memory_space<vmem_shared>>
      tpu.wait_indirect_dma semaphore(%arg19 : memref<!tpu.dma_semaphore, #tpu.memory_space<semaphore_mem>>) src(%dma_wait3A_703 : memref<1008x128xf32, #tpu.memory_space<vmem_shared>>) dst(%arg11 : memref<128x128xf32, #tpu.memory_space<vmem>>)
    } else {
    }
    %convert_element_type3A_595 = arith.extui %lt3A_310 : i1 to i32
    %cond3A_596 = arith.constant 4 : i32
    %cond3A_597 = arith.constant 0 : i32
    %cond3A_598 = arith.cmpi ne, %convert_element_type3A_595, %cond3A_597 : i32
    scf.if %cond3A_598 {
      %dma_wait3A_701 = arith.constant 0 : i32
      %dma_wait3A_702 = tpu.memref_slice %arg8[%cond3A_596, %dma_wait3A_701] : memref<8x128xi32, #tpu.memory_space<vmem>> -> memref<1x128xi32, #tpu.memory_space<vmem>>
      %dma_wait3A_703 = tpu.memref_squeeze %dma_wait3A_702 : memref<1x128xi32, #tpu.memory_space<vmem>> -> memref<128xi32, #tpu.memory_space<vmem>>
      %dma_wait3A_704 = arith.constant 0 : i32
      %dma_wait3A_705 = arith.constant 0 : i32
      %dma_wait3A_706 = tpu.memref_slice %arg15[%dma_wait3A_704, %dma_wait3A_705] : memref<1008x128xf32, #tpu.memory_space<vmem_shared>> -> memref<1008x128xf32, #tpu.memory_space<vmem_shared>>
      tpu.wait_indirect_dma semaphore(%arg16 : memref<!tpu.dma_semaphore, #tpu.memory_space<semaphore_mem>>) src(%dma_wait3A_706 : memref<1008x128xf32, #tpu.memory_space<vmem_shared>>) dst(%arg9 : memref<128x128xf32, #tpu.memory_space<vmem>>)
    } else {
    }
    %dma_wait3A_599 = arith.constant 0 : i32
    %dma_wait3A_600 = tpu.memref_slice %arg5[%add3A_416, %dma_wait3A_599] : memref<32768x128xf32, #tpu.memory_space<hbm>> -> memref<128x128xf32, #tpu.memory_space<hbm>>
    %dma_wait3A_601 = arith.constant 0 : i32
    %dma_wait3A_602 = tpu.memref_slice %arg5[%add3A_416, %dma_wait3A_601] : memref<32768x128xf32, #tpu.memory_space<hbm>> -> memref<128x128xf32, #tpu.memory_space<hbm>>
    tpu.wait_dma2 semaphore(%arg18 : memref<!tpu.dma_semaphore, #tpu.memory_space<semaphore_mem>>) src(%arg10 : memref<128x128xf32, #tpu.memory_space<vmem>>) dst(%dma_wait3A_602 : memref<128x128xf32, #tpu.memory_space<hbm>>)
    %convert_element_type3A_603 = arith.extui %lt3A_313 : i1 to i32
    %cond3A_604 = arith.constant 5 : i32
    %cond3A_605 = arith.constant 0 : i32
    %cond3A_606 = arith.cmpi ne, %convert_element_type3A_603, %cond3A_605 : i32
    scf.if %cond3A_606 {
      %dma_start3A_701 = arith.constant 0 : i32
      %dma_start3A_702 = tpu.memref_slice %arg8[%cond3A_604, %dma_start3A_701] : memref<8x128xi32, #tpu.memory_space<vmem>> -> memref<1x128xi32, #tpu.memory_space<vmem>>
      %dma_start3A_703 = tpu.memref_squeeze %dma_start3A_702 : memref<1x128xi32, #tpu.memory_space<vmem>> -> memref<128xi32, #tpu.memory_space<vmem>>
      %dma_start3A_704 = arith.constant 0 : i32
      %dma_start3A_705 = arith.constant 0 : i32
      %dma_start3A_706 = tpu.memref_slice %arg15[%dma_start3A_704, %dma_start3A_705] : memref<1008x128xf32, #tpu.memory_space<vmem_shared>> -> memref<1008x128xf32, #tpu.memory_space<vmem_shared>>
      tpu.enqueue_indirect_dma source(%dma_start3A_706 : memref<1008x128xf32, #tpu.memory_space<vmem_shared>>) target(%arg10 : memref<128x128xf32, #tpu.memory_space<vmem>>) offsets(%dma_start3A_703 : memref<128xi32, #tpu.memory_space<vmem>>) semaphore(%arg17 : memref<!tpu.dma_semaphore, #tpu.memory_space<semaphore_mem>>)
    } else {
    }
    %convert_element_type3A_607 = arith.extui %lt3A_310 : i1 to i32
    %cond3A_608 = arith.constant 0 : i32
    %cond3A_609 = arith.cmpi ne, %convert_element_type3A_607, %cond3A_608 : i32
    scf.if %cond3A_609 {
      %dma_start3A_701 = arith.constant 0 : i32
      %dma_start3A_702 = tpu.memref_slice %arg5[%add3A_420, %dma_start3A_701] : memref<32768x128xf32, #tpu.memory_space<hbm>> -> memref<128x128xf32, #tpu.memory_space<hbm>>
      %dma_start3A_703 = arith.constant 0 : i32
      %dma_start3A_704 = tpu.memref_slice %arg5[%add3A_420, %dma_start3A_703] : memref<32768x128xf32, #tpu.memory_space<hbm>> -> memref<128x128xf32, #tpu.memory_space<hbm>>
      tpu.enqueue_dma source(%arg9 : memref<128x128xf32, #tpu.memory_space<vmem>>) target(%dma_start3A_704 : memref<128x128xf32, #tpu.memory_space<hbm>>) target_semaphore(%arg18 : memref<!tpu.dma_semaphore, #tpu.memory_space<semaphore_mem>>)
    } else {
    }
    %not3A_610 = arith.constant true
    %not3A_611 = arith.xori %lt3A_310, %not3A_610 : i1
    %convert_element_type3A_612 = arith.extui %not3A_611 : i1 to i32
    %cond3A_613 = arith.constant 0 : i32
    %cond3A_614 = arith.cmpi ne, %convert_element_type3A_612, %cond3A_613 : i32
    scf.if %cond3A_614 {
      %dma_start3A_701 = arith.constant 0 : i32
      %dma_start3A_702 = tpu.memref_slice %arg5[%add3A_452, %dma_start3A_701] : memref<32768x128xf32, #tpu.memory_space<hbm>> -> memref<128x128xf32, #tpu.memory_space<hbm>>
      %dma_start3A_703 = arith.constant 0 : i32
      %dma_start3A_704 = tpu.memref_slice %arg5[%add3A_452, %dma_start3A_703] : memref<32768x128xf32, #tpu.memory_space<hbm>> -> memref<128x128xf32, #tpu.memory_space<hbm>>
      tpu.enqueue_dma source(%arg11 : memref<128x128xf32, #tpu.memory_space<vmem>>) target(%dma_start3A_704 : memref<128x128xf32, #tpu.memory_space<hbm>>) target_semaphore(%arg18 : memref<!tpu.dma_semaphore, #tpu.memory_space<semaphore_mem>>)
    } else {
    }
    %not3A_615 = arith.constant true
    %not3A_616 = arith.xori %lt3A_313, %not3A_615 : i1
    %and3A_617 = arith.andi %lt3A_310, %not3A_616 : i1
    %convert_element_type3A_618 = arith.extui %and3A_617 : i1 to i32
    %cond3A_619 = arith.constant 0 : i32
    %cond3A_620 = arith.cmpi ne, %convert_element_type3A_618, %cond3A_619 : i32
    scf.if %cond3A_620 {
      %dma_wait3A_701 = arith.constant 0 : i32
      %dma_wait3A_702 = arith.constant 0 : i32
      %dma_wait3A_703 = tpu.memref_slice %arg15[%dma_wait3A_701, %dma_wait3A_702] : memref<1008x128xf32, #tpu.memory_space<vmem_shared>> -> memref<1008x128xf32, #tpu.memory_space<vmem_shared>>
      tpu.wait_indirect_dma semaphore(%arg19 : memref<!tpu.dma_semaphore, #tpu.memory_space<semaphore_mem>>) src(%dma_wait3A_703 : memref<1008x128xf32, #tpu.memory_space<vmem_shared>>) dst(%arg11 : memref<128x128xf32, #tpu.memory_space<vmem>>)
    } else {
    }
    %convert_element_type3A_621 = arith.extui %lt3A_313 : i1 to i32
    %cond3A_622 = arith.constant 5 : i32
    %cond3A_623 = arith.constant 0 : i32
    %cond3A_624 = arith.cmpi ne, %convert_element_type3A_621, %cond3A_623 : i32
    scf.if %cond3A_624 {
      %dma_wait3A_701 = arith.constant 0 : i32
      %dma_wait3A_702 = tpu.memref_slice %arg8[%cond3A_622, %dma_wait3A_701] : memref<8x128xi32, #tpu.memory_space<vmem>> -> memref<1x128xi32, #tpu.memory_space<vmem>>
      %dma_wait3A_703 = tpu.memref_squeeze %dma_wait3A_702 : memref<1x128xi32, #tpu.memory_space<vmem>> -> memref<128xi32, #tpu.memory_space<vmem>>
      %dma_wait3A_704 = arith.constant 0 : i32
      %dma_wait3A_705 = arith.constant 0 : i32
      %dma_wait3A_706 = tpu.memref_slice %arg15[%dma_wait3A_704, %dma_wait3A_705] : memref<1008x128xf32, #tpu.memory_space<vmem_shared>> -> memref<1008x128xf32, #tpu.memory_space<vmem_shared>>
      tpu.wait_indirect_dma semaphore(%arg17 : memref<!tpu.dma_semaphore, #tpu.memory_space<semaphore_mem>>) src(%dma_wait3A_706 : memref<1008x128xf32, #tpu.memory_space<vmem_shared>>) dst(%arg10 : memref<128x128xf32, #tpu.memory_space<vmem>>)
    } else {
    }
    %dma_wait3A_625 = arith.constant 0 : i32
    %dma_wait3A_626 = tpu.memref_slice %arg5[%add3A_420, %dma_wait3A_625] : memref<32768x128xf32, #tpu.memory_space<hbm>> -> memref<128x128xf32, #tpu.memory_space<hbm>>
    %dma_wait3A_627 = arith.constant 0 : i32
    %dma_wait3A_628 = tpu.memref_slice %arg5[%add3A_420, %dma_wait3A_627] : memref<32768x128xf32, #tpu.memory_space<hbm>> -> memref<128x128xf32, #tpu.memory_space<hbm>>
    tpu.wait_dma2 semaphore(%arg18 : memref<!tpu.dma_semaphore, #tpu.memory_space<semaphore_mem>>) src(%arg9 : memref<128x128xf32, #tpu.memory_space<vmem>>) dst(%dma_wait3A_628 : memref<128x128xf32, #tpu.memory_space<hbm>>)
    %convert_element_type3A_629 = arith.extui %lt3A_316 : i1 to i32
    %cond3A_630 = arith.constant 6 : i32
    %cond3A_631 = arith.constant 0 : i32
    %cond3A_632 = arith.cmpi ne, %convert_element_type3A_629, %cond3A_631 : i32
    scf.if %cond3A_632 {
      %dma_start3A_701 = arith.constant 0 : i32
      %dma_start3A_702 = tpu.memref_slice %arg8[%cond3A_630, %dma_start3A_701] : memref<8x128xi32, #tpu.memory_space<vmem>> -> memref<1x128xi32, #tpu.memory_space<vmem>>
      %dma_start3A_703 = tpu.memref_squeeze %dma_start3A_702 : memref<1x128xi32, #tpu.memory_space<vmem>> -> memref<128xi32, #tpu.memory_space<vmem>>
      %dma_start3A_704 = arith.constant 0 : i32
      %dma_start3A_705 = arith.constant 0 : i32
      %dma_start3A_706 = tpu.memref_slice %arg15[%dma_start3A_704, %dma_start3A_705] : memref<1008x128xf32, #tpu.memory_space<vmem_shared>> -> memref<1008x128xf32, #tpu.memory_space<vmem_shared>>
      tpu.enqueue_indirect_dma source(%dma_start3A_706 : memref<1008x128xf32, #tpu.memory_space<vmem_shared>>) target(%arg9 : memref<128x128xf32, #tpu.memory_space<vmem>>) offsets(%dma_start3A_703 : memref<128xi32, #tpu.memory_space<vmem>>) semaphore(%arg16 : memref<!tpu.dma_semaphore, #tpu.memory_space<semaphore_mem>>)
    } else {
    }
    %convert_element_type3A_633 = arith.extui %lt3A_313 : i1 to i32
    %cond3A_634 = arith.constant 0 : i32
    %cond3A_635 = arith.cmpi ne, %convert_element_type3A_633, %cond3A_634 : i32
    scf.if %cond3A_635 {
      %dma_start3A_701 = arith.constant 0 : i32
      %dma_start3A_702 = tpu.memref_slice %arg5[%add3A_424, %dma_start3A_701] : memref<32768x128xf32, #tpu.memory_space<hbm>> -> memref<128x128xf32, #tpu.memory_space<hbm>>
      %dma_start3A_703 = arith.constant 0 : i32
      %dma_start3A_704 = tpu.memref_slice %arg5[%add3A_424, %dma_start3A_703] : memref<32768x128xf32, #tpu.memory_space<hbm>> -> memref<128x128xf32, #tpu.memory_space<hbm>>
      tpu.enqueue_dma source(%arg10 : memref<128x128xf32, #tpu.memory_space<vmem>>) target(%dma_start3A_704 : memref<128x128xf32, #tpu.memory_space<hbm>>) target_semaphore(%arg18 : memref<!tpu.dma_semaphore, #tpu.memory_space<semaphore_mem>>)
    } else {
    }
    %not3A_636 = arith.constant true
    %not3A_637 = arith.xori %lt3A_313, %not3A_636 : i1
    %convert_element_type3A_638 = arith.extui %not3A_637 : i1 to i32
    %cond3A_639 = arith.constant 0 : i32
    %cond3A_640 = arith.cmpi ne, %convert_element_type3A_638, %cond3A_639 : i32
    scf.if %cond3A_640 {
      %dma_start3A_701 = arith.constant 0 : i32
      %dma_start3A_702 = tpu.memref_slice %arg5[%add3A_456, %dma_start3A_701] : memref<32768x128xf32, #tpu.memory_space<hbm>> -> memref<128x128xf32, #tpu.memory_space<hbm>>
      %dma_start3A_703 = arith.constant 0 : i32
      %dma_start3A_704 = tpu.memref_slice %arg5[%add3A_456, %dma_start3A_703] : memref<32768x128xf32, #tpu.memory_space<hbm>> -> memref<128x128xf32, #tpu.memory_space<hbm>>
      tpu.enqueue_dma source(%arg11 : memref<128x128xf32, #tpu.memory_space<vmem>>) target(%dma_start3A_704 : memref<128x128xf32, #tpu.memory_space<hbm>>) target_semaphore(%arg18 : memref<!tpu.dma_semaphore, #tpu.memory_space<semaphore_mem>>)
    } else {
    }
    %not3A_641 = arith.constant true
    %not3A_642 = arith.xori %lt3A_316, %not3A_641 : i1
    %and3A_643 = arith.andi %lt3A_313, %not3A_642 : i1
    %convert_element_type3A_644 = arith.extui %and3A_643 : i1 to i32
    %cond3A_645 = arith.constant 0 : i32
    %cond3A_646 = arith.cmpi ne, %convert_element_type3A_644, %cond3A_645 : i32
    scf.if %cond3A_646 {
      %dma_wait3A_701 = arith.constant 0 : i32
      %dma_wait3A_702 = arith.constant 0 : i32
      %dma_wait3A_703 = tpu.memref_slice %arg15[%dma_wait3A_701, %dma_wait3A_702] : memref<1008x128xf32, #tpu.memory_space<vmem_shared>> -> memref<1008x128xf32, #tpu.memory_space<vmem_shared>>
      tpu.wait_indirect_dma semaphore(%arg19 : memref<!tpu.dma_semaphore, #tpu.memory_space<semaphore_mem>>) src(%dma_wait3A_703 : memref<1008x128xf32, #tpu.memory_space<vmem_shared>>) dst(%arg11 : memref<128x128xf32, #tpu.memory_space<vmem>>)
    } else {
    }
    %convert_element_type3A_647 = arith.extui %lt3A_316 : i1 to i32
    %cond3A_648 = arith.constant 6 : i32
    %cond3A_649 = arith.constant 0 : i32
    %cond3A_650 = arith.cmpi ne, %convert_element_type3A_647, %cond3A_649 : i32
    scf.if %cond3A_650 {
      %dma_wait3A_701 = arith.constant 0 : i32
      %dma_wait3A_702 = tpu.memref_slice %arg8[%cond3A_648, %dma_wait3A_701] : memref<8x128xi32, #tpu.memory_space<vmem>> -> memref<1x128xi32, #tpu.memory_space<vmem>>
      %dma_wait3A_703 = tpu.memref_squeeze %dma_wait3A_702 : memref<1x128xi32, #tpu.memory_space<vmem>> -> memref<128xi32, #tpu.memory_space<vmem>>
      %dma_wait3A_704 = arith.constant 0 : i32
      %dma_wait3A_705 = arith.constant 0 : i32
      %dma_wait3A_706 = tpu.memref_slice %arg15[%dma_wait3A_704, %dma_wait3A_705] : memref<1008x128xf32, #tpu.memory_space<vmem_shared>> -> memref<1008x128xf32, #tpu.memory_space<vmem_shared>>
      tpu.wait_indirect_dma semaphore(%arg16 : memref<!tpu.dma_semaphore, #tpu.memory_space<semaphore_mem>>) src(%dma_wait3A_706 : memref<1008x128xf32, #tpu.memory_space<vmem_shared>>) dst(%arg9 : memref<128x128xf32, #tpu.memory_space<vmem>>)
    } else {
    }
    %dma_wait3A_651 = arith.constant 0 : i32
    %dma_wait3A_652 = tpu.memref_slice %arg5[%add3A_424, %dma_wait3A_651] : memref<32768x128xf32, #tpu.memory_space<hbm>> -> memref<128x128xf32, #tpu.memory_space<hbm>>
    %dma_wait3A_653 = arith.constant 0 : i32
    %dma_wait3A_654 = tpu.memref_slice %arg5[%add3A_424, %dma_wait3A_653] : memref<32768x128xf32, #tpu.memory_space<hbm>> -> memref<128x128xf32, #tpu.memory_space<hbm>>
    tpu.wait_dma2 semaphore(%arg18 : memref<!tpu.dma_semaphore, #tpu.memory_space<semaphore_mem>>) src(%arg10 : memref<128x128xf32, #tpu.memory_space<vmem>>) dst(%dma_wait3A_654 : memref<128x128xf32, #tpu.memory_space<hbm>>)
    %convert_element_type3A_655 = arith.extui %lt3A_319 : i1 to i32
    %cond3A_656 = arith.constant 7 : i32
    %cond3A_657 = arith.constant 0 : i32
    %cond3A_658 = arith.cmpi ne, %convert_element_type3A_655, %cond3A_657 : i32
    scf.if %cond3A_658 {
      %dma_start3A_701 = arith.constant 0 : i32
      %dma_start3A_702 = tpu.memref_slice %arg8[%cond3A_656, %dma_start3A_701] : memref<8x128xi32, #tpu.memory_space<vmem>> -> memref<1x128xi32, #tpu.memory_space<vmem>>
      %dma_start3A_703 = tpu.memref_squeeze %dma_start3A_702 : memref<1x128xi32, #tpu.memory_space<vmem>> -> memref<128xi32, #tpu.memory_space<vmem>>
      %dma_start3A_704 = arith.constant 0 : i32
      %dma_start3A_705 = arith.constant 0 : i32
      %dma_start3A_706 = tpu.memref_slice %arg15[%dma_start3A_704, %dma_start3A_705] : memref<1008x128xf32, #tpu.memory_space<vmem_shared>> -> memref<1008x128xf32, #tpu.memory_space<vmem_shared>>
      tpu.enqueue_indirect_dma source(%dma_start3A_706 : memref<1008x128xf32, #tpu.memory_space<vmem_shared>>) target(%arg10 : memref<128x128xf32, #tpu.memory_space<vmem>>) offsets(%dma_start3A_703 : memref<128xi32, #tpu.memory_space<vmem>>) semaphore(%arg17 : memref<!tpu.dma_semaphore, #tpu.memory_space<semaphore_mem>>)
    } else {
    }
    %convert_element_type3A_659 = arith.extui %lt3A_316 : i1 to i32
    %cond3A_660 = arith.constant 0 : i32
    %cond3A_661 = arith.cmpi ne, %convert_element_type3A_659, %cond3A_660 : i32
    scf.if %cond3A_661 {
      %dma_start3A_701 = arith.constant 0 : i32
      %dma_start3A_702 = tpu.memref_slice %arg5[%add3A_428, %dma_start3A_701] : memref<32768x128xf32, #tpu.memory_space<hbm>> -> memref<128x128xf32, #tpu.memory_space<hbm>>
      %dma_start3A_703 = arith.constant 0 : i32
      %dma_start3A_704 = tpu.memref_slice %arg5[%add3A_428, %dma_start3A_703] : memref<32768x128xf32, #tpu.memory_space<hbm>> -> memref<128x128xf32, #tpu.memory_space<hbm>>
      tpu.enqueue_dma source(%arg9 : memref<128x128xf32, #tpu.memory_space<vmem>>) target(%dma_start3A_704 : memref<128x128xf32, #tpu.memory_space<hbm>>) target_semaphore(%arg18 : memref<!tpu.dma_semaphore, #tpu.memory_space<semaphore_mem>>)
    } else {
    }
    %not3A_662 = arith.constant true
    %not3A_663 = arith.xori %lt3A_316, %not3A_662 : i1
    %convert_element_type3A_664 = arith.extui %not3A_663 : i1 to i32
    %cond3A_665 = arith.constant 0 : i32
    %cond3A_666 = arith.cmpi ne, %convert_element_type3A_664, %cond3A_665 : i32
    scf.if %cond3A_666 {
      %dma_start3A_701 = arith.constant 0 : i32
      %dma_start3A_702 = tpu.memref_slice %arg5[%add3A_460, %dma_start3A_701] : memref<32768x128xf32, #tpu.memory_space<hbm>> -> memref<128x128xf32, #tpu.memory_space<hbm>>
      %dma_start3A_703 = arith.constant 0 : i32
      %dma_start3A_704 = tpu.memref_slice %arg5[%add3A_460, %dma_start3A_703] : memref<32768x128xf32, #tpu.memory_space<hbm>> -> memref<128x128xf32, #tpu.memory_space<hbm>>
      tpu.enqueue_dma source(%arg11 : memref<128x128xf32, #tpu.memory_space<vmem>>) target(%dma_start3A_704 : memref<128x128xf32, #tpu.memory_space<hbm>>) target_semaphore(%arg18 : memref<!tpu.dma_semaphore, #tpu.memory_space<semaphore_mem>>)
    } else {
    }
    %not3A_667 = arith.constant true
    %not3A_668 = arith.xori %lt3A_319, %not3A_667 : i1
    %and3A_669 = arith.andi %lt3A_316, %not3A_668 : i1
    %convert_element_type3A_670 = arith.extui %and3A_669 : i1 to i32
    %cond3A_671 = arith.constant 0 : i32
    %cond3A_672 = arith.cmpi ne, %convert_element_type3A_670, %cond3A_671 : i32
    scf.if %cond3A_672 {
      %dma_wait3A_701 = arith.constant 0 : i32
      %dma_wait3A_702 = arith.constant 0 : i32
      %dma_wait3A_703 = tpu.memref_slice %arg15[%dma_wait3A_701, %dma_wait3A_702] : memref<1008x128xf32, #tpu.memory_space<vmem_shared>> -> memref<1008x128xf32, #tpu.memory_space<vmem_shared>>
      tpu.wait_indirect_dma semaphore(%arg19 : memref<!tpu.dma_semaphore, #tpu.memory_space<semaphore_mem>>) src(%dma_wait3A_703 : memref<1008x128xf32, #tpu.memory_space<vmem_shared>>) dst(%arg11 : memref<128x128xf32, #tpu.memory_space<vmem>>)
    } else {
    }
    %convert_element_type3A_673 = arith.extui %lt3A_319 : i1 to i32
    %cond3A_674 = arith.constant 7 : i32
    %cond3A_675 = arith.constant 0 : i32
    %cond3A_676 = arith.cmpi ne, %convert_element_type3A_673, %cond3A_675 : i32
    scf.if %cond3A_676 {
      %dma_wait3A_701 = arith.constant 0 : i32
      %dma_wait3A_702 = tpu.memref_slice %arg8[%cond3A_674, %dma_wait3A_701] : memref<8x128xi32, #tpu.memory_space<vmem>> -> memref<1x128xi32, #tpu.memory_space<vmem>>
      %dma_wait3A_703 = tpu.memref_squeeze %dma_wait3A_702 : memref<1x128xi32, #tpu.memory_space<vmem>> -> memref<128xi32, #tpu.memory_space<vmem>>
      %dma_wait3A_704 = arith.constant 0 : i32
      %dma_wait3A_705 = arith.constant 0 : i32
      %dma_wait3A_706 = tpu.memref_slice %arg15[%dma_wait3A_704, %dma_wait3A_705] : memref<1008x128xf32, #tpu.memory_space<vmem_shared>> -> memref<1008x128xf32, #tpu.memory_space<vmem_shared>>
      tpu.wait_indirect_dma semaphore(%arg17 : memref<!tpu.dma_semaphore, #tpu.memory_space<semaphore_mem>>) src(%dma_wait3A_706 : memref<1008x128xf32, #tpu.memory_space<vmem_shared>>) dst(%arg10 : memref<128x128xf32, #tpu.memory_space<vmem>>)
    } else {
    }
    %dma_wait3A_677 = arith.constant 0 : i32
    %dma_wait3A_678 = tpu.memref_slice %arg5[%add3A_428, %dma_wait3A_677] : memref<32768x128xf32, #tpu.memory_space<hbm>> -> memref<128x128xf32, #tpu.memory_space<hbm>>
    %dma_wait3A_679 = arith.constant 0 : i32
    %dma_wait3A_680 = tpu.memref_slice %arg5[%add3A_428, %dma_wait3A_679] : memref<32768x128xf32, #tpu.memory_space<hbm>> -> memref<128x128xf32, #tpu.memory_space<hbm>>
    tpu.wait_dma2 semaphore(%arg18 : memref<!tpu.dma_semaphore, #tpu.memory_space<semaphore_mem>>) src(%arg9 : memref<128x128xf32, #tpu.memory_space<vmem>>) dst(%dma_wait3A_680 : memref<128x128xf32, #tpu.memory_space<hbm>>)
    %convert_element_type3A_681 = arith.extui %lt3A_319 : i1 to i32
    %cond3A_682 = arith.constant 0 : i32
    %cond3A_683 = arith.cmpi ne, %convert_element_type3A_681, %cond3A_682 : i32
    scf.if %cond3A_683 {
      %dma_start3A_701 = arith.constant 0 : i32
      %dma_start3A_702 = tpu.memref_slice %arg5[%add3A_432, %dma_start3A_701] : memref<32768x128xf32, #tpu.memory_space<hbm>> -> memref<128x128xf32, #tpu.memory_space<hbm>>
      %dma_start3A_703 = arith.constant 0 : i32
      %dma_start3A_704 = tpu.memref_slice %arg5[%add3A_432, %dma_start3A_703] : memref<32768x128xf32, #tpu.memory_space<hbm>> -> memref<128x128xf32, #tpu.memory_space<hbm>>
      tpu.enqueue_dma source(%arg10 : memref<128x128xf32, #tpu.memory_space<vmem>>) target(%dma_start3A_704 : memref<128x128xf32, #tpu.memory_space<hbm>>) target_semaphore(%arg18 : memref<!tpu.dma_semaphore, #tpu.memory_space<semaphore_mem>>)
    } else {
    }
    %not3A_684 = arith.constant true
    %not3A_685 = arith.xori %lt3A_319, %not3A_684 : i1
    %convert_element_type3A_686 = arith.extui %not3A_685 : i1 to i32
    %cond3A_687 = arith.constant 0 : i32
    %cond3A_688 = arith.cmpi ne, %convert_element_type3A_686, %cond3A_687 : i32
    scf.if %cond3A_688 {
      %dma_start3A_701 = arith.constant 0 : i32
      %dma_start3A_702 = tpu.memref_slice %arg5[%add3A_464, %dma_start3A_701] : memref<32768x128xf32, #tpu.memory_space<hbm>> -> memref<128x128xf32, #tpu.memory_space<hbm>>
      %dma_start3A_703 = arith.constant 0 : i32
      %dma_start3A_704 = tpu.memref_slice %arg5[%add3A_464, %dma_start3A_703] : memref<32768x128xf32, #tpu.memory_space<hbm>> -> memref<128x128xf32, #tpu.memory_space<hbm>>
      tpu.enqueue_dma source(%arg11 : memref<128x128xf32, #tpu.memory_space<vmem>>) target(%dma_start3A_704 : memref<128x128xf32, #tpu.memory_space<hbm>>) target_semaphore(%arg18 : memref<!tpu.dma_semaphore, #tpu.memory_space<semaphore_mem>>)
    } else {
    }
    %convert_element_type3A_689 = arith.extui %lt3A_319 : i1 to i32
    %cond3A_690 = arith.constant 0 : i32
    %cond3A_691 = arith.cmpi ne, %convert_element_type3A_689, %cond3A_690 : i32
    scf.if %cond3A_691 {
      %dma_wait3A_701 = arith.constant 0 : i32
      %dma_wait3A_702 = arith.constant 0 : i32
      %dma_wait3A_703 = tpu.memref_slice %arg15[%dma_wait3A_701, %dma_wait3A_702] : memref<1008x128xf32, #tpu.memory_space<vmem_shared>> -> memref<1008x128xf32, #tpu.memory_space<vmem_shared>>
      tpu.wait_indirect_dma semaphore(%arg19 : memref<!tpu.dma_semaphore, #tpu.memory_space<semaphore_mem>>) src(%dma_wait3A_703 : memref<1008x128xf32, #tpu.memory_space<vmem_shared>>) dst(%arg11 : memref<128x128xf32, #tpu.memory_space<vmem>>)
    } else {
    }
    %dma_wait3A_692 = arith.constant 0 : i32
    %dma_wait3A_693 = tpu.memref_slice %arg5[%add3A_432, %dma_wait3A_692] : memref<32768x128xf32, #tpu.memory_space<hbm>> -> memref<128x128xf32, #tpu.memory_space<hbm>>
    %dma_wait3A_694 = arith.constant 0 : i32
    %dma_wait3A_695 = tpu.memref_slice %arg5[%add3A_432, %dma_wait3A_694] : memref<32768x128xf32, #tpu.memory_space<hbm>> -> memref<128x128xf32, #tpu.memory_space<hbm>>
    tpu.wait_dma2 semaphore(%arg18 : memref<!tpu.dma_semaphore, #tpu.memory_space<semaphore_mem>>) src(%arg10 : memref<128x128xf32, #tpu.memory_space<vmem>>) dst(%dma_wait3A_695 : memref<128x128xf32, #tpu.memory_space<hbm>>)
    %eq3A_696 = arith.constant 0 : i32
    %eq3A_697 = arith.cmpi eq, %add3A, %eq3A_696 : i32
    %convert_element_type3A_698 = arith.extui %eq3A_697 : i1 to i32
    %cond3A_699 = arith.constant 0 : i32
    %cond3A_700 = arith.cmpi ne, %convert_element_type3A_698, %cond3A_699 : i32
    scf.if %cond3A_700 {
      %gather3A = tpu.vector_load_idx %arg13[%iota3A] : memref<32xi32, #tpu.memory_space<vmem>>[vector<16xi32>], vector<16xi32>,
      %add3A_701 = arith.constant 1 : i32
      %add3A_702 = vector.broadcast %add3A_701 : i32 to vector<16xi32>
      %add3A_703 = arith.addi %iota3A, %add3A_702 : vector<16xi32>
      %gather3A_704 = tpu.vector_load_idx %arg13[%add3A_703] : memref<32xi32, #tpu.memory_space<vmem>>[vector<16xi32>], vector<16xi32>,
      %sub3A_705 = arith.subi %gather3A_704, %gather3A : vector<16xi32>
      %swap3A_706 = arith.constant 0 : index
      %swap3A_707 = tpu.vector_load %arg14[%swap3A_706] {strides = array<i32>} : memref<16xi32, #tpu.memory_space<vmem>>, vector<16xi32>,
      tpu.vector_store %arg14[%swap3A_706], %sub3A_705 {strides = array<i32>} : memref<16xi32, #tpu.memory_space<vmem>>, vector<16xi32>,
      "tpu.region"() ({
        %run_scoped3A = tpu.sem_alloc : memref<!tpu.dma_semaphore, #tpu.memory_space<semaphore_mem>>
        tpu.enqueue_dma source(%arg14 : memref<16xi32, #tpu.memory_space<vmem>>) target(%arg6 : memref<16xi32, #tpu.memory_space<hbm>>) target_semaphore(%run_scoped3A : memref<!tpu.dma_semaphore, #tpu.memory_space<semaphore_mem>>)
        tpu.wait_dma2 semaphore(%run_scoped3A : memref<!tpu.dma_semaphore, #tpu.memory_space<semaphore_mem>>) src(%arg14 : memref<16xi32, #tpu.memory_space<vmem>>) dst(%arg6 : memref<16xi32, #tpu.memory_space<hbm>>)
        tpu.yield
      }) : () -> ()
    } else {
    }
    return
  }
}

</mosaic_0001>

<sc_bundles>
// kernel: kernel.3.cloned.1.call-start
scs
__scs_entry_jumppad:
0x0: {  	(pc) =	sbr.rel $0x88, $3  }
0x1: {  	(tag) =	ssettag $0x0;
	lr =	simm.s32 $0x1  }
0x2: {  	[smem:$0x3F9E] =	sst lr;
	_ =	strace $0xD0000000  }
0x3: {  	_ = 	snop  }
0x4: {  	_ = 	snop  }
0x5: {  	_ = 	snop  }
0x6: {  	_ = 	snop  }
0x7: {  	_ = 	snop  }
__scs_overlays_trampoline_lowered:
0x8: {  	[smem:$0x3FAD] =	sst s0  }
0x9: {  	[smem:$0x3FAE] =	sst s1  }
0xa: {  	[smem:$0x3FAF] =	sst s2  }
0xb: {  	[smem:$0x3FB0] =	sst s3  }
0xc: {  	[smem:$0x3FB1] =	sst s4  }
0xd: {  	[smem:$0x3FB2] =	sst s5  }
0xe: {  	[smem:$0x3FB3] =	sst s6  }
0xf: {  	[smem:$0x3FB4] =	sst s7  }
0x10: {  	[smem:$0x3FB5] =	sst s8  }
0x11: {  	[smem:$0x3FB6] =	sst s9;
	s0 =	simm.s32 @!p0 $0x0  }
0x12: {  	s1 =	sld [smem:$0x3F9C];
	s0 =	simm.s32 @p0 $0x1  }
0x13: {  	[smem:$0x3FB7] =	sst s0;
	s0 =	simm.s32 @!p1 $0x0  }
0x14: {  	s2 =	sld [smem:$0x3F9B];
	s0 =	simm.s32 @p1 $0x1  }
0x15: {  	[smem:$0x3FB8] =	sst s0;
	s0 =	simm.s32 @!p2 $0x0  }
0x16: {  	s3 =	sld [smem:$0x3FDB];
	s0 =	simm.s32 @p2 $0x1  }
0x17: {  	s4 =	simm.s32 $0x1BF5;
	[smem:$0x3FBA] =	sst s0  }
0x18: {  	s0 =	sld [smem:$0x3F9D];
	_ =	swait.ge [sflag:s4], $0x0  }
0x19: {  	s7 =	sld [smem:$0x3F9E]  }
0x1a: {  	s8 =	sadd.s32 $0xFFFFE003, lr  }
0x1b: {  	s9 =	sadd.s32 $0xFFFFFEF7, lr;
	s5 =	simm.s32 $0xFFFFFFFF;
	p2 =	slt.u32 s8, $0xFFFFF086  }
0x1c: {  	p1 =	slt.u32 s9, $0xF7A;
	s5 =	simm.s32 @!p2 $0x0  }
0x1d: {  	s5 =	simm.s32 @p1 $0x1;
	p0 =	seq.s32 s7, s2  }
0x1e: {  	s7 =	smul.u32 @!p0 $0xF7A, s2;
	p2 =	seq.s32 @!p0 s5, $0x0  }
0x1f: {  	s9 =	smul.u32 $0xF7A, s1;
	s8 =	simm.s32 @!p0 $0x1BF5;
	p2 =	por !p2, p0  }
0x20: {  	[sflag:s8] =	ssyncset.s32 @!p0 $0xFFFFF086;
	s6 =	sadd.s32 @!p0 s3, s7;
	s7 =	simm.s32 @!p0 $0x108  }
0x21: {  	s3 =	sadd.s32 s3, s9;
	s6 =	sadd.s32 @!p0 $0x88, s6;
	s7 =	simm.s32 @p2 $0x1082  }
0x22: {  	[simem:s7], [sflag:s8] =	dma.local @!p0 [hbm:s6], $0xF7A  }
0x23: {  	s9 =	sor.u32 $0xD0000000, s2;
	s6 =	simm.s32 $0x108;
	_ =	swait.ge @!p0 [sflag:s8], $0x0  }
0x24: {  	s3 =	sadd.s32 $0x88, s3;
	s6 =	simm.s32 @!p1 $0x1082;
	[sflag:s4] =	ssyncset.s32 $0xFFFFF086  }
0x25: {  	[simem:s6], [sflag:s4] =	dma.local [hbm:s3], $0xF7A  }
0x26: {  	[smem:$0x3F9E] =	sst s1;
	(tag) =	ssettag s2;
	_ =	strace s9  }
0x27: {  	s1 =	sld [smem:$0x3FAE]  }
0x28: {  	s2 =	sld [smem:$0x3FAF]  }
0x29: {  	s4 =	sld [smem:$0x3FB1]  }
0x2a: {  	p0 =	seq.s32 s5, $0x0;
	s5 =	sld [smem:$0x3FB2]  }
0x2b: {  	s6 =	sld [smem:$0x3FB3]  }
0x2c: {  	s7 =	sld [smem:$0x3FB4]  }
0x2d: {  	s3 =	simm.s32 $0x108;
	s8 =	sld [smem:$0x3FB5]  }
0x2e: {  	s3 =	simm.s32 @!p0 $0x1082;
	s9 =	sld [smem:$0x3FB6]  }
0x2f: {  	lr =	sadd.s32 s0, s3;
	s0 =	sld [smem:$0x3FAD]  }
0x30: {  	s3 =	sld [smem:$0x3FB0]  }
0x31: {  	[smem:$0x3FB9] =	sst s10  }
0x32: {  	s10 =	sld [smem:$0x3FB7];
	_ =	sdelay $0x3  }
0x33: {  	p0 =	seq.s32 s10, $0x1;
	s10 =	sld [smem:$0x3FB9];
	_ =	sdelay $0x3  }
0x34: {  	[smem:$0x3FB9] =	sst s10  }
0x35: {  	s10 =	sld [smem:$0x3FB8];
	_ =	sdelay $0x3  }
0x36: {  	p1 =	seq.s32 s10, $0x1;
	s10 =	sld [smem:$0x3FB9];
	_ =	sdelay $0x3  }
0x37: {  	[smem:$0x3FB9] =	sst s10  }
0x38: {  	s10 =	sld [smem:$0x3FBA]  }
0x39: {  	_ = 	snop;
	(pc) =	sbr.ind lr, $3  }
0x3a: {  	_ = 	snop  }
0x3b: {  	_ = 	snop  }
0x3c: {  	p2 =	seq.s32 s10, $0x1;
	s10 =	sld [smem:$0x3FB9]  }
0x3d: {  	_ =	shalt  }
0x3e: {  	_ =	shalt  }
0x3f: {  	_ =	shalt  }
0x40: {  	_ =	shalt  }
0x41: {  	_ =	shalt  }
0x42: {  	_ =	shalt  }
0x43: {  	_ =	shalt  }
0x44: {  	_ =	shalt  }
0x45: {  	_ =	shalt  }
0x46: {  	_ =	shalt  }
0x47: {  	_ =	shalt  }
0x48: {  	_ =	shalt  }
0x49: {  	_ =	shalt  }
0x4a: {  	_ =	shalt  }
0x4b: {  	_ =	shalt  }
0x4c: {  	_ =	shalt  }
0x4d: {  	_ =	shalt  }
0x4e: {  	_ =	shalt  }
0x4f: {  	_ =	shalt  }
0x50: {  	_ =	shalt  }
0x51: {  	_ =	shalt  }
0x52: {  	_ =	shalt  }
0x53: {  	_ =	shalt  }
0x54: {  	_ =	shalt  }
0x55: {  	_ =	shalt  }
0x56: {  	_ =	shalt  }
0x57: {  	_ =	shalt  }
0x58: {  	_ =	shalt  }
0x59: {  	_ =	shalt  }
0x5a: {  	_ =	shalt  }
0x5b: {  	_ =	shalt  }
0x5c: {  	_ =	shalt  }
0x5d: {  	_ =	shalt  }
0x5e: {  	_ =	shalt  }
0x5f: {  	_ =	shalt  }
0x60: {  	_ =	shalt  }
0x61: {  	_ =	shalt  }
0x62: {  	_ =	shalt  }
0x63: {  	_ =	shalt  }
0x64: {  	_ =	shalt  }
0x65: {  	_ =	shalt  }
0x66: {  	_ =	shalt  }
0x67: {  	_ =	shalt  }
0x68: {  	_ =	shalt  }
0x69: {  	_ =	shalt  }
0x6a: {  	_ =	shalt  }
0x6b: {  	_ =	shalt  }
0x6c: {  	_ =	shalt  }
0x6d: {  	_ =	shalt  }
0x6e: {  	_ =	shalt  }
0x6f: {  	_ =	shalt  }
0x70: {  	_ =	shalt  }
0x71: {  	_ =	shalt  }
0x72: {  	_ =	shalt  }
0x73: {  	_ =	shalt  }
0x74: {  	_ =	shalt  }
0x75: {  	_ =	shalt  }
0x76: {  	_ =	shalt  }
0x77: {  	_ =	shalt  }
0x78: {  	_ =	shalt  }
0x79: {  	_ =	shalt  }
0x7a: {  	_ =	shalt  }
0x7b: {  	_ =	shalt  }
0x7c: {  	_ =	shalt  }
0x7d: {  	_ =	shalt  }
0x7e: {  	_ =	shalt  }
0x7f: {  	_ =	shalt  }
0x80: {  	_ =	shalt  }
0x81: {  	_ =	shalt  }
0x82: {  	_ =	shalt  }
0x83: {  	_ =	shalt  }
0x84: {  	_ =	shalt  }
0x85: {  	_ =	shalt  }
0x86: {  	_ =	shalt  }
0x87: {  	_ =	shalt  }
.Lfunc_end0:
.L_simem_size_0:
called_computation_lowered:
.L_overlay_start_0:
0x88: {  	s2 =	sld [smem:$0x3FD9]  }
0x89: {  	s3 =	sld [smem:$0x3FFE];
	_ =	sdelay $0x1  }
0x8a: {  	s1 =	srdreg.scid  }
0x8b: {  	s0 =	sand.u32 $0x1, s1  }
0x8c: {  	s15 =	sshll.u32 s0, $0xA;
	s2 =	sadd.s32 s3, s2  }
0x8d: {  	s2 =	sadd.s32 s2, s15  }
0x8e: {  	[smem:$0x3FC5] =	sst s2  }
0x8f: {  	_ = 	snop  }
0x90: {  	s2 =	sld [smem:$0x3FD0]  }
0x91: {  	s16 =	sld [smem:$0x3FC9]  }
0x92: {  	s4 =	sld [smem:$0x3FC8]  }
0x93: {  	s6 =	simm.s32 $0xA;
	s7 =	simm.s32 $0x10;
	s5 =	sld [smem:$0x3FC7]  }
0x94: {  	[smem:s7], [sflag:s6] =	dma.local [hbm:s2], $0x1  }
0x95: {  	_ =	swait.eq [sflag:s6], $0x1  }
0x96: {  	[sflag:s6] =	ssyncset.done $0x0  }
0x97: {  	s17 =	sld [smem:$0x10];
	[sflag:s6] =	ssyncadd.s32 $0xFFFFFFFF  }
0x98: {  	s18 =	sld [smem:$0x11];
	(tm) =	ssettm $0x1  }
0x99: {  	s19 =	sld [smem:$0x3FFB];
	_ =	sdelay $0x3  }
0x9a: {  	_ =	strace s19  }
0x9b: {  	s7 =	sld [smem:$0x3FFC];
	_ =	sdelay $0x3  }
0x9c: {  	_ =	strace s7  }
0x9d: {  	s7 =	sld [smem:$0x3FFD];
	_ =	sdelay $0x3  }
0x9e: {  	_ =	strace s7  }
0x9f: {  	_ =	strace $0x8FFFFFFF  }
0xa0: {  	s20 =	sld [smem:$0x3FDB];
	_ =	sdelay $0x1  }
0xa1: {  	s8 =	simm.s32 $_scs_section_size  }
0xa2: {  	s9 =	simm.s32 $_size__tile_overlayer_lowered;
	s10 =	simm.s32 $_tile_overlayer_lowered  }
0xa3: {  	s23 =	simm.s32 $0x1BFF;
	s22 =	sshll.u32 s10, $0x1;
	s7 =	sadd.s32 s8, s20  }
0xa4: {  	s11 =	simm.s32 $0x0;
	s21 =	sshll.u32 s9, $0x1;
	s9 =	sadd.s32 s22, s7  }
0xa5: {  	[timem:s11], [sflag:s23] =	dma.local [hbm:s9], s21  }
0xa6: {  	_ =	swait.ge [sflag:s23], s21  }
0xa7: {  	s8 =	ssub.s32 $0x0, s21;
	[sflag:s23] =	ssyncset.done $0x0  }
0xa8: {  	[sflag:s23] =	ssyncadd.s32 s8;
	_ =	sdelay $0x1  }
0xa9: {  	s24 =	simm.s32 $0x1B8B  }
0xaa: {  	_ =	swait.ge [sflag:s24], $0x1  }
0xab: {  	[sflag:s24] =	ssyncset.done $0x0  }
0xac: {  	s25 =	simm.s32 $0x1B8E;
	[sflag:s24] =	ssyncadd.s32 $0xFFFFFFFF  }
0xad: {  	s26 =	simm.s32 $execute0_lowered;
	[smem:$0x3FD2] =	sst s25  }
0xae: {  	s8 =	sshll.u32 s26, $0x1;
	_ =	strace $0x80000046;
	[dreg:$0x1] =	wrdreg $0xFFFFFFFF  }
0xaf: {  	s28 =	simm.s32 $_size_execute0_lowered;
	s7 =	sadd.s32 s7, s8;
	[dreg:$0x0] =	wrdreg $0x0  }
0xb0: {  	s8 =	sshll.u32 s28, $0x1;
	[dreg:$0x2] =	wrdreg s7  }
0xb1: {  	[dreg:$0x3] =	wrdreg s8  }
0xb2: {  	[dreg:$0x4] =	wrdreg $0xC0  }
0xb3: {  	_ =	task [dreg:s11], $0x5FFFF  }
0xb4: {  	[dreg:$0x1] =	wrdreg $0xFFFFFFFF  }
0xb5: {  	[dreg:$0x0] =	wrdreg $0x60  }
0xb6: {  	[dreg:$0x2] =	wrdreg s16  }
0xb7: {  	[dreg:$0x3] =	wrdreg s4  }
0xb8: {  	[dreg:$0x4] =	wrdreg s5  }
0xb9: {  	[dreg:$0x5] =	wrdreg s17  }
0xba: {  	[dreg:$0x6] =	wrdreg s18  }
0xbb: {  	[dreg:$0x7] =	wrdreg $0xCA000  }
0xbc: {  	[dreg:$0x8] =	wrdreg $0x9  }
0xbd: {  	_ =	task.clear_ibuf [dreg:s11], $0x9FFFF;
	_ =	strace $0x90000046  }
0xbe: {  	s29 =	simm.s32 $0x9;
	_ =	strace $0x80000048  }
0xbf: {  	_ =	swait.ge [sflag:s29], $0x1  }
0xc0: {  	[sflag:s29] =	ssyncadd.s32 $0xFFFFFFFF  }
0xc1: {  	_ =	strace $0x90000048  }
0xc2: {  	_ =	sfence  }
0xc3: {  	s30 =	sld [smem:$0x0];
	_ =	sdelay $0x2  }
0xc4: {  	s31 =	sshll.u32 s1, $0xD;
	s1 =	sshrl.u32 s1, $0x2  }
0xc5: {  	s3 =	sand.u32 $0x4000, s31;
	s1 =	sadd.s32 s1, s30  }
0xc6: {  	s0 =	sor.u32 s3, s0;
	s1 =	sshll.u32 s1, $0x11  }
0xc7: {  	s0 =	sor.u32 s1, s0  }
0xc8: {  	s0 =	sadd.s32 $0x8F2B, s0  }
0xc9: {  	[sflag:s0] =	ssyncadd.remote.s32 $0x1  }
0xca: {  	_ =	sfence.sel $0xFFFF  }
0xcb: {  	[dreg:$0x0] =	wrdreg $0xFFFFFFFF;
	(pc) =	sbr.abs _section_cstart, $3  }
0xcc: {  	[dreg:$0x1] =	wrdreg $0xFFFFFFFF  }
0xcd: {  	_ =	task.clear_ibuf [dreg:s11], $0x2FFFF;
	_ =	strace $0x9FFFFFFF  }
0xce: {  	(tm) =	ssettm $0x7FFFFFFF  }
0xcf: {  	_ =	shalt  }
tec
execute0_lowered:
.L_overlay_start_1:
0x0: {  	(tag) =	ssettag $0x1  }
0x1: {  	s2 =	rddreg [dreg:$0x3];
	s0 =	srdreg.scid  }
0x2: {  	s3 =	stileid.u32;
	s5 =	rddreg [dreg:$0x5]  }
0x3: {  	s6 =	simm.s32 $0x0;
	s8 =	simm.s32 $0x1;
	s29 =	simm.s32 $0x6  }
0x4: {  	s31 =	simm.s32 $0xC880;
	s4 =	sand.u32 $0x1, s0;
	s26 =	sshll.u32 s3, $0x1  }
0x5: {  	[smem:$0x7FF] =	sst s6;
	p2 =	sne.s32 s3, $0x0;
	s17 =	sadd.s32 $0x1F400, s5  }
0x6: {  	s0 =	sor.u32 s4, s26;
	p1 =	seq.s32 s4, $0x1;
	s1 =	ssub.s32 $0x2, s4  }
0x7: {  	_ =	strace $0x80000047;
	p0 =	seq.s32 s0, $0x0;
	s7 =	sshrl.u32 s1, $0x1  }
0x8: {  	s16 =	sshll.u32 s0, $0xE;
	p0 =	por !p0, !p1;
	s1 =	ssub.s32 s1, s7  }
0x9: {  	s7 =	sshll.u32 s4, $0xA;
	s16 =	sadd.s32 s2, s16;
	p0 =	por !p0, !p0  }
0xa: {  	s9 =	sor.u32 $0x80, s7;
	s10 =	sor.u32 $0x100, s7;
	s11 =	sor.u32 $0x180, s7  }
0xb: {  	s12 =	sor.u32 $0x200, s7;
	s13 =	sor.u32 $0x280, s7;
	s14 =	sor.u32 $0x300, s7  }
0xc: {  	s15 =	sor.u32 $0x380, s7;
	s4 =	sor.u32 $0x10, s7;
	s18 =	sor.u32 $0x20, s7  }
0xd: {  	s19 =	sor.u32 $0x30, s7;
	s20 =	sor.u32 $0x40, s7;
	s21 =	sor.u32 $0x50, s7  }
0xe: {  	s2 =	sor.u32 $0x60, s7;
	s28 =	sor.u32 $0x70, s7;
	s23 =	sor.u32 $0x90, s7  }
0xf: {  	v0 =	vlaneseq.u32;
	s24 =	sor.u32 $0xA0, s7;
	s22 =	sor.u32 $0xB0, s7;
	s25 =	sor.u32 $0xC0, s7  }
0x10: {  	v2 =	vimm.f32 $0.0e+00;
	s26 =	sor.u32 $0xD0, s7;
	s30 =	sor.u32 $0xE0, s7;
	v57 =	vor.u32 s7, v0;
	s8 =	simm.s32 @!p0 $0x0  }
0x11: {  	v1 =	vor.u32 s4, v0;
	v7 =	vor.u32 s28, v0;
	v8 =	vor.u32 s23, v0;
	s4 =	sor.u32 $0xF0, s7;
	s23 =	sor.u32 $0x110, s7;
	s28 =	sor.u32 $0x120, s7  }
0x12: {  	v9 =	vor.u32 s24, v0;
	v10 =	vor.u32 s22, v0;
	v11 =	vor.u32 s25, v0;
	s22 =	sor.u32 $0x140, s7;
	s24 =	sor.u32 $0x150, s7;
	s25 =	sor.u32 $0x160, s7  }
0x13: {  	v6 =	vor.u32 s2, v0;
	v12 =	vor.u32 s26, v0;
	v13 =	vor.u32 s30, v0;
	s26 =	sor.u32 $0x170, s7;
	s30 =	sor.u32 $0x190, s7;
	p0 =	sne.s32 s0, $0x0  }
0x14: {  	v58 =	vor.u32 s9, v0;
	s8 =	ssub.s32 s3, s8;
	[tilespmem:$0x1FFB0] =	vst v1;
	v1 =	vor.u32 s18, v0;
	v15 =	vor.u32 s23, v0;
	s18 =	sor.u32 $0x1A0, s7;
	s23 =	sor.u32 $0x1B0, s7  }
0x15: {  	v16 =	vor.u32 s28, v0;
	s28 =	sor.u32 $0x1C0, s7;
	v18 =	vor.u32 s22, v0;
	v19 =	vor.u32 s24, v0;
	s22 =	sor.u32 $0x1E0, s7;
	s24 =	sor.u32 $0x1F0, s7  }
0x16: {  	v20 =	vor.u32 s25, v0;
	v21 =	vor.u32 s26, v0;
	v22 =	vor.u32 s30, v0;
	s25 =	sor.u32 $0x210, s7;
	s26 =	sor.u32 $0x220, s7;
	s30 =	sor.u32 $0x230, s7  }
0x17: {  	v59 =	vor.u32 s10, v0;
	v14 =	vor.u32 s4, v0;
	s4 =	sor.u32 $0x2E0, s7;
	s0 =	simm.s32 @!p0 $0x0;
	[tilespmem:$0x1FFC0] =	vst v1;
	v1 =	vor.u32 s19, v0;
	s19 =	sor.u32 $0x130, s7  }
0x18: {  	v23 =	vor.u32 s18, v0;
	v24 =	vor.u32 s23, v0;
	v25 =	vor.u32 s28, v0;
	s18 =	sor.u32 $0x240, s7;
	s23 =	sor.u32 $0x250, s7;
	s28 =	sor.u32 $0x260, s7  }
0x19: {  	v27 =	vor.u32 s22, v0;
	v28 =	vor.u32 s24, v0;
	v29 =	vor.u32 s25, v0;
	s22 =	sor.u32 $0x290, s7;
	s24 =	sor.u32 $0x2A0, s7;
	s25 =	sor.u32 $0x2B0, s7  }
0x1a: {  	v60 =	vor.u32 s11, v0;
	v30 =	vor.u32 s26, v0;
	v31 =	vor.u32 s30, v0;
	s26 =	sor.u32 $0x2C0, s7;
	s30 =	sor.u32 $0x2D0, s7;
	s0 =	simm.s32 @p0 $0x1  }
0x1b: {  	v41 =	vor.u32 s4, v0;
	s4 =	simm.s32 $0x8880;
	v17 =	vor.u32 s19, v0;
	s19 =	sor.u32 $0x1D0, s7;
	v32 =	vor.u32 s18, v0;
	s18 =	sor.u32 $0x2F0, s7  }
0x1c: {  	v33 =	vor.u32 s23, v0;
	s23 =	sor.u32 $0x310, s7;
	v37 =	vor.u32 s24, v0;
	v38 =	vor.u32 s25, v0;
	s24 =	sor.u32 $0x320, s7;
	s25 =	sor.u32 $0x330, s7  }
0x1d: {  	[tilespmem:$0x1FFD0] =	vst v1;
	v1 =	vor.u32 s20, v0;
	v34 =	vor.u32 s28, v0;
	s28 =	sor.u32 $0x340, s7;
	v40 =	vor.u32 s30, v0;
	s20 =	sor.u32 $0x350, s7;
	s30 =	sor.u32 $0x370, s7  }
0x1e: {  	v61 =	vor.u32 s12, v0;
	v36 =	vor.u32 s22, v0;
	v39 =	vor.u32 s26, v0;
	s26 =	sor.u32 $0x3A0, s7;
	s22 =	sadd.s32 $0x2800, s16;
	[smem:$0x7FC] =	sst s0  }
0x1f: {  	v62 =	vor.u32 s13, v0;
	s0 =	simm.s32 $0x3;
	[tilespmem:$0x1FFE0] =	vst v1;
	v1 =	vor.u32 s21, v0;
	v26 =	vor.u32 s19, v0;
	s19 =	sor.u32 $0x270, s7;
	s21 =	sor.u32 $0x360, s7  }
0x20: {  	v42 =	vor.u32 s18, v0;
	v43 =	vor.u32 s23, v0;
	s18 =	sor.u32 $0x390, s7;
	s23 =	sor.u32 $0x3B0, s7;
	v46 =	vor.u32 s28, v0;
	s28 =	sor.u32 $0x3C0, s7  }
.Ltmp0:
0x21: {  	v63 =	vor.u32 s14, v0;
	v44 =	vor.u32 s24, v0;
	v45 =	vor.u32 s25, v0;
	s24 =	sor.u32 $0x3D0, s7;
	s25 =	sor.u32 $0x3E0, s7;
	(pc) =	sbr.rel .LBB2_1-.Ltmp0, $4  }
0x22: {  	v47 =	vor.u32 s20, v0;
	v49 =	vor.u32 s30, v0;
	s30 =	sor.u32 $0x3F0, s7;
	v51 =	vor.u32 s26, v0;
	s20 =	sadd.s32 $0x1800, s16;
	s26 =	sshrl.u32 @!p2 s5, $0x3  }
0x23: {  	v35 =	vor.u32 s19, v0;
	v50 =	vor.u32 s18, v0;
	s18 =	sadd.s32 $0x800, s16;
	v55 =	vor.u32 s25, v0;
	s25 =	smax.u32 s1, $0x1;
	s1 =	simm.s32 @!p2 $0x0  }
0x24: {  	v48 =	vor.u32 s21, v0;
	s19 =	sadd.s32 $0x1000, s16;
	v52 =	vor.u32 s23, v0;
	v53 =	vor.u32 s28, v0;
	s21 =	sadd.s32 $0x2000, s16;
	s1 =	simm.s32 @p2 $0x1  }
0x25: {  	[tilespmem:$0x1FFF0] =	vst v1;
	v54 =	vor.u32 s24, v0;
	v56 =	vor.u32 s30, v0;
	s23 =	sadd.s32 $0x3000, s16;
	s24 =	sadd.s32 $0x3800, s16;
	v1 =	vor.u32 s15, v0;
	[smem:$0x7FD] =	sst s1  }
.LBB2_18:
0x26: {  	s2 =	simm.s32 $0x880  }
0x27: {  	[hbm4b:s16+s6] =	stream.linear.scatter [tilespmem:s2], [sflag:$0x3], $0x4000, $0x38;
	[tilespmem:$0xE980] =	vst v63  }
0x28: {  	p3 =	slt.s32 s9, s1;
	s2 =	simm.s32 $0x2  }
0x29: {  	s2 =	simm.s32 @!p3 $0x4;
	p3 =	por p4, p4  }
.LBB2_20:
0x2a: {  	_ =	swait.ge [sflag:s2], $0x4000  }
0x2b: {  	[sflag:s2] =	ssyncset.done $0x0  }
0x2c: {  	[sflag:s2] =	ssyncadd.s32 $0xFFFFC000  }
.LBB2_21:
0x2d: {  	_ =	swait.ge [sflag:s0], $0x4000  }
0x2e: {  	s2 =	sld [smem:$0x7FB]  }
0x2f: {  	s30 =	sld [smem:$0x7F8];
	_ =	sdelay $0x1  }
0x30: {  	[sflag:s0] =	ssyncset.done $0x0  }
0x31: {  	[sflag:s0] =	ssyncadd.s32 $0xFFFFC000;
	p5 =	seq.s32 s2, $0x1;
	p4 =	seq.s32 s30, $0x1  }
0x32: {  	s2 =	simm.s32 @!p5 $0x80;
	s3 =	simm.s32 @!p5 $0x580;
	s28 =	simm.s32 @!p5 $0x880  }
0x33: {  	[tilespmem:s28], [sflag:$0x1] =	stream.indirect.gather @!p5 [spmem:s5], $0x80, s3, s2, $0xb8;
	[tilespmem:$0xE980] =	vst v63  }
0x34: {  	s2 =	simm.s32 @!p4 $0x0;
	s3 =	simm.s32 @!p4 $0x4880  }
0x35: {  	[hbm4b:s18+s2] =	stream.linear.scatter @!p4 [tilespmem:s3], [sflag:$0x3], $0x4000, $0x38;
	[tilespmem:$0xE980] =	vst v63  }
0x36: {  	s2 =	simm.s32 @p3 $0x0;
	s3 =	simm.s32 @p3 $0x8880  }
0x37: {  	[hbm4b:s18+s2] =	stream.linear.scatter @p3 [tilespmem:s3], [sflag:$0x3], $0x4000, $0x38;
	[tilespmem:$0xE980] =	vst v63  }
0x38: {  	p3 =	slt.s32 @!p4 s10, s1  }
0x39: {  	p3 =	por p3, p4  }
0x3a: {  	s2 =	simm.s32 @!p3 $0x4  }
0x3b: {  	_ =	swait.ge @!p3 [sflag:s2], $0x4000  }
0x3c: {  	[sflag:s2] =	ssyncset.done @!p3 $0x0  }
0x3d: {  	[sflag:s2] =	ssyncadd.s32 @!p3 $0xFFFFC000;
	s2 =	simm.s32 @!p5 $0x1  }
0x3e: {  	_ =	swait.ge @!p5 [sflag:s2], $0x4000  }
0x3f: {  	[sflag:s2] =	ssyncset.done @!p5 $0x0  }
0x40: {  	[sflag:s2] =	ssyncadd.s32 @!p5 $0xFFFFC000  }
0x41: {  	_ =	swait.ge [sflag:s0], $0x4000  }
0x42: {  	s3 =	sld [smem:$0x7FA];
	_ =	sdelay $0x1  }
0x43: {  	[sflag:s0] =	ssyncset.done $0x0  }
0x44: {  	[sflag:s0] =	ssyncadd.s32 $0xFFFFC000;
	p4 =	seq.s32 s3, $0x1  }
0x45: {  	s2 =	simm.s32 @!p4 $0x80;
	s3 =	simm.s32 @!p4 $0x600;
	s30 =	simm.s32 @!p4 $0x4880  }
0x46: {  	[tilespmem:s30], [sflag:$0x2] =	stream.indirect.gather @!p4 [spmem:s5], $0x80, s3, s2, $0xb8;
	[tilespmem:$0xE980] =	vst v63  }
0x47: {  	p3 =	slt.s32 s10, s1;
	s2 =	simm.s32 @!p5 $0x0  }
0x48: {  	[hbm4b:s19+s2] =	stream.linear.scatter @!p5 [tilespmem:s28], [sflag:$0x3], $0x4000, $0x38;
	[tilespmem:$0xE980] =	vst v63  }
0x49: {  	s3 =	simm.s32 @!p3 $0x8880;
	s2 =	simm.s32 @!p3 $0x0  }
0x4a: {  	[hbm4b:s19+s2] =	stream.linear.scatter @!p3 [tilespmem:s3], [sflag:$0x3], $0x4000, $0x38;
	[tilespmem:$0xE980] =	vst v63  }
0x4b: {  	p3 =	slt.s32 @!p5 s11, s1  }
0x4c: {  	p3 =	por p3, p5  }
0x4d: {  	s2 =	simm.s32 @!p3 $0x4  }
0x4e: {  	_ =	swait.ge @!p3 [sflag:s2], $0x4000  }
0x4f: {  	[sflag:s2] =	ssyncset.done @!p3 $0x0  }
0x50: {  	[sflag:s2] =	ssyncadd.s32 @!p3 $0xFFFFC000;
	s2 =	simm.s32 @!p4 $0x2  }
0x51: {  	_ =	swait.ge @!p4 [sflag:s2], $0x4000  }
0x52: {  	[sflag:s2] =	ssyncset.done @!p4 $0x0  }
0x53: {  	[sflag:s2] =	ssyncadd.s32 @!p4 $0xFFFFC000  }
0x54: {  	_ =	swait.ge [sflag:s0], $0x4000  }
0x55: {  	s28 =	simm.s32 @!p6 $0x880;
	[sflag:s0] =	ssyncset.done $0x0  }
0x56: {  	s3 =	simm.s32 @!p6 $0x680;
	s2 =	simm.s32 @!p6 $0x80;
	[sflag:s0] =	ssyncadd.s32 $0xFFFFC000  }
0x57: {  	[tilespmem:s28], [sflag:$0x1] =	stream.indirect.gather @!p6 [spmem:s5], $0x80, s3, s2, $0xb8;
	[tilespmem:$0xE980] =	vst v63  }
0x58: {  	p3 =	slt.s32 s11, s1;
	s2 =	simm.s32 @!p4 $0x0  }
0x59: {  	[hbm4b:s20+s2] =	stream.linear.scatter @!p4 [tilespmem:s30], [sflag:$0x3], $0x4000, $0x38;
	[tilespmem:$0xE980] =	vst v63  }
0x5a: {  	s3 =	simm.s32 @!p3 $0x8880;
	s2 =	simm.s32 @!p3 $0x0  }
0x5b: {  	[hbm4b:s20+s2] =	stream.linear.scatter @!p3 [tilespmem:s3], [sflag:$0x3], $0x4000, $0x38;
	[tilespmem:$0xE980] =	vst v63  }
0x5c: {  	p3 =	slt.s32 @!p4 s12, s1  }
0x5d: {  	p3 =	por p3, p4  }
0x5e: {  	s2 =	simm.s32 @!p3 $0x4  }
0x5f: {  	_ =	swait.ge @!p3 [sflag:s2], $0x4000  }
0x60: {  	[sflag:s2] =	ssyncset.done @!p3 $0x0  }
0x61: {  	[sflag:s2] =	ssyncadd.s32 @!p3 $0xFFFFC000;
	s2 =	simm.s32 @!p6 $0x1  }
0x62: {  	_ =	swait.ge @!p6 [sflag:s2], $0x4000  }
0x63: {  	[sflag:s2] =	ssyncset.done @!p6 $0x0  }
0x64: {  	[sflag:s2] =	ssyncadd.s32 @!p6 $0xFFFFC000  }
0x65: {  	_ =	swait.ge [sflag:s0], $0x4000  }
0x66: {  	s30 =	simm.s32 @!p2 $0x4880;
	[sflag:s0] =	ssyncset.done $0x0  }
0x67: {  	s3 =	simm.s32 @!p2 $0x700;
	s2 =	simm.s32 @!p2 $0x80;
	[sflag:s0] =	ssyncadd.s32 $0xFFFFC000  }
0x68: {  	[tilespmem:s30], [sflag:$0x2] =	stream.indirect.gather @!p2 [spmem:s5], $0x80, s3, s2, $0xb8;
	[tilespmem:$0xE980] =	vst v63  }
0x69: {  	p3 =	slt.s32 s12, s1;
	s2 =	simm.s32 @!p6 $0x0  }
0x6a: {  	[hbm4b:s21+s2] =	stream.linear.scatter @!p6 [tilespmem:s28], [sflag:$0x3], $0x4000, $0x38;
	[tilespmem:$0xE980] =	vst v63  }
0x6b: {  	s3 =	simm.s32 @!p3 $0x8880;
	s2 =	simm.s32 @!p3 $0x0  }
0x6c: {  	[hbm4b:s21+s2] =	stream.linear.scatter @!p3 [tilespmem:s3], [sflag:$0x3], $0x4000, $0x38;
	[tilespmem:$0xE980] =	vst v63  }
0x6d: {  	p3 =	slt.s32 @!p6 s13, s1  }
0x6e: {  	p3 =	por p3, p6  }
0x6f: {  	s2 =	simm.s32 @!p3 $0x4  }
0x70: {  	_ =	swait.ge @!p3 [sflag:s2], $0x4000  }
0x71: {  	[sflag:s2] =	ssyncset.done @!p3 $0x0  }
0x72: {  	[sflag:s2] =	ssyncadd.s32 @!p3 $0xFFFFC000;
	s2 =	simm.s32 @!p2 $0x2  }
0x73: {  	_ =	swait.ge @!p2 [sflag:s2], $0x4000  }
0x74: {  	[sflag:s2] =	ssyncset.done @!p2 $0x0  }
0x75: {  	[sflag:s2] =	ssyncadd.s32 @!p2 $0xFFFFC000  }
0x76: {  	_ =	swait.ge [sflag:s0], $0x4000  }
0x77: {  	s28 =	simm.s32 @!p0 $0x880;
	[sflag:s0] =	ssyncset.done $0x0  }
0x78: {  	s3 =	simm.s32 @!p0 $0x780;
	s2 =	simm.s32 @!p0 $0x80;
	[sflag:s0] =	ssyncadd.s32 $0xFFFFC000  }
0x79: {  	[tilespmem:s28], [sflag:$0x1] =	stream.indirect.gather @!p0 [spmem:s5], $0x80, s3, s2, $0xb8;
	[tilespmem:$0xE980] =	vst v63  }
0x7a: {  	p3 =	slt.s32 s13, s1;
	s2 =	simm.s32 @!p2 $0x0  }
0x7b: {  	[hbm4b:s22+s2] =	stream.linear.scatter @!p2 [tilespmem:s30], [sflag:$0x3], $0x4000, $0x38;
	[tilespmem:$0xE980] =	vst v63  }
0x7c: {  	s3 =	simm.s32 @!p3 $0x8880;
	s2 =	simm.s32 @!p3 $0x0  }
0x7d: {  	[hbm4b:s22+s2] =	stream.linear.scatter @!p3 [tilespmem:s3], [sflag:$0x3], $0x4000, $0x38;
	[tilespmem:$0xE980] =	vst v63  }
0x7e: {  	p3 =	slt.s32 @!p2 s14, s1  }
0x7f: {  	p2 =	por p3, p2  }
0x80: {  	s2 =	simm.s32 @!p2 $0x4  }
0x81: {  	_ =	swait.ge @!p2 [sflag:s2], $0x4000  }
0x82: {  	[sflag:s2] =	ssyncset.done @!p2 $0x0  }
0x83: {  	[sflag:s2] =	ssyncadd.s32 @!p2 $0xFFFFC000;
	s2 =	simm.s32 @!p0 $0x1  }
0x84: {  	_ =	swait.ge @!p0 [sflag:s2], $0x4000  }
0x85: {  	[sflag:s2] =	ssyncset.done @!p0 $0x0  }
0x86: {  	[sflag:s2] =	ssyncadd.s32 @!p0 $0xFFFFC000  }
0x87: {  	_ =	swait.ge [sflag:s0], $0x4000  }
0x88: {  	s30 =	simm.s32 @!p1 $0x4880;
	[sflag:s0] =	ssyncset.done $0x0  }
0x89: {  	s3 =	simm.s32 @!p1 $0x800;
	s2 =	simm.s32 @!p1 $0x80;
	[sflag:s0] =	ssyncadd.s32 $0xFFFFC000  }
0x8a: {  	[tilespmem:s30], [sflag:$0x2] =	stream.indirect.gather @!p1 [spmem:s5], $0x80, s3, s2, $0xb8;
	[tilespmem:$0xE980] =	vst v63  }
0x8b: {  	p2 =	slt.s32 s14, s1;
	s2 =	simm.s32 @!p0 $0x0  }
0x8c: {  	[hbm4b:s23+s2] =	stream.linear.scatter @!p0 [tilespmem:s28], [sflag:$0x3], $0x4000, $0x38;
	[tilespmem:$0xE980] =	vst v63  }
0x8d: {  	s3 =	simm.s32 @!p2 $0x8880;
	s2 =	simm.s32 @!p2 $0x0  }
0x8e: {  	[hbm4b:s23+s2] =	stream.linear.scatter @!p2 [tilespmem:s3], [sflag:$0x3], $0x4000, $0x38;
	[tilespmem:$0xE980] =	vst v63  }
0x8f: {  	p2 =	slt.s32 @!p0 s15, s1  }
0x90: {  	p0 =	por p2, p0  }
0x91: {  	s2 =	simm.s32 @!p0 $0x4  }
0x92: {  	_ =	swait.ge @!p0 [sflag:s2], $0x4000  }
0x93: {  	[sflag:s2] =	ssyncset.done @!p0 $0x0  }
0x94: {  	[sflag:s2] =	ssyncadd.s32 @!p0 $0xFFFFC000;
	s2 =	simm.s32 @p1 $0x3  }
0x95: {  	_ =	swait.ge @p1 [sflag:s2], $0x4000  }
0x96: {  	[sflag:s2] =	ssyncset.done @p1 $0x0  }
0x97: {  	[sflag:s2] =	ssyncadd.s32 @p1 $0xFFFFC000;
	s2 =	simm.s32 @!p1 $0x2  }
0x98: {  	_ =	swait.ge @!p1 [sflag:s2], $0x4000  }
0x99: {  	[sflag:s2] =	ssyncset.done @!p1 $0x0  }
0x9a: {  	[sflag:s2] =	ssyncadd.s32 @!p1 $0xFFFFC000;
	s2 =	simm.s32 @!p1 $0x3  }
0x9b: {  	_ =	swait.ge @!p1 [sflag:s2], $0x4000  }
0x9c: {  	[sflag:s2] =	ssyncset.done @!p1 $0x0  }
0x9d: {  	p0 =	slt.s32 s15, s1;
	[sflag:s2] =	ssyncadd.s32 @!p1 $0xFFFFC000;
	s2 =	simm.s32 @!p1 $0x0  }
0x9e: {  	[hbm4b:s24+s2] =	stream.linear.scatter @!p1 [tilespmem:s30], [sflag:$0x3], $0x4000, $0x38;
	[tilespmem:$0xE980] =	vst v63  }
0x9f: {  	s1 =	simm.s32 @!p0 $0x0;
	s2 =	simm.s32 @!p0 $0x8880  }
0xa0: {  	[hbm4b:s24+s1] =	stream.linear.scatter @!p0 [tilespmem:s2], [sflag:$0x3], $0x4000, $0x38;
	[tilespmem:$0xE980] =	vst v63  }
0xa1: {  	s1 =	simm.s32 @!p1 $0x4  }
0xa2: {  	_ =	swait.ge @!p1 [sflag:s1], $0x4000  }
0xa3: {  	s28 =	sld [smem:$0x7FC];
	_ =	sdelay $0x2  }
0xa4: {  	p2 =	seq.s32 s28, $0x1  }
0xa5: {  	[sflag:s1] =	ssyncset.done @!p1 $0x0;
	v3 =	vlaneseq.u32 @!p2  }
0xa6: {  	[sflag:s1] =	ssyncadd.s32 @!p1 $0xFFFFC000;
	v4 =	vadd.s32 @!p2 $0x1, v3  }
0xa7: {  	_ =	swait.ge [sflag:s0], $0x4000  }
0xa8: {  	[sflag:s0] =	ssyncset.done $0x0  }
0xa9: {  	[sflag:s0] =	ssyncadd.s32 $0xFFFFC000;
	s1 =	simm.s32 @!p2 $0xC900  }
0xaa: {  	v3 =	vld.idx.msk @!p2 [tilespmem:v3+s1+$0x0], $0xffff  }
0xab: {  	v4 =	vld.idx.msk @!p2 [tilespmem:v4+s1+$0x0], $0xffff;
	_ =	sdelay $0x4  }
0xac: {  	s25 =	sadd.s32 $0xFFFFFFFF, s25;
	v3 =	vsub.s32 @!p2 v4, v3  }
0xad: {  	s2 =	simm.s32 @!p2 $0xC980;
	s3 =	rddreg [dreg:$0x4];
	s1 =	simm.s32 @!p2 $0x0;
	[tilespmem:$0xC980] =	vst @!p2 v3  }
0xae: {  	[hbm4b:s3+s1] =	stream.linear.scatter @!p2 [tilespmem:s2], [sflag:$0x6], $0x80, $0x38;
	[tilespmem:$0xE980] =	vst v63  }
0xaf: {  	p0 =	sne.s32 s25, $0x0;
	s1 =	simm.s32 @!p2 $0x6  }
.Ltmp1:
0xb0: {  	_ =	swait.ge @!p2 [sflag:s1], $0x80;
	(pc) =	sbr.rel @!p0 .LBB2_22-.Ltmp1, $3  }
0xb1: {  	s30 =	sld [smem:$0x7FD];
	_ =	sdelay $0x1  }
0xb2: {  	[sflag:s1] =	ssyncset.done @!p2 $0x0  }
0xb3: {  	[sflag:s1] =	ssyncadd.s32 @!p2 $0xFFFFFF80;
	p2 =	seq.s32 s30, $0x1  }
.LBB2_1:
0xb4: {  	[tilespmem:$0x8880] =	vst v2  }
0xb5: {  	[tilespmem:$0x8890] =	vst v2  }
0xb6: {  	[tilespmem:$0x88A0] =	vst v2  }
0xb7: {  	[tilespmem:$0x88B0] =	vst v2  }
0xb8: {  	[tilespmem:$0x88C0] =	vst v2  }
0xb9: {  	[tilespmem:$0x88D0] =	vst v2  }
0xba: {  	[tilespmem:$0x88E0] =	vst v2  }
0xbb: {  	[tilespmem:$0x88F0] =	vst v2  }
0xbc: {  	[tilespmem:$0x8900] =	vst v2  }
0xbd: {  	[tilespmem:$0x8910] =	vst v2  }
0xbe: {  	[tilespmem:$0x8920] =	vst v2  }
0xbf: {  	[tilespmem:$0x8930] =	vst v2  }
0xc0: {  	[tilespmem:$0x8940] =	vst v2  }
0xc1: {  	[tilespmem:$0x8950] =	vst v2  }
0xc2: {  	[tilespmem:$0x8960] =	vst v2  }
0xc3: {  	[tilespmem:$0x8970] =	vst v2  }
0xc4: {  	[tilespmem:$0x8980] =	vst v2  }
0xc5: {  	[tilespmem:$0x8990] =	vst v2  }
0xc6: {  	[tilespmem:$0x89A0] =	vst v2  }
0xc7: {  	[tilespmem:$0x89B0] =	vst v2  }
0xc8: {  	[tilespmem:$0x89C0] =	vst v2  }
0xc9: {  	[tilespmem:$0x89D0] =	vst v2  }
0xca: {  	[tilespmem:$0x89E0] =	vst v2  }
0xcb: {  	[tilespmem:$0x89F0] =	vst v2  }
0xcc: {  	[tilespmem:$0x8A00] =	vst v2  }
0xcd: {  	[tilespmem:$0x8A10] =	vst v2  }
0xce: {  	[tilespmem:$0x8A20] =	vst v2  }
0xcf: {  	[tilespmem:$0x8A30] =	vst v2  }
0xd0: {  	[tilespmem:$0x8A40] =	vst v2  }
0xd1: {  	[tilespmem:$0x8A50] =	vst v2  }
0xd2: {  	[tilespmem:$0x8A60] =	vst v2  }
0xd3: {  	[tilespmem:$0x8A70] =	vst v2  }
0xd4: {  	[tilespmem:$0x8A80] =	vst v2  }
0xd5: {  	[tilespmem:$0x8A90] =	vst v2  }
0xd6: {  	[tilespmem:$0x8AA0] =	vst v2  }
0xd7: {  	[tilespmem:$0x8AB0] =	vst v2  }
0xd8: {  	[tilespmem:$0x8AC0] =	vst v2  }
0xd9: {  	[tilespmem:$0x8AD0] =	vst v2  }
0xda: {  	[tilespmem:$0x8AE0] =	vst v2  }
0xdb: {  	[tilespmem:$0x8AF0] =	vst v2  }
0xdc: {  	[tilespmem:$0x8B00] =	vst v2  }
0xdd: {  	[tilespmem:$0x8B10] =	vst v2  }
0xde: {  	[tilespmem:$0x8B20] =	vst v2  }
0xdf: {  	[tilespmem:$0x8B30] =	vst v2  }
0xe0: {  	[tilespmem:$0x8B40] =	vst v2  }
0xe1: {  	[tilespmem:$0x8B50] =	vst v2  }
0xe2: {  	[tilespmem:$0x8B60] =	vst v2  }
0xe3: {  	[tilespmem:$0x8B70] =	vst v2  }
0xe4: {  	[tilespmem:$0x8B80] =	vst v2  }
0xe5: {  	[tilespmem:$0x8B90] =	vst v2  }
0xe6: {  	[tilespmem:$0x8BA0] =	vst v2  }
0xe7: {  	[tilespmem:$0x8BB0] =	vst v2  }
0xe8: {  	[tilespmem:$0x8BC0] =	vst v2  }
0xe9: {  	[tilespmem:$0x8BD0] =	vst v2  }
0xea: {  	[tilespmem:$0x8BE0] =	vst v2  }
0xeb: {  	[tilespmem:$0x8BF0] =	vst v2  }
0xec: {  	[tilespmem:$0x8C00] =	vst v2  }
0xed: {  	[tilespmem:$0x8C10] =	vst v2  }
0xee: {  	[tilespmem:$0x8C20] =	vst v2  }
0xef: {  	[tilespmem:$0x8C30] =	vst v2  }
0xf0: {  	[tilespmem:$0x8C40] =	vst v2  }
0xf1: {  	[tilespmem:$0x8C50] =	vst v2  }
0xf2: {  	[tilespmem:$0x8C60] =	vst v2  }
0xf3: {  	[tilespmem:$0x8C70] =	vst v2;
	s1 =	simm.s32 @!p2 $0x1C05;
	s2 =	rddreg [dreg:$0x2]  }
0xf4: {  	[spmem:s26], [sflag:s1] =	dma.local @!p2 [hbm:s2], $0x3E80  }
0xf5: {  	s3 =	simm.s32 $0xC900;
	s1 =	rddreg [dreg:$0x1]  }
0xf6: {  	[tilespmem:s3], [sflag:$0x6] =	stream.linear.gather [hbm4b:s1+s6], $0x11, $0x38;
	[tilespmem:$0xE980] =	vst v63  }
0xf7: {  	_ =	swait.ge [sflag:s29], $0x11  }
0xf8: {  	[sflag:s29] =	ssyncset.done $0x0  }
0xf9: {  	[sflag:s29] =	ssyncadd.s32 $0xFFFFFFEF  }
0xfa: {  	v3 =	vld [tilespmem:s8+$0xC900];
	_ =	sdelay $0x4  }
0xfb: {  	(v2sf) =	vpush v3, $0x0  }
0xfc: {  	(v2sf) =	vpush v3, $0x1;
	_ =	sdelay $0xd  }
0xfd: {  	s1 =	spop (v2sf)  }
0xfe: {  	s2 =	sadd.s32 s7, s1;
	s3 =	sand.u32 $0x7, s1;
	s30 =	spop (v2sf)  }
0xff: {  	s28 =	sshra.s32 s2, $0x1F;
	p0 =	slt.s32 s2, $0x1;
	p1 =	sne.s32 s3, $0x0  }
0x100: {  	s1 =	ssub.s32 s30, s1;
	s28 =	sshrl.u32 s28, $0x1D;
	p0 =	por !p0, !p1  }
0x101: {  	s3 =	sadd.s32 s28, s2;
	p0 =	por !p0, !p0;
	s28 =	simm.s32 $0x1  }
0x102: {  	p1 =	sge.s32 s7, s1;
	s3 =	sshrl.u32 s3, $0x3;
	s28 =	simm.s32 @!p0 $0x0  }
.Ltmp2:
0x103: {  	s3 =	ssub.s32 s3, s28;
	(pc) =	sbr.rel @p1 .LBB2_3-.Ltmp2, $4  }
0x104: {  	s3 =	sshll.u32 s3, $0x3  }
0x105: {  	p0 =	slt.s32 s3, $0x3BF0  }
0x106: {  	s3 =	simm.s32 @!p0 $0x3BF0  }
0x107: {  	s2 =	ssub.s32 s2, s3  }
0x108: {  	v3 =	vadd.s32 s2, v0  }
0x109: {  	s3 =	sshrl.u32 s3, $0x3;
	s28 =	rddreg [dreg:$0x0];
	vm0 =	vlt.s32 v3, $0x40F  }
0x10a: {  	s3 =	sadd.s32 s28, s3;
	v3 =	vnsel vm0, $0x40F, v3  }
0x10b: {  	[tilespmem:s6], [sflag:$0x6] =	stream.linear.gather [hbm4b:s3+s6], $0x410, $0x38;
	[tilespmem:$0xE980] =	vst v63  }
0x10c: {  	_ =	swait.ge [sflag:s29], $0x410  }
0x10d: {  	[sflag:s29] =	ssyncset.done $0x0  }
0x10e: {  	s30 =	sadd.s32 $0x10, s2;
	[sflag:s29] =	ssyncadd.s32 $0xFFFFFBF0  }
0x10f: {  	v4 =	vadd.s32 s30, v0;
	v3 =	vld.idx.msk [tilespmem:v3+s6+$0x0], $0xffff  }
0x110: {  	vm13 =	vlt.s32 v4, $0x40F  }
0x111: {  	v4 =	vnsel vm13, $0x40F, v4;
	_ =	sdelay $0x1  }
0x112: {  	vm14 =	vlt.s32 v57, s1  }
0x113: {  	v3 =	vnsel vm14, $0x3E8, v3  }
0x114: {  	s28 =	sadd.s32 $0x20, s2;
	v5 =	vld [tilespmem:$0x1FFB0];
	[tilespmem:$0x480] =	vst v3  }
0x115: {  	v3 =	vld.idx.msk [tilespmem:v4+s6+$0x0], $0xffff;
	v4 =	vadd.s32 s28, v0  }
0x116: {  	vm15 =	vlt.s32 v4, $0x40F  }
0x117: {  	v4 =	vnsel vm15, $0x40F, v4;
	_ =	sdelay $0x1  }
0x118: {  	vm4 =	vlt.s32 v5, s1  }
0x119: {  	v3 =	vnsel vm4, $0x3E8, v3  }
0x11a: {  	s30 =	sadd.s32 $0x30, s2;
	v5 =	vld [tilespmem:$0x1FFC0];
	[tilespmem:$0x490] =	vst v3  }
0x11b: {  	v3 =	vld.idx.msk [tilespmem:v4+s6+$0x0], $0xffff;
	v4 =	vadd.s32 s30, v0  }
0x11c: {  	vm5 =	vlt.s32 v4, $0x40F  }
0x11d: {  	v4 =	vnsel vm5, $0x40F, v4;
	_ =	sdelay $0x1  }
0x11e: {  	vm6 =	vlt.s32 v5, s1  }
0x11f: {  	v3 =	vnsel vm6, $0x3E8, v3  }
0x120: {  	s28 =	sadd.s32 $0x40, s2;
	v5 =	vld [tilespmem:$0x1FFD0];
	[tilespmem:$0x4A0] =	vst v3  }
0x121: {  	v3 =	vld.idx.msk [tilespmem:v4+s6+$0x0], $0xffff;
	v4 =	vadd.s32 s28, v0  }
0x122: {  	vm7 =	vlt.s32 v4, $0x40F  }
0x123: {  	v4 =	vnsel vm7, $0x40F, v4;
	_ =	sdelay $0x1  }
0x124: {  	vm8 =	vlt.s32 v5, s1  }
0x125: {  	v3 =	vnsel vm8, $0x3E8, v3  }
0x126: {  	v5 =	vld [tilespmem:$0x1FFE0];
	s30 =	sadd.s32 $0x50, s2;
	[tilespmem:$0x4B0] =	vst v3  }
0x127: {  	v3 =	vld.idx.msk [tilespmem:v4+s6+$0x0], $0xffff;
	v4 =	vadd.s32 s30, v0  }
0x128: {  	vm9 =	vlt.s32 v4, $0x40F  }
0x129: {  	v4 =	vnsel vm9, $0x40F, v4;
	_ =	sdelay $0x1  }
0x12a: {  	vm10 =	vlt.s32 v5, s1  }
0x12b: {  	v3 =	vnsel vm10, $0x3E8, v3  }
0x12c: {  	v5 =	vld [tilespmem:$0x1FFF0];
	s28 =	sadd.s32 $0x60, s2;
	[tilespmem:$0x4C0] =	vst v3  }
0x12d: {  	v3 =	vld.idx.msk [tilespmem:v4+s6+$0x0], $0xffff;
	v4 =	vadd.s32 s28, v0  }
0x12e: {  	vm11 =	vlt.s32 v4, $0x40F  }
0x12f: {  	v4 =	vnsel vm11, $0x40F, v4;
	_ =	sdelay $0x1  }
0x130: {  	vm12 =	vlt.s32 v5, s1  }
0x131: {  	v3 =	vnsel vm12, $0x3E8, v3  }
0x132: {  	s30 =	sadd.s32 $0x70, s2;
	[tilespmem:$0x4D0] =	vst v3  }
0x133: {  	v3 =	vld.idx.msk [tilespmem:v4+s6+$0x0], $0xffff;
	v4 =	vadd.s32 s30, v0  }
0x134: {  	vm13 =	vlt.s32 v4, $0x40F  }
0x135: {  	v4 =	vnsel vm13, $0x40F, v4;
	_ =	sdelay $0x1  }
0x136: {  	vm14 =	vlt.s32 v6, s1  }
0x137: {  	v3 =	vnsel vm14, $0x3E8, v3  }
0x138: {  	[tilespmem:$0x4E0] =	vst v3  }
0x139: {  	v3 =	vld.idx.msk [tilespmem:v4+s6+$0x0], $0xffff;
	_ =	sdelay $0x3  }
0x13a: {  	vm15 =	vlt.s32 v7, s1  }
0x13b: {  	v3 =	vnsel vm15, $0x3E8, v3  }
0x13c: {  	[tilespmem:$0x4F0] =	vst v3  }
.LBB2_3:
0x13d: {  	v3 =	vor.u32 $0x3E8, v0  }
0x13e: {  	[tilespmem:$0xC880] =	vst v3  }
0x13f: {  	[tilespmem:$0xC890] =	vst v3  }
0x140: {  	[tilespmem:$0xC8A0] =	vst v3  }
0x141: {  	[tilespmem:$0xC8B0] =	vst v3  }
0x142: {  	[tilespmem:$0xC8C0] =	vst v3  }
0x143: {  	[tilespmem:$0xC8D0] =	vst v3  }
0x144: {  	[tilespmem:$0xC8E0] =	vst v3  }
0x145: {  	s3 =	simm.s32 @!p2 $0x5;
	[tilespmem:$0xC8F0] =	vst v3  }
0x146: {  	_ =	swait.ge @!p2 [sflag:s3], $0x3E80  }
0x147: {  	[sflag:s3] =	ssyncset.done @!p2 $0x0  }
0x148: {  	[sflag:s3] =	ssyncadd.s32 @!p2 $0xFFFFC180;
	s3 =	simm.s32 @!p2 $0x8880  }
0x149: {  	[spmem:s17] =	stream.linear.scatter @!p2 [tilespmem:s3], [sflag:$0x6], $0x400, $0x38;
	[tilespmem:$0xE980] =	vst v63  }
0x14a: {  	s3 =	simm.s32 @!p2 $0x6  }
0x14b: {  	_ =	swait.ge @!p2 [sflag:s3], $0x400  }
0x14c: {  	p3 =	sge.s32 s9, s1;
	[sflag:s3] =	ssyncset.done @!p2 $0x0  }
.Ltmp3:
0x14d: {  	s28 =	simm.s32 @!p1 $0x480;
	[sflag:s3] =	ssyncadd.s32 @!p2 $0xFFFFFC00;
	(pc) =	sbr.rel @p3 .LBB2_5-.Ltmp3, $4  }
0x14e: {  	s30 =	simm.s32 @!p1 $0x880;
	s3 =	simm.s32 @!p1 $0x80;
	[bflag:$0x0] =	sbarrier.arrive $0xFFFF  }
0x14f: {  	[tilespmem:s30], [sflag:$0x1] =	stream.indirect.gather @!p1 [spmem:s5], $0x80, s28, s3, $0xb8;
	[tilespmem:$0xE980] =	vst v63  }
0x150: {  	s30 =	simm.s32 $0x80  }
0x151: {  	[tilespmem:s4], [sflag:$0x4] =	stream.indirect.gather [spmem:s5], $0x80, s31, s30, $0xb8;
	[tilespmem:$0xE980] =	vst v63  }
0x152: {  	s3 =	sadd.s32 $0x80, s2  }
0x153: {  	v3 =	vadd.s32 s3, v0  }
0x154: {  	vm0 =	vlt.s32 v3, $0x40F  }
0x155: {  	v3 =	vnsel vm0, $0x40F, v3;
	_ =	sdelay $0x3  }
0x156: {  	s30 =	sadd.s32 $0x90, s2  }
0x157: {  	v4 =	vadd.s32 s30, v0;
	v3 =	vld.idx.msk [tilespmem:v3+s6+$0x0], $0xffff  }
0x158: {  	vm13 =	vlt.s32 v4, $0x40F  }
0x159: {  	v4 =	vnsel vm13, $0x40F, v4;
	_ =	sdelay $0x1  }
0x15a: {  	vm14 =	vlt.s32 v58, s1  }
0x15b: {  	v3 =	vnsel vm14, $0x3E8, v3  }
0x15c: {  	s28 =	sadd.s32 $0xA0, s2;
	[tilespmem:$0x500] =	vst v3  }
0x15d: {  	v3 =	vld.idx.msk [tilespmem:v4+s6+$0x0], $0xffff;
	v4 =	vadd.s32 s28, v0  }
0x15e: {  	vm15 =	vlt.s32 v4, $0x40F  }
0x15f: {  	v4 =	vnsel vm15, $0x40F, v4;
	_ =	sdelay $0x1  }
0x160: {  	vm4 =	vlt.s32 v8, s1  }
0x161: {  	v3 =	vnsel vm4, $0x3E8, v3  }
0x162: {  	s30 =	sadd.s32 $0xB0, s2;
	[tilespmem:$0x510] =	vst v3  }
0x163: {  	v3 =	vld.idx.msk [tilespmem:v4+s6+$0x0], $0xffff;
	v4 =	vadd.s32 s30, v0  }
0x164: {  	vm5 =	vlt.s32 v4, $0x40F  }
0x165: {  	v4 =	vnsel vm5, $0x40F, v4;
	_ =	sdelay $0x1  }
0x166: {  	vm6 =	vlt.s32 v9, s1  }
0x167: {  	v3 =	vnsel vm6, $0x3E8, v3  }
0x168: {  	s28 =	sadd.s32 $0xC0, s2;
	[tilespmem:$0x520] =	vst v3  }
0x169: {  	v3 =	vld.idx.msk [tilespmem:v4+s6+$0x0], $0xffff;
	v4 =	vadd.s32 s28, v0  }
0x16a: {  	vm7 =	vlt.s32 v4, $0x40F  }
0x16b: {  	v4 =	vnsel vm7, $0x40F, v4;
	_ =	sdelay $0x1  }
0x16c: {  	vm8 =	vlt.s32 v10, s1  }
0x16d: {  	v3 =	vnsel vm8, $0x3E8, v3  }
0x16e: {  	s30 =	sadd.s32 $0xD0, s2;
	[tilespmem:$0x530] =	vst v3  }
0x16f: {  	v3 =	vld.idx.msk [tilespmem:v4+s6+$0x0], $0xffff;
	v4 =	vadd.s32 s30, v0  }
0x170: {  	vm9 =	vlt.s32 v4, $0x40F  }
0x171: {  	v4 =	vnsel vm9, $0x40F, v4;
	_ =	sdelay $0x1  }
0x172: {  	vm10 =	vlt.s32 v11, s1  }
0x173: {  	v3 =	vnsel vm10, $0x3E8, v3  }
0x174: {  	s28 =	sadd.s32 $0xE0, s2;
	[tilespmem:$0x540] =	vst v3  }
0x175: {  	v3 =	vld.idx.msk [tilespmem:v4+s6+$0x0], $0xffff;
	v4 =	vadd.s32 s28, v0  }
0x176: {  	vm11 =	vlt.s32 v4, $0x40F  }
0x177: {  	v4 =	vnsel vm11, $0x40F, v4;
	_ =	sdelay $0x1  }
0x178: {  	vm12 =	vlt.s32 v12, s1  }
0x179: {  	v3 =	vnsel vm12, $0x3E8, v3  }
0x17a: {  	s30 =	sadd.s32 $0xF0, s2;
	[tilespmem:$0x550] =	vst v3  }
0x17b: {  	v3 =	vld.idx.msk [tilespmem:v4+s6+$0x0], $0xffff;
	v4 =	vadd.s32 s30, v0  }
0x17c: {  	vm13 =	vlt.s32 v4, $0x40F  }
0x17d: {  	v4 =	vnsel vm13, $0x40F, v4;
	_ =	sdelay $0x1  }
0x17e: {  	vm14 =	vlt.s32 v13, s1  }
0x17f: {  	v3 =	vnsel vm14, $0x3E8, v3  }
0x180: {  	[tilespmem:$0x560] =	vst v3  }
0x181: {  	v3 =	vld.idx.msk [tilespmem:v4+s6+$0x0], $0xffff;
	_ =	sdelay $0x3  }
0x182: {  	vm15 =	vlt.s32 v14, s1  }
0x183: {  	v3 =	vnsel vm15, $0x3E8, v3  }
0x184: {  	[tilespmem:$0x570] =	vst v3  }
.LBB2_5:
0x185: {  	p0 =	sge.s32 s10, s1  }
.Ltmp4:
0x186: {  	_ = 	snop;
	(pc) =	sbr.rel @p0 .LBB2_7-.Ltmp4, $4  }
0x187: {  	_ = 	snop  }
0x188: {  	s3 =	simm.s32 @!p0 $0x0  }
0x189: {  	s3 =	simm.s32 @p0 $0x1  }
0x18a: {  	[smem:$0x7FB] =	sst s3  }
0x18b: {  	s3 =	sadd.s32 $0x100, s2  }
0x18c: {  	v3 =	vadd.s32 s3, v0  }
0x18d: {  	vm0 =	vlt.s32 v3, $0x40F  }
0x18e: {  	v3 =	vnsel vm0, $0x40F, v3;
	_ =	sdelay $0x3  }
0x18f: {  	s30 =	sadd.s32 $0x110, s2  }
0x190: {  	v4 =	vadd.s32 s30, v0;
	v3 =	vld.idx.msk [tilespmem:v3+s6+$0x0], $0xffff  }
0x191: {  	vm13 =	vlt.s32 v4, $0x40F  }
0x192: {  	v4 =	vnsel vm13, $0x40F, v4;
	_ =	sdelay $0x1  }
0x193: {  	vm14 =	vlt.s32 v59, s1  }
0x194: {  	v3 =	vnsel vm14, $0x3E8, v3  }
0x195: {  	s28 =	sadd.s32 $0x120, s2;
	[tilespmem:$0x580] =	vst v3  }
0x196: {  	v3 =	vld.idx.msk [tilespmem:v4+s6+$0x0], $0xffff;
	v4 =	vadd.s32 s28, v0  }
0x197: {  	vm15 =	vlt.s32 v4, $0x40F  }
0x198: {  	v4 =	vnsel vm15, $0x40F, v4;
	_ =	sdelay $0x1  }
0x199: {  	vm4 =	vlt.s32 v15, s1  }
0x19a: {  	v3 =	vnsel vm4, $0x3E8, v3  }
0x19b: {  	s30 =	sadd.s32 $0x130, s2;
	[tilespmem:$0x590] =	vst v3  }
0x19c: {  	v3 =	vld.idx.msk [tilespmem:v4+s6+$0x0], $0xffff;
	v4 =	vadd.s32 s30, v0  }
0x19d: {  	vm5 =	vlt.s32 v4, $0x40F  }
0x19e: {  	v4 =	vnsel vm5, $0x40F, v4;
	_ =	sdelay $0x1  }
0x19f: {  	vm6 =	vlt.s32 v16, s1  }
0x1a0: {  	v3 =	vnsel vm6, $0x3E8, v3  }
0x1a1: {  	s28 =	sadd.s32 $0x140, s2;
	[tilespmem:$0x5A0] =	vst v3  }
0x1a2: {  	v3 =	vld.idx.msk [tilespmem:v4+s6+$0x0], $0xffff;
	v4 =	vadd.s32 s28, v0  }
0x1a3: {  	vm7 =	vlt.s32 v4, $0x40F  }
0x1a4: {  	v4 =	vnsel vm7, $0x40F, v4;
	_ =	sdelay $0x1  }
0x1a5: {  	vm8 =	vlt.s32 v17, s1  }
0x1a6: {  	v3 =	vnsel vm8, $0x3E8, v3  }
0x1a7: {  	s30 =	sadd.s32 $0x150, s2;
	[tilespmem:$0x5B0] =	vst v3  }
0x1a8: {  	v3 =	vld.idx.msk [tilespmem:v4+s6+$0x0], $0xffff;
	v4 =	vadd.s32 s30, v0  }
0x1a9: {  	vm9 =	vlt.s32 v4, $0x40F  }
0x1aa: {  	v4 =	vnsel vm9, $0x40F, v4;
	_ =	sdelay $0x1  }
0x1ab: {  	vm10 =	vlt.s32 v18, s1  }
0x1ac: {  	v3 =	vnsel vm10, $0x3E8, v3  }
0x1ad: {  	s28 =	sadd.s32 $0x160, s2;
	[tilespmem:$0x5C0] =	vst v3  }
0x1ae: {  	v3 =	vld.idx.msk [tilespmem:v4+s6+$0x0], $0xffff;
	v4 =	vadd.s32 s28, v0  }
0x1af: {  	vm11 =	vlt.s32 v4, $0x40F  }
0x1b0: {  	v4 =	vnsel vm11, $0x40F, v4;
	_ =	sdelay $0x1  }
0x1b1: {  	vm12 =	vlt.s32 v19, s1  }
0x1b2: {  	v3 =	vnsel vm12, $0x3E8, v3  }
0x1b3: {  	s30 =	sadd.s32 $0x170, s2;
	[tilespmem:$0x5D0] =	vst v3  }
0x1b4: {  	v3 =	vld.idx.msk [tilespmem:v4+s6+$0x0], $0xffff;
	v4 =	vadd.s32 s30, v0  }
0x1b5: {  	vm13 =	vlt.s32 v4, $0x40F  }
0x1b6: {  	v4 =	vnsel vm13, $0x40F, v4;
	_ =	sdelay $0x1  }
0x1b7: {  	vm14 =	vlt.s32 v20, s1  }
0x1b8: {  	v3 =	vnsel vm14, $0x3E8, v3  }
0x1b9: {  	[tilespmem:$0x5E0] =	vst v3  }
0x1ba: {  	v3 =	vld.idx.msk [tilespmem:v4+s6+$0x0], $0xffff;
	_ =	sdelay $0x3  }
0x1bb: {  	vm15 =	vlt.s32 v21, s1  }
0x1bc: {  	v3 =	vnsel vm15, $0x3E8, v3  }
0x1bd: {  	[tilespmem:$0x5F0] =	vst v3  }
.LBB2_7:
0x1be: {  	p0 =	sge.s32 s11, s1  }
.Ltmp5:
0x1bf: {  	_ = 	snop;
	(pc) =	sbr.rel @p0 .LBB2_9-.Ltmp5, $4  }
0x1c0: {  	_ = 	snop  }
0x1c1: {  	s3 =	simm.s32 @!p0 $0x0  }
0x1c2: {  	s3 =	simm.s32 @p0 $0x1  }
0x1c3: {  	[smem:$0x7FA] =	sst s3  }
0x1c4: {  	s3 =	sadd.s32 $0x180, s2  }
0x1c5: {  	v3 =	vadd.s32 s3, v0  }
0x1c6: {  	vm0 =	vlt.s32 v3, $0x40F  }
0x1c7: {  	v3 =	vnsel vm0, $0x40F, v3;
	_ =	sdelay $0x3  }
0x1c8: {  	s30 =	sadd.s32 $0x190, s2  }
0x1c9: {  	v4 =	vadd.s32 s30, v0;
	v3 =	vld.idx.msk [tilespmem:v3+s6+$0x0], $0xffff  }
0x1ca: {  	vm13 =	vlt.s32 v4, $0x40F  }
0x1cb: {  	v4 =	vnsel vm13, $0x40F, v4;
	_ =	sdelay $0x1  }
0x1cc: {  	vm14 =	vlt.s32 v60, s1  }
0x1cd: {  	v3 =	vnsel vm14, $0x3E8, v3  }
0x1ce: {  	s28 =	sadd.s32 $0x1A0, s2;
	[tilespmem:$0x600] =	vst v3  }
0x1cf: {  	v3 =	vld.idx.msk [tilespmem:v4+s6+$0x0], $0xffff;
	v4 =	vadd.s32 s28, v0  }
0x1d0: {  	vm15 =	vlt.s32 v4, $0x40F  }
0x1d1: {  	v4 =	vnsel vm15, $0x40F, v4;
	_ =	sdelay $0x1  }
0x1d2: {  	vm4 =	vlt.s32 v22, s1  }
0x1d3: {  	v3 =	vnsel vm4, $0x3E8, v3  }
0x1d4: {  	s30 =	sadd.s32 $0x1B0, s2;
	[tilespmem:$0x610] =	vst v3  }
0x1d5: {  	v3 =	vld.idx.msk [tilespmem:v4+s6+$0x0], $0xffff;
	v4 =	vadd.s32 s30, v0  }
0x1d6: {  	vm5 =	vlt.s32 v4, $0x40F  }
0x1d7: {  	v4 =	vnsel vm5, $0x40F, v4;
	_ =	sdelay $0x1  }
0x1d8: {  	vm6 =	vlt.s32 v23, s1  }
0x1d9: {  	v3 =	vnsel vm6, $0x3E8, v3  }
0x1da: {  	s28 =	sadd.s32 $0x1C0, s2;
	[tilespmem:$0x620] =	vst v3  }
0x1db: {  	v3 =	vld.idx.msk [tilespmem:v4+s6+$0x0], $0xffff;
	v4 =	vadd.s32 s28, v0  }
0x1dc: {  	vm7 =	vlt.s32 v4, $0x40F  }
0x1dd: {  	v4 =	vnsel vm7, $0x40F, v4;
	_ =	sdelay $0x1  }
0x1de: {  	vm8 =	vlt.s32 v24, s1  }
0x1df: {  	v3 =	vnsel vm8, $0x3E8, v3  }
0x1e0: {  	s30 =	sadd.s32 $0x1D0, s2;
	[tilespmem:$0x630] =	vst v3  }
0x1e1: {  	v3 =	vld.idx.msk [tilespmem:v4+s6+$0x0], $0xffff;
	v4 =	vadd.s32 s30, v0  }
0x1e2: {  	vm9 =	vlt.s32 v4, $0x40F  }
0x1e3: {  	v4 =	vnsel vm9, $0x40F, v4;
	_ =	sdelay $0x1  }
0x1e4: {  	vm10 =	vlt.s32 v25, s1  }
0x1e5: {  	v3 =	vnsel vm10, $0x3E8, v3  }
0x1e6: {  	s28 =	sadd.s32 $0x1E0, s2;
	[tilespmem:$0x640] =	vst v3  }
0x1e7: {  	v3 =	vld.idx.msk [tilespmem:v4+s6+$0x0], $0xffff;
	v4 =	vadd.s32 s28, v0  }
0x1e8: {  	vm11 =	vlt.s32 v4, $0x40F  }
0x1e9: {  	v4 =	vnsel vm11, $0x40F, v4;
	_ =	sdelay $0x1  }
0x1ea: {  	vm12 =	vlt.s32 v26, s1  }
0x1eb: {  	v3 =	vnsel vm12, $0x3E8, v3  }
0x1ec: {  	s30 =	sadd.s32 $0x1F0, s2;
	[tilespmem:$0x650] =	vst v3  }
0x1ed: {  	v3 =	vld.idx.msk [tilespmem:v4+s6+$0x0], $0xffff;
	v4 =	vadd.s32 s30, v0  }
0x1ee: {  	vm13 =	vlt.s32 v4, $0x40F  }
0x1ef: {  	v4 =	vnsel vm13, $0x40F, v4;
	_ =	sdelay $0x1  }
0x1f0: {  	vm14 =	vlt.s32 v27, s1  }
0x1f1: {  	v3 =	vnsel vm14, $0x3E8, v3  }
0x1f2: {  	[tilespmem:$0x660] =	vst v3  }
0x1f3: {  	v3 =	vld.idx.msk [tilespmem:v4+s6+$0x0], $0xffff;
	_ =	sdelay $0x3  }
0x1f4: {  	vm15 =	vlt.s32 v28, s1  }
0x1f5: {  	v3 =	vnsel vm15, $0x3E8, v3  }
0x1f6: {  	[tilespmem:$0x670] =	vst v3  }
.LBB2_9:
0x1f7: {  	p6 =	sge.s32 s12, s1  }
.Ltmp6:
0x1f8: {  	_ = 	snop;
	(pc) =	sbr.rel @p6 .LBB2_11-.Ltmp6, $1  }
0x1f9: {  	_ =	sdelay $0x3  }
0x1fa: {  	s3 =	sadd.s32 $0x200, s2  }
0x1fb: {  	v3 =	vadd.s32 s3, v0  }
0x1fc: {  	vm0 =	vlt.s32 v3, $0x40F  }
0x1fd: {  	v3 =	vnsel vm0, $0x40F, v3;
	_ =	sdelay $0x3  }
0x1fe: {  	s30 =	sadd.s32 $0x210, s2  }
0x1ff: {  	v4 =	vadd.s32 s30, v0;
	v3 =	vld.idx.msk [tilespmem:v3+s6+$0x0], $0xffff  }
0x200: {  	vm13 =	vlt.s32 v4, $0x40F  }
0x201: {  	v4 =	vnsel vm13, $0x40F, v4;
	_ =	sdelay $0x1  }
0x202: {  	vm14 =	vlt.s32 v61, s1  }
0x203: {  	v3 =	vnsel vm14, $0x3E8, v3  }
0x204: {  	s28 =	sadd.s32 $0x220, s2;
	[tilespmem:$0x680] =	vst v3  }
0x205: {  	v3 =	vld.idx.msk [tilespmem:v4+s6+$0x0], $0xffff;
	v4 =	vadd.s32 s28, v0  }
0x206: {  	vm15 =	vlt.s32 v4, $0x40F  }
0x207: {  	v4 =	vnsel vm15, $0x40F, v4;
	_ =	sdelay $0x1  }
0x208: {  	vm4 =	vlt.s32 v29, s1  }
0x209: {  	v3 =	vnsel vm4, $0x3E8, v3  }
0x20a: {  	s30 =	sadd.s32 $0x230, s2;
	[tilespmem:$0x690] =	vst v3  }
0x20b: {  	v3 =	vld.idx.msk [tilespmem:v4+s6+$0x0], $0xffff;
	v4 =	vadd.s32 s30, v0  }
0x20c: {  	vm5 =	vlt.s32 v4, $0x40F  }
0x20d: {  	v4 =	vnsel vm5, $0x40F, v4;
	_ =	sdelay $0x1  }
0x20e: {  	vm6 =	vlt.s32 v30, s1  }
0x20f: {  	v3 =	vnsel vm6, $0x3E8, v3  }
0x210: {  	s28 =	sadd.s32 $0x240, s2;
	[tilespmem:$0x6A0] =	vst v3  }
0x211: {  	v3 =	vld.idx.msk [tilespmem:v4+s6+$0x0], $0xffff;
	v4 =	vadd.s32 s28, v0  }
0x212: {  	vm7 =	vlt.s32 v4, $0x40F  }
0x213: {  	v4 =	vnsel vm7, $0x40F, v4;
	_ =	sdelay $0x1  }
0x214: {  	vm8 =	vlt.s32 v31, s1  }
0x215: {  	v3 =	vnsel vm8, $0x3E8, v3  }
0x216: {  	s30 =	sadd.s32 $0x250, s2;
	[tilespmem:$0x6B0] =	vst v3  }
0x217: {  	v3 =	vld.idx.msk [tilespmem:v4+s6+$0x0], $0xffff;
	v4 =	vadd.s32 s30, v0  }
0x218: {  	vm9 =	vlt.s32 v4, $0x40F  }
0x219: {  	v4 =	vnsel vm9, $0x40F, v4;
	_ =	sdelay $0x1  }
0x21a: {  	vm10 =	vlt.s32 v32, s1  }
0x21b: {  	v3 =	vnsel vm10, $0x3E8, v3  }
0x21c: {  	s28 =	sadd.s32 $0x260, s2;
	[tilespmem:$0x6C0] =	vst v3  }
0x21d: {  	v3 =	vld.idx.msk [tilespmem:v4+s6+$0x0], $0xffff;
	v4 =	vadd.s32 s28, v0  }
0x21e: {  	vm11 =	vlt.s32 v4, $0x40F  }
0x21f: {  	v4 =	vnsel vm11, $0x40F, v4;
	_ =	sdelay $0x1  }
0x220: {  	vm12 =	vlt.s32 v33, s1  }
0x221: {  	v3 =	vnsel vm12, $0x3E8, v3  }
0x222: {  	s30 =	sadd.s32 $0x270, s2;
	[tilespmem:$0x6D0] =	vst v3  }
0x223: {  	v3 =	vld.idx.msk [tilespmem:v4+s6+$0x0], $0xffff;
	v4 =	vadd.s32 s30, v0  }
0x224: {  	vm13 =	vlt.s32 v4, $0x40F  }
0x225: {  	v4 =	vnsel vm13, $0x40F, v4;
	_ =	sdelay $0x1  }
0x226: {  	vm14 =	vlt.s32 v34, s1  }
0x227: {  	v3 =	vnsel vm14, $0x3E8, v3  }
0x228: {  	[tilespmem:$0x6E0] =	vst v3  }
0x229: {  	v3 =	vld.idx.msk [tilespmem:v4+s6+$0x0], $0xffff;
	_ =	sdelay $0x3  }
0x22a: {  	vm15 =	vlt.s32 v35, s1  }
0x22b: {  	v3 =	vnsel vm15, $0x3E8, v3  }
0x22c: {  	[tilespmem:$0x6F0] =	vst v3  }
.LBB2_11:
0x22d: {  	p2 =	sge.s32 s13, s1  }
.Ltmp7:
0x22e: {  	_ = 	snop;
	(pc) =	sbr.rel @p2 .LBB2_13-.Ltmp7, $1  }
0x22f: {  	_ =	sdelay $0x3  }
0x230: {  	s3 =	sadd.s32 $0x280, s2  }
0x231: {  	v3 =	vadd.s32 s3, v0  }
0x232: {  	vm0 =	vlt.s32 v3, $0x40F  }
0x233: {  	v3 =	vnsel vm0, $0x40F, v3;
	_ =	sdelay $0x3  }
0x234: {  	s30 =	sadd.s32 $0x290, s2  }
0x235: {  	v4 =	vadd.s32 s30, v0;
	v3 =	vld.idx.msk [tilespmem:v3+s6+$0x0], $0xffff  }
0x236: {  	vm13 =	vlt.s32 v4, $0x40F  }
0x237: {  	v4 =	vnsel vm13, $0x40F, v4;
	_ =	sdelay $0x1  }
0x238: {  	vm14 =	vlt.s32 v62, s1  }
0x239: {  	v3 =	vnsel vm14, $0x3E8, v3  }
0x23a: {  	s28 =	sadd.s32 $0x2A0, s2;
	[tilespmem:$0x700] =	vst v3  }
0x23b: {  	v3 =	vld.idx.msk [tilespmem:v4+s6+$0x0], $0xffff;
	v4 =	vadd.s32 s28, v0  }
0x23c: {  	vm15 =	vlt.s32 v4, $0x40F  }
0x23d: {  	v4 =	vnsel vm15, $0x40F, v4;
	_ =	sdelay $0x1  }
0x23e: {  	vm4 =	vlt.s32 v36, s1  }
0x23f: {  	v3 =	vnsel vm4, $0x3E8, v3  }
0x240: {  	s30 =	sadd.s32 $0x2B0, s2;
	[tilespmem:$0x710] =	vst v3  }
0x241: {  	v3 =	vld.idx.msk [tilespmem:v4+s6+$0x0], $0xffff;
	v4 =	vadd.s32 s30, v0  }
0x242: {  	vm5 =	vlt.s32 v4, $0x40F  }
0x243: {  	v4 =	vnsel vm5, $0x40F, v4;
	_ =	sdelay $0x1  }
0x244: {  	vm6 =	vlt.s32 v37, s1  }
0x245: {  	v3 =	vnsel vm6, $0x3E8, v3  }
0x246: {  	s28 =	sadd.s32 $0x2C0, s2;
	[tilespmem:$0x720] =	vst v3  }
0x247: {  	v3 =	vld.idx.msk [tilespmem:v4+s6+$0x0], $0xffff;
	v4 =	vadd.s32 s28, v0  }
0x248: {  	vm7 =	vlt.s32 v4, $0x40F  }
0x249: {  	v4 =	vnsel vm7, $0x40F, v4;
	_ =	sdelay $0x1  }
0x24a: {  	vm8 =	vlt.s32 v38, s1  }
0x24b: {  	v3 =	vnsel vm8, $0x3E8, v3  }
0x24c: {  	s30 =	sadd.s32 $0x2D0, s2;
	[tilespmem:$0x730] =	vst v3  }
0x24d: {  	v3 =	vld.idx.msk [tilespmem:v4+s6+$0x0], $0xffff;
	v4 =	vadd.s32 s30, v0  }
0x24e: {  	vm9 =	vlt.s32 v4, $0x40F  }
0x24f: {  	v4 =	vnsel vm9, $0x40F, v4;
	_ =	sdelay $0x1  }
0x250: {  	vm10 =	vlt.s32 v39, s1  }
0x251: {  	v3 =	vnsel vm10, $0x3E8, v3  }
0x252: {  	s28 =	sadd.s32 $0x2E0, s2;
	[tilespmem:$0x740] =	vst v3  }
0x253: {  	v3 =	vld.idx.msk [tilespmem:v4+s6+$0x0], $0xffff;
	v4 =	vadd.s32 s28, v0  }
0x254: {  	vm11 =	vlt.s32 v4, $0x40F  }
0x255: {  	v4 =	vnsel vm11, $0x40F, v4;
	_ =	sdelay $0x1  }
0x256: {  	vm12 =	vlt.s32 v40, s1  }
0x257: {  	v3 =	vnsel vm12, $0x3E8, v3  }
0x258: {  	s30 =	sadd.s32 $0x2F0, s2;
	[tilespmem:$0x750] =	vst v3  }
0x259: {  	v3 =	vld.idx.msk [tilespmem:v4+s6+$0x0], $0xffff;
	v4 =	vadd.s32 s30, v0  }
0x25a: {  	vm13 =	vlt.s32 v4, $0x40F  }
0x25b: {  	v4 =	vnsel vm13, $0x40F, v4;
	_ =	sdelay $0x1  }
0x25c: {  	vm14 =	vlt.s32 v41, s1  }
0x25d: {  	v3 =	vnsel vm14, $0x3E8, v3  }
0x25e: {  	[tilespmem:$0x760] =	vst v3  }
0x25f: {  	v3 =	vld.idx.msk [tilespmem:v4+s6+$0x0], $0xffff;
	_ =	sdelay $0x3  }
0x260: {  	vm15 =	vlt.s32 v42, s1  }
0x261: {  	v3 =	vnsel vm15, $0x3E8, v3  }
0x262: {  	[tilespmem:$0x770] =	vst v3  }
.LBB2_13:
0x263: {  	p0 =	sge.s32 s14, s1  }
.Ltmp8:
0x264: {  	_ = 	snop;
	(pc) =	sbr.rel @p0 .LBB2_15-.Ltmp8, $4  }
0x265: {  	_ = 	snop  }
0x266: {  	s3 =	simm.s32 @!p1 $0x0  }
0x267: {  	s3 =	simm.s32 @p1 $0x1  }
0x268: {  	[smem:$0x7F9] =	sst s3  }
0x269: {  	s3 =	sadd.s32 $0x300, s2  }
0x26a: {  	v3 =	vadd.s32 s3, v0  }
0x26b: {  	vm0 =	vlt.s32 v3, $0x40F  }
0x26c: {  	v3 =	vnsel vm0, $0x40F, v3;
	_ =	sdelay $0x3  }
0x26d: {  	s30 =	sadd.s32 $0x310, s2  }
0x26e: {  	v4 =	vadd.s32 s30, v0;
	v3 =	vld.idx.msk [tilespmem:v3+s6+$0x0], $0xffff  }
0x26f: {  	vm13 =	vlt.s32 v4, $0x40F  }
0x270: {  	v4 =	vnsel vm13, $0x40F, v4;
	_ =	sdelay $0x1  }
0x271: {  	vm14 =	vlt.s32 v63, s1  }
0x272: {  	v3 =	vnsel vm14, $0x3E8, v3  }
0x273: {  	s28 =	sadd.s32 $0x320, s2;
	[tilespmem:$0x780] =	vst v3  }
0x274: {  	v3 =	vld.idx.msk [tilespmem:v4+s6+$0x0], $0xffff;
	v4 =	vadd.s32 s28, v0  }
0x275: {  	vm15 =	vlt.s32 v4, $0x40F  }
0x276: {  	v4 =	vnsel vm15, $0x40F, v4;
	_ =	sdelay $0x1  }
0x277: {  	vm4 =	vlt.s32 v43, s1  }
0x278: {  	v3 =	vnsel vm4, $0x3E8, v3  }
0x279: {  	s30 =	sadd.s32 $0x330, s2;
	[tilespmem:$0x790] =	vst v3  }
0x27a: {  	v3 =	vld.idx.msk [tilespmem:v4+s6+$0x0], $0xffff;
	v4 =	vadd.s32 s30, v0  }
0x27b: {  	vm5 =	vlt.s32 v4, $0x40F  }
0x27c: {  	v4 =	vnsel vm5, $0x40F, v4;
	_ =	sdelay $0x1  }
0x27d: {  	vm6 =	vlt.s32 v44, s1  }
0x27e: {  	v3 =	vnsel vm6, $0x3E8, v3  }
0x27f: {  	s28 =	sadd.s32 $0x340, s2;
	[tilespmem:$0x7A0] =	vst v3  }
0x280: {  	v3 =	vld.idx.msk [tilespmem:v4+s6+$0x0], $0xffff;
	v4 =	vadd.s32 s28, v0  }
0x281: {  	vm7 =	vlt.s32 v4, $0x40F  }
0x282: {  	v4 =	vnsel vm7, $0x40F, v4;
	_ =	sdelay $0x1  }
0x283: {  	vm8 =	vlt.s32 v45, s1  }
0x284: {  	v3 =	vnsel vm8, $0x3E8, v3  }
0x285: {  	s30 =	sadd.s32 $0x350, s2;
	[tilespmem:$0x7B0] =	vst v3  }
0x286: {  	v3 =	vld.idx.msk [tilespmem:v4+s6+$0x0], $0xffff;
	v4 =	vadd.s32 s30, v0  }
0x287: {  	vm9 =	vlt.s32 v4, $0x40F  }
0x288: {  	v4 =	vnsel vm9, $0x40F, v4;
	_ =	sdelay $0x1  }
0x289: {  	vm10 =	vlt.s32 v46, s1  }
0x28a: {  	v3 =	vnsel vm10, $0x3E8, v3  }
0x28b: {  	s28 =	sadd.s32 $0x360, s2;
	[tilespmem:$0x7C0] =	vst v3  }
0x28c: {  	v3 =	vld.idx.msk [tilespmem:v4+s6+$0x0], $0xffff;
	v4 =	vadd.s32 s28, v0  }
0x28d: {  	vm11 =	vlt.s32 v4, $0x40F  }
0x28e: {  	v4 =	vnsel vm11, $0x40F, v4;
	_ =	sdelay $0x1  }
0x28f: {  	vm12 =	vlt.s32 v47, s1  }
0x290: {  	v3 =	vnsel vm12, $0x3E8, v3  }
0x291: {  	s30 =	sadd.s32 $0x370, s2;
	[tilespmem:$0x7D0] =	vst v3  }
0x292: {  	v3 =	vld.idx.msk [tilespmem:v4+s6+$0x0], $0xffff;
	v4 =	vadd.s32 s30, v0  }
0x293: {  	vm13 =	vlt.s32 v4, $0x40F  }
0x294: {  	v4 =	vnsel vm13, $0x40F, v4;
	_ =	sdelay $0x1  }
0x295: {  	vm14 =	vlt.s32 v48, s1  }
0x296: {  	v3 =	vnsel vm14, $0x3E8, v3  }
0x297: {  	[tilespmem:$0x7E0] =	vst v3  }
0x298: {  	v3 =	vld.idx.msk [tilespmem:v4+s6+$0x0], $0xffff;
	_ =	sdelay $0x3  }
0x299: {  	vm15 =	vlt.s32 v49, s1  }
0x29a: {  	v3 =	vnsel vm15, $0x3E8, v3  }
0x29b: {  	[tilespmem:$0x7F0] =	vst v3  }
.LBB2_15:
0x29c: {  	p1 =	sge.s32 s15, s1  }
.Ltmp9:
0x29d: {  	_ = 	snop;
	(pc) =	sbr.rel @p1 .LBB2_17-.Ltmp9, $4  }
0x29e: {  	_ = 	snop  }
0x29f: {  	s3 =	simm.s32 @!p3 $0x0  }
0x2a0: {  	s3 =	simm.s32 @p3 $0x1  }
0x2a1: {  	[smem:$0x7F8] =	sst s3  }
0x2a2: {  	s3 =	sadd.s32 $0x380, s2  }
0x2a3: {  	v3 =	vadd.s32 s3, v0  }
0x2a4: {  	vm0 =	vlt.s32 v3, $0x40F  }
0x2a5: {  	v3 =	vnsel vm0, $0x40F, v3;
	_ =	sdelay $0x3  }
0x2a6: {  	s30 =	sadd.s32 $0x390, s2  }
0x2a7: {  	v4 =	vadd.s32 s30, v0;
	v3 =	vld.idx.msk [tilespmem:v3+s6+$0x0], $0xffff  }
0x2a8: {  	vm13 =	vlt.s32 v4, $0x40F  }
0x2a9: {  	v4 =	vnsel vm13, $0x40F, v4;
	_ =	sdelay $0x1  }
0x2aa: {  	vm14 =	vlt.s32 v1, s1  }
0x2ab: {  	v3 =	vnsel vm14, $0x3E8, v3  }
0x2ac: {  	s28 =	sadd.s32 $0x3A0, s2;
	[tilespmem:$0x800] =	vst v3  }
0x2ad: {  	v3 =	vld.idx.msk [tilespmem:v4+s6+$0x0], $0xffff;
	v4 =	vadd.s32 s28, v0  }
0x2ae: {  	vm15 =	vlt.s32 v4, $0x40F  }
0x2af: {  	v4 =	vnsel vm15, $0x40F, v4;
	_ =	sdelay $0x1  }
0x2b0: {  	vm4 =	vlt.s32 v50, s1  }
0x2b1: {  	v3 =	vnsel vm4, $0x3E8, v3  }
0x2b2: {  	s30 =	sadd.s32 $0x3B0, s2;
	[tilespmem:$0x810] =	vst v3  }
0x2b3: {  	v3 =	vld.idx.msk [tilespmem:v4+s6+$0x0], $0xffff;
	v4 =	vadd.s32 s30, v0  }
0x2b4: {  	vm5 =	vlt.s32 v4, $0x40F  }
0x2b5: {  	v4 =	vnsel vm5, $0x40F, v4;
	_ =	sdelay $0x1  }
0x2b6: {  	vm6 =	vlt.s32 v51, s1  }
0x2b7: {  	v3 =	vnsel vm6, $0x3E8, v3  }
0x2b8: {  	s28 =	sadd.s32 $0x3C0, s2;
	[tilespmem:$0x820] =	vst v3  }
0x2b9: {  	v3 =	vld.idx.msk [tilespmem:v4+s6+$0x0], $0xffff;
	v4 =	vadd.s32 s28, v0  }
0x2ba: {  	vm7 =	vlt.s32 v4, $0x40F  }
0x2bb: {  	v4 =	vnsel vm7, $0x40F, v4;
	_ =	sdelay $0x1  }
0x2bc: {  	vm8 =	vlt.s32 v52, s1  }
0x2bd: {  	v3 =	vnsel vm8, $0x3E8, v3  }
0x2be: {  	s30 =	sadd.s32 $0x3D0, s2;
	[tilespmem:$0x830] =	vst v3  }
0x2bf: {  	v3 =	vld.idx.msk [tilespmem:v4+s6+$0x0], $0xffff;
	v4 =	vadd.s32 s30, v0  }
0x2c0: {  	vm9 =	vlt.s32 v4, $0x40F  }
0x2c1: {  	v4 =	vnsel vm9, $0x40F, v4;
	_ =	sdelay $0x1  }
0x2c2: {  	vm10 =	vlt.s32 v53, s1  }
0x2c3: {  	v3 =	vnsel vm10, $0x3E8, v3  }
0x2c4: {  	s28 =	sadd.s32 $0x3E0, s2;
	[tilespmem:$0x840] =	vst v3  }
0x2c5: {  	v3 =	vld.idx.msk [tilespmem:v4+s6+$0x0], $0xffff;
	v4 =	vadd.s32 s28, v0  }
0x2c6: {  	vm11 =	vlt.s32 v4, $0x40F  }
0x2c7: {  	v4 =	vnsel vm11, $0x40F, v4;
	_ =	sdelay $0x1  }
0x2c8: {  	vm12 =	vlt.s32 v54, s1  }
0x2c9: {  	v3 =	vnsel vm12, $0x3E8, v3  }
0x2ca: {  	s30 =	sadd.s32 $0x3F0, s2;
	[tilespmem:$0x850] =	vst v3  }
0x2cb: {  	v3 =	vld.idx.msk [tilespmem:v4+s6+$0x0], $0xffff;
	v4 =	vadd.s32 s30, v0  }
0x2cc: {  	vm13 =	vlt.s32 v4, $0x40F  }
0x2cd: {  	v4 =	vnsel vm13, $0x40F, v4;
	_ =	sdelay $0x1  }
0x2ce: {  	vm14 =	vlt.s32 v55, s1  }
0x2cf: {  	v3 =	vnsel vm14, $0x3E8, v3  }
0x2d0: {  	[tilespmem:$0x860] =	vst v3  }
0x2d1: {  	v3 =	vld.idx.msk [tilespmem:v4+s6+$0x0], $0xffff;
	_ =	sdelay $0x3  }
0x2d2: {  	vm15 =	vlt.s32 v56, s1  }
0x2d3: {  	v3 =	vnsel vm15, $0x3E8, v3  }
0x2d4: {  	[tilespmem:$0x870] =	vst v3  }
.LBB2_17:
0x2d5: {  	p3 =	slt.s32 s7, s1;
	s2 =	simm.s32 $0x1  }
0x2d6: {  	s2 =	simm.s32 @!p3 $0x4  }
0x2d7: {  	_ =	swait.ge [sflag:s2], $0x4000  }
0x2d8: {  	s30 =	sld [smem:$0x7F9];
	_ =	sdelay $0x2  }
0x2d9: {  	s28 =	sld [smem:$0x7F8];
	p3 =	seq.s32 s30, $0x1  }
.Ltmp10:
0x2da: {  	_ = 	snop;
	(pc) =	sbr.rel @!p3 .LBB2_18-.Ltmp10, $4  }
0x2db: {  	[sflag:s2] =	ssyncset.done $0x0  }
0x2dc: {  	[sflag:s2] =	ssyncadd.s32 $0xFFFFC000;
	p4 =	seq.s32 s28, $0x1  }
0x2dd: {  	s2 =	simm.s32 @!p4 $0x80;
	s3 =	simm.s32 @!p4 $0x500;
	s28 =	simm.s32 @!p4 $0x4880  }
0x2de: {  	[tilespmem:s28], [sflag:$0x2] =	stream.indirect.gather @!p4 [spmem:s5], $0x80, s3, s2, $0xb8;
	[tilespmem:$0xE980] =	vst v63  }
.Ltmp11:
0x2df: {  	(pc) =	sbr.rel @p4 .LBB2_21-.Ltmp11, $4  }
.Ltmp12:
0x2e0: {  	(pc) =	sbr.rel @!p4 .LBB2_20-.Ltmp12, $4  }
0x2e1: {  	_ = 	snop  }
0x2e2: {  	[hbm4b:s16+s6] =	stream.linear.scatter [tilespmem:s4], [sflag:$0x3], $0x4000, $0x38;
	[tilespmem:$0xE980] =	vst v63  }
0x2e3: {  	p3 =	por $0x1, $0x1;
	s2 =	simm.s32 $0x2  }
0x2e4: {  	_ = 	snop  }
.LBB2_22:
0x2e5: {  	_ =	sfence.sel $0x180000  }
0x2e6: {  	[bflag:$0x0] =	sbarrier.arrive $0xFFFF  }
0x2e7: {  	_ =	strace $0x90000047  }
0x2e8: {  	[bflag:$0x2] =	sbarrier.arrive $0xFFFF  }
0x2e9: {  	s0 =	rddreg [dreg:$0x6]  }
0x2ea: {  	s0 =	sadd.s32 @!p2 $0x100000, s0  }
0x2eb: {  	[sflag:s0] =	ssyncadd.tile.s32 @!p2 $0x1;
	_ =	shalt  }
.Lfunc_end2:
_tile_overlayer_lowered:
.L_overlay_start_2:
0x2ec: {  	(tag) =	ssettag $0x2  }
0x2ed: {  	s0 =	rddreg [dreg:$0x0];
	s2 =	stileid.u32  }
0x2ee: {  	s1 =	rddreg [dreg:$0x1];
	p0 =	sne.s32 s2, $0x0  }
0x2ef: {  	s3 =	rddreg [dreg:$0x2];
	[bflag:$0x3] =	sbarrier.arrive $0xFFFF;
	s2 =	simm.s32 @!p0 $0x1C06  }
0x2f0: {  	[timem:s3], [sflag:s2] =	dma.local @!p0 [hbm:s0], s1  }
0x2f1: {  	s0 =	simm.s32 @!p0 $0x6  }
0x2f2: {  	_ =	swait.ge @!p0 [sflag:s0], s1  }
0x2f3: {  	s1 =	ssub.s32 @!p0 $0x0, s1;
	[sflag:s0] =	ssyncset.done @!p0 $0x0  }
0x2f4: {  	[sflag:s0] =	ssyncadd.s32 @!p0 s1  }
0x2f5: {  	[bflag:$0x3] =	sbarrier.arrive $0xFFFF  }
0x2f6: {  	_ =	shalt  }

</sc_bundles>
